<compile_context>
chip_gen: v7x
topology: tpu7x:2x2x1
jax: 0.10.2.dev20260603
libtpu: 0.0.44.dev20260713+nightly
codegen_flags: <defaults>
</compile_context>

<pallas_src>
import functools

import jax
import jax.numpy as jnp
from jax import lax
from jax.experimental import pallas as pl
from jax.experimental.pallas import tpu as pltpu
from jax.experimental.pallas import tpu_sc as plsc

N = 10000
E = 320000
D = 128

NP = 10240
NW = 32
CH = 128
EW = 10240
NCH = EW // CH
CPB = 16
NBLK = NCH // CPB
ROWS_PER_SUB = NP // 16
BLK = 2000


def _sc_segment_sum(xw, srcs, dsts, zrows):
  mesh = plsc.VectorSubcoreMesh(core_axis_name="c", subcore_axis_name="s")

  @functools.partial(
      pl.kernel,
      mesh=mesh,
      out_type=[
          jax.ShapeDtypeStruct((NP, D), jnp.float32),
          jax.ShapeDtypeStruct((NP, D), jnp.float32),
      ],
      scratch_types=[
          pltpu.VMEM((CPB, CH), jnp.int32),
          pltpu.VMEM((CPB, CH), jnp.int32),
          pltpu.VMEM((CH, D), jnp.float32),
          pltpu.VMEM((CH, D), jnp.float32),
          pltpu.VMEM_SHARED((NP, D), jnp.float32),
          pltpu.SemaphoreType.DMA,
          pltpu.SemaphoreType.DMA,
          pltpu.SemaphoreType.DMA,
          pltpu.SemaphoreType.DMA,
      ],
  )
  def seg_sum(xw_hbm, srcs_hbm, dsts_hbm, zrows_hbm, out0_hbm, out1_hbm,
              src_v, dst_v, rows_a, rows_b, acc_sh,
              gsem_a, gsem_b, ssem_a, ssem_b):
    cid = lax.axis_index("c")
    sid = lax.axis_index("s")
    wid = cid * 16 + sid
    bufs = (rows_a, rows_b)
    gsems = (gsem_a, gsem_b)
    ssems = (ssem_a, ssem_b)

    with jax.named_scope("acc_zero"):
      pltpu.sync_copy(zrows_hbm, rows_a)
      def zero_acc(j, carry):
        pltpu.sync_copy(rows_a, acc_sh.at[pl.ds(sid * ROWS_PER_SUB + j * CH, CH)])
        return carry
      lax.fori_loop(0, ROWS_PER_SUB // CH, zero_acc, 0)
      plsc.subcore_barrier()

    with jax.named_scope("edge_loop"):
      def block(b, carry):
        pltpu.sync_copy(srcs_hbm.at[wid, pl.ds(b * CPB, CPB)], src_v)
        pltpu.sync_copy(dsts_hbm.at[wid, pl.ds(b * CPB, CPB)], dst_v)

        gd = {}
        sd = {}
        for c in range(CPB):
          if c >= 2:
            sd[c - 2].wait()
          gd[c] = pltpu.async_copy(
              xw_hbm.at[src_v.at[c]], bufs[c % 2], gsems[c % 2])
          if c >= 1:
            gd[c - 1].wait()
            sd[c - 1] = pltpu.async_copy(
                bufs[(c - 1) % 2], acc_sh.at[dst_v.at[c - 1]],
                ssems[(c - 1) % 2], add=True)
        gd[CPB - 1].wait()
        sd[CPB - 1] = pltpu.async_copy(
            bufs[(CPB - 1) % 2], acc_sh.at[dst_v.at[CPB - 1]],
            ssems[(CPB - 1) % 2], add=True)
        sd[CPB - 2].wait()
        sd[CPB - 1].wait()
        return carry
      lax.fori_loop(0, NBLK, block, 0)
      plsc.subcore_barrier()

    with jax.named_scope("writeout"):
      @pl.when(cid == 0)
      def _():
        pltpu.sync_copy(
            acc_sh.at[pl.ds(sid * ROWS_PER_SUB, ROWS_PER_SUB)],
            out0_hbm.at[pl.ds(sid * ROWS_PER_SUB, ROWS_PER_SUB)])
      @pl.when(cid == 1)
      def _():
        pltpu.sync_copy(
            acc_sh.at[pl.ds(sid * ROWS_PER_SUB, ROWS_PER_SUB)],
            out1_hbm.at[pl.ds(sid * ROWS_PER_SUB, ROWS_PER_SUB)])

  return seg_sum(xw, srcs, dsts, zrows)


def _mm_bias_kernel(x_ref, w_ref, b_ref, o_ref):
  o_ref[...] = (
      jnp.dot(x_ref[...], w_ref[...], preferred_element_type=jnp.float32)
      + b_ref[...])


def _mm_bias(x, w, b):
  grid = N // BLK
  k = w.shape[1]
  return pl.pallas_call(
      _mm_bias_kernel,
      grid=(grid,),
      in_specs=[
          pl.BlockSpec((BLK, D), lambda i: (i, 0)),
          pl.BlockSpec((D, k), lambda i: (0, 0)),
          pl.BlockSpec((1, k), lambda i: (0, 0)),
      ],
      out_specs=pl.BlockSpec((BLK, k), lambda i: (i, 0)),
      out_shape=jax.ShapeDtypeStruct((N, k), jnp.float32),
  )(x, w, b.reshape(1, k))


def _gru_kernel(do_next, m0_ref, m1_ref, x_ref, wih_ref, whh_ref, bih_ref,
                bhh_ref, wn_ref, bn_ref, h_ref, xwn_ref):
  m = m0_ref[...] + m1_ref[...]
  x = x_ref[...]
  gi = jnp.dot(m, wih_ref[...], preferred_element_type=jnp.float32) + bih_ref[...]
  gh = jnp.dot(x, whh_ref[...], preferred_element_type=jnp.float32) + bhh_ref[...]
  r = jax.nn.sigmoid(gi[:, :D] + gh[:, :D])
  z = jax.nn.sigmoid(gi[:, D:2 * D] + gh[:, D:2 * D])
  n = jnp.tanh(gi[:, 2 * D:] + r * gh[:, 2 * D:])
  h = jax.nn.relu((1.0 - z) * n + z * x)
  h_ref[...] = h
  if do_next:
    xwn_ref[...] = (
        jnp.dot(h, wn_ref[...], preferred_element_type=jnp.float32)
        + bn_ref[...])


def _gru(m0, m1, x, wih, whh, bih, bhh, wn=None, bn=None):
  do_next = wn is not None
  if wn is None:
    wn = jnp.zeros((D, D), jnp.float32)
    bn = jnp.zeros((D,), jnp.float32)
  grid = N // BLK
  full = lambda r, c: pl.BlockSpec((r, c), lambda i: (0, 0))
  row = lambda c: pl.BlockSpec((BLK, c), lambda i: (i, 0))
  h, xwn = pl.pallas_call(
      functools.partial(_gru_kernel, do_next),
      grid=(grid,),
      in_specs=[
          row(D), row(D), row(D),
          full(D, 3 * D), full(D, 3 * D), full(1, 3 * D), full(1, 3 * D),
          full(D, D), full(1, D),
      ],
      out_specs=[row(D), row(D)],
      out_shape=[
          jax.ShapeDtypeStruct((N, D), jnp.float32),
          jax.ShapeDtypeStruct((N, D), jnp.float32),
      ],
  )(m0, m1, x, wih, whh, bih.reshape(1, -1), bhh.reshape(1, -1), wn,
    bn.reshape(1, -1))
  return (h, xwn) if do_next else (h, None)


def kernel(x, edge_index, W1, b1, Wih1, Whh1, bih1, bhh1,
           W2, b2, Wih2, Whh2, bih2, bhh2):
  src = edge_index[0]
  dst = edge_index[1]
  npad = NW * EW - E
  pad_iota = jnp.arange(npad, dtype=jnp.int32)
  src_p = jnp.concatenate([src, pad_iota % N])
  dst_p = jnp.concatenate([dst, N + pad_iota % (NP - N)])
  srcs = src_p.reshape(NW, NCH, CH)
  dsts = dst_p.reshape(NW, NCH, CH)
  zrows = jnp.zeros((CH, D), jnp.float32)

  xw1 = _mm_bias(x, W1, b1)
  p1a, p1b = _sc_segment_sum(xw1, srcs, dsts, zrows)
  h1, xw2 = _gru(p1a, p1b, x, Wih1, Whh1, bih1, bhh1, W2, b2)

  p2a, p2b = _sc_segment_sum(xw2, srcs, dsts, zrows)
  h2, _ = _gru(p2a, p2b, h1, Wih2, Whh2, bih2, bhh2)

  return h2

# --- scband reference (transcript-rebuilt; emitter-appended) ---
"""Pipeline reference for scband-l2-gated-graph-conv-84859963834415 (READ-ONLY COPY).

The authoritative reference and input builder live on the scoring server;
editing this copy changes nothing except your own understanding.
"""

import jax, jax.numpy as jnp
import numpy as np

N = 10000
E = 320000
D = 128


def setup_inputs(seed: int = 0) -> dict:
    key = jax.random.key(seed)
    ks = jax.random.split(key, 16)
    inp = {}
    inp["x"] = jax.random.normal(ks[0], (N, D), dtype=jnp.float32)
    inp["edge_index"] = jax.random.randint(ks[1], (2, E), 0, N, dtype=jnp.int32)
    s = 0.05
    # conv1 params: message linear + GRUCell (gates ordered r, z, n like torch)
    inp["W1"] = s * jax.random.normal(ks[2], (D, D), dtype=jnp.float32)
    inp["b1"] = jnp.zeros((D,), dtype=jnp.float32)
    inp["Wih1"] = s * jax.random.normal(ks[3], (D, 3 * D), dtype=jnp.float32)
    inp["Whh1"] = s * jax.random.normal(ks[4], (D, 3 * D), dtype=jnp.float32)
    inp["bih1"] = jnp.zeros((3 * D,), dtype=jnp.float32)
    inp["bhh1"] = jnp.zeros((3 * D,), dtype=jnp.float32)
    # conv2 params
    inp["W2"] = s * jax.random.normal(ks[5], (D, D), dtype=jnp.float32)
    inp["b2"] = jnp.zeros((D,), dtype=jnp.float32)
    inp["Wih2"] = s * jax.random.normal(ks[6], (D, 3 * D), dtype=jnp.float32)
    inp["Whh2"] = s * jax.random.normal(ks[7], (D, 3 * D), dtype=jnp.float32)
    inp["bih2"] = jnp.zeros((3 * D,), dtype=jnp.float32)
    inp["bhh2"] = jnp.zeros((3 * D,), dtype=jnp.float32)
    return inp


def _gru_cell(m, h, Wih, Whh, bih, bhh):
    gi = m @ Wih + bih
    gh = h @ Whh + bhh
    i_r, i_z, i_n = jnp.split(gi, 3, axis=1)
    h_r, h_z, h_n = jnp.split(gh, 3, axis=1)
    r = jax.nn.sigmoid(i_r + h_r)
    z = jax.nn.sigmoid(i_z + h_z)
    n = jnp.tanh(i_n + r * h_n)
    return (1.0 - z) * n + z * h


def _gated_graph_conv(x, edge_index, W, b, Wih, Whh, bih, bhh):
    src = edge_index[0]
    dst = edge_index[1]
    xw = x @ W + b
    msg = jnp.take(xw, src, axis=0)                      # gather (SparseCore)
    m = jax.ops.segment_sum(msg, dst, num_segments=N)    # scatter-add (SparseCore)
    return _gru_cell(m, x, Wih, Whh, bih, bhh)


def reference(x, edge_index, W1, b1, Wih1, Whh1, bih1, bhh1, W2, b2, Wih2, Whh2, bih2, bhh2):
    h = jax.nn.relu(_gated_graph_conv(x, edge_index, W1, b1, Wih1, Whh1, bih1, bhh1))
    # dropout(p=0.1) is identity in eval mode
    h = jax.nn.relu(_gated_graph_conv(h, edge_index, W2, b2, Wih2, Whh2, bih2, bhh2))
    return h

if __name__ == "__main__":
    import jax
    _d = setup_inputs()
    print(jax.jit(kernel)(*tuple(_d.values())))

</pallas_src>

<mosaic_0001>
#map = affine_map<(d0, d1) -> (0, 0)>
#map1 = affine_map<(d0, d1) -> (0, 0, 0)>
module attributes {stable_mosaic.version = 14 : i64} {
  func.func @seg_sum(%arg0: i32, %arg1: i32, %arg2: memref<10000x128xf32, #tpu.memory_space<hbm>>, %arg3: memref<32x80x128xi32, #tpu.memory_space<hbm>>, %arg4: memref<32x80x128xi32, #tpu.memory_space<hbm>>, %arg5: memref<128x128xf32, #tpu.memory_space<hbm>>, %arg6: memref<10240x128xf32, #tpu.memory_space<hbm>>, %arg7: memref<10240x128xf32, #tpu.memory_space<hbm>>, %arg8: memref<16x128xi32, #tpu.memory_space<vmem>>, %arg9: memref<16x128xi32, #tpu.memory_space<vmem>>, %arg10: memref<128x128xf32, #tpu.memory_space<vmem>>, %arg11: memref<128x128xf32, #tpu.memory_space<vmem>>, %arg12: memref<10240x128xf32, #tpu.memory_space<vmem_shared>>, %arg13: memref<!tpu.dma_semaphore, #tpu.memory_space<semaphore_mem>>, %arg14: memref<!tpu.dma_semaphore, #tpu.memory_space<semaphore_mem>>, %arg15: memref<!tpu.dma_semaphore, #tpu.memory_space<semaphore_mem>>, %arg16: memref<!tpu.dma_semaphore, #tpu.memory_space<semaphore_mem>>) attributes {dimension_semantics = [#tpu.dimension_semantics<core_parallel>, #tpu.dimension_semantics<subcore_parallel>], iteration_bounds = array<i64: 2, 16>, scalar_prefetch = 0 : i64, scratch_operands = 9 : i64, tpu.core_type = #tpu.core_type<sc_vector_subcore>, window_params = [{transform_indices = #map}, {transform_indices = #map1}, {transform_indices = #map1}, {transform_indices = #map}, {transform_indices = #map}, {transform_indices = #map}]} {
    %mul3A = arith.constant 16 : i32
    %mul3A_0 = arith.muli %arg0, %mul3A : i32
    %add3A = arith.addi %mul3A_0, %arg1 : i32
    "tpu.trace_start"() <{level = 10 : i32, message = "acc_zero"}> : () -> ()
    "tpu.region"() ({
      %run_scoped3A = tpu.sem_alloc : memref<!tpu.dma_semaphore, #tpu.memory_space<semaphore_mem>>
      tpu.enqueue_dma source(%arg5 : memref<128x128xf32, #tpu.memory_space<hbm>>) target(%arg10 : memref<128x128xf32, #tpu.memory_space<vmem>>) target_semaphore(%run_scoped3A : memref<!tpu.dma_semaphore, #tpu.memory_space<semaphore_mem>>)
      tpu.wait_dma2 semaphore(%run_scoped3A : memref<!tpu.dma_semaphore, #tpu.memory_space<semaphore_mem>>) src(%arg5 : memref<128x128xf32, #tpu.memory_space<hbm>>) dst(%arg10 : memref<128x128xf32, #tpu.memory_space<vmem>>)
      tpu.yield
    }) : () -> ()
    %scan3A = arith.constant 0 : i32
    %scan3A_1 = arith.constant 0 : i32
    %scan3A_2 = arith.constant 5 : i32
    %scan3A_3 = arith.addi %scan3A_1, %scan3A_2 : i32
    %scan3A_4 = arith.constant 1 : i32
    scf.for %scan3A_20 = %scan3A_1 to %scan3A_3 step %scan3A_4  : i32 {
      %mul3A_21 = arith.constant 640 : i32
      %mul3A_22 = arith.muli %arg1, %mul3A_21 : i32
      %mul3A_23 = arith.constant 128 : i32
      %mul3A_24 = arith.muli %scan3A_20, %mul3A_23 : i32
      %add3A_25 = arith.addi %mul3A_22, %mul3A_24 : i32
      "tpu.region"() ({
        %run_scoped3A = tpu.sem_alloc : memref<!tpu.dma_semaphore, #tpu.memory_space<semaphore_mem>>
        %dma_start3A = arith.constant 0 : i32
        %dma_start3A_26 = tpu.memref_slice %arg12[%add3A_25, %dma_start3A] : memref<10240x128xf32, #tpu.memory_space<vmem_shared>> -> memref<128x128xf32, #tpu.memory_space<vmem_shared>>
        %dma_start3A_27 = arith.constant 0 : i32
        %dma_start3A_28 = tpu.memref_slice %arg12[%add3A_25, %dma_start3A_27] : memref<10240x128xf32, #tpu.memory_space<vmem_shared>> -> memref<128x128xf32, #tpu.memory_space<vmem_shared>>
        tpu.enqueue_dma source(%arg10 : memref<128x128xf32, #tpu.memory_space<vmem>>) target(%dma_start3A_28 : memref<128x128xf32, #tpu.memory_space<vmem_shared>>) target_semaphore(%run_scoped3A : memref<!tpu.dma_semaphore, #tpu.memory_space<semaphore_mem>>)
        %dma_wait3A = arith.constant 0 : i32
        %dma_wait3A_29 = tpu.memref_slice %arg12[%add3A_25, %dma_wait3A] : memref<10240x128xf32, #tpu.memory_space<vmem_shared>> -> memref<128x128xf32, #tpu.memory_space<vmem_shared>>
        %dma_wait3A_30 = arith.constant 0 : i32
        %dma_wait3A_31 = tpu.memref_slice %arg12[%add3A_25, %dma_wait3A_30] : memref<10240x128xf32, #tpu.memory_space<vmem_shared>> -> memref<128x128xf32, #tpu.memory_space<vmem_shared>>
        tpu.wait_dma2 semaphore(%run_scoped3A : memref<!tpu.dma_semaphore, #tpu.memory_space<semaphore_mem>>) src(%arg10 : memref<128x128xf32, #tpu.memory_space<vmem>>) dst(%dma_wait3A_31 : memref<128x128xf32, #tpu.memory_space<vmem_shared>>)
        tpu.yield
      }) : () -> ()
    }
    %scan3A_5 = arith.constant 5 : i32
    %barrier3A = arith.constant 0 : index
    tpu.barrier barrier_id(%barrier3A)
    "tpu.trace_stop"() : () -> ()
    "tpu.trace_start"() <{level = 10 : i32, message = "edge_loop"}> : () -> ()
    %scan3A_6 = arith.constant 0 : i32
    %scan3A_7 = arith.constant 0 : i32
    %scan3A_8 = arith.constant 5 : i32
    %scan3A_9 = arith.addi %scan3A_7, %scan3A_8 : i32
    %scan3A_10 = arith.constant 1 : i32
    scf.for %scan3A_20 = %scan3A_7 to %scan3A_9 step %scan3A_10  : i32 {
      %mul3A_21 = arith.constant 16 : i32
      %mul3A_22 = arith.muli %scan3A_20, %mul3A_21 : i32
      "tpu.region"() ({
        %run_scoped3A = tpu.sem_alloc : memref<!tpu.dma_semaphore, #tpu.memory_space<semaphore_mem>>
        %dma_start3A_471 = arith.constant 0 : i32
        %dma_start3A_472 = tpu.memref_slice %arg3[%add3A, %mul3A_22, %dma_start3A_471] : memref<32x80x128xi32, #tpu.memory_space<hbm>> -> memref<1x16x128xi32, #tpu.memory_space<hbm>>
        %dma_start3A_473 = tpu.memref_squeeze %dma_start3A_472 : memref<1x16x128xi32, #tpu.memory_space<hbm>> -> memref<16x128xi32, #tpu.memory_space<hbm>>
        %dma_start3A_474 = arith.constant 0 : i32
        %dma_start3A_475 = tpu.memref_slice %arg3[%add3A, %mul3A_22, %dma_start3A_474] : memref<32x80x128xi32, #tpu.memory_space<hbm>> -> memref<1x16x128xi32, #tpu.memory_space<hbm>>
        %dma_start3A_476 = tpu.memref_squeeze %dma_start3A_475 : memref<1x16x128xi32, #tpu.memory_space<hbm>> -> memref<16x128xi32, #tpu.memory_space<hbm>>
        tpu.enqueue_dma source(%dma_start3A_476 : memref<16x128xi32, #tpu.memory_space<hbm>>) target(%arg8 : memref<16x128xi32, #tpu.memory_space<vmem>>) target_semaphore(%run_scoped3A : memref<!tpu.dma_semaphore, #tpu.memory_space<semaphore_mem>>)
        %dma_wait3A_477 = arith.constant 0 : i32
        %dma_wait3A_478 = tpu.memref_slice %arg3[%add3A, %mul3A_22, %dma_wait3A_477] : memref<32x80x128xi32, #tpu.memory_space<hbm>> -> memref<1x16x128xi32, #tpu.memory_space<hbm>>
        %dma_wait3A_479 = tpu.memref_squeeze %dma_wait3A_478 : memref<1x16x128xi32, #tpu.memory_space<hbm>> -> memref<16x128xi32, #tpu.memory_space<hbm>>
        %dma_wait3A_480 = arith.constant 0 : i32
        %dma_wait3A_481 = tpu.memref_slice %arg3[%add3A, %mul3A_22, %dma_wait3A_480] : memref<32x80x128xi32, #tpu.memory_space<hbm>> -> memref<1x16x128xi32, #tpu.memory_space<hbm>>
        %dma_wait3A_482 = tpu.memref_squeeze %dma_wait3A_481 : memref<1x16x128xi32, #tpu.memory_space<hbm>> -> memref<16x128xi32, #tpu.memory_space<hbm>>
        tpu.wait_dma2 semaphore(%run_scoped3A : memref<!tpu.dma_semaphore, #tpu.memory_space<semaphore_mem>>) src(%dma_wait3A_482 : memref<16x128xi32, #tpu.memory_space<hbm>>) dst(%arg8 : memref<16x128xi32, #tpu.memory_space<vmem>>)
        tpu.yield
      }) : () -> ()
      %mul3A_23 = arith.constant 16 : i32
      %mul3A_24 = arith.muli %scan3A_20, %mul3A_23 : i32
      "tpu.region"() ({
        %run_scoped3A = tpu.sem_alloc : memref<!tpu.dma_semaphore, #tpu.memory_space<semaphore_mem>>
        %dma_start3A_471 = arith.constant 0 : i32
        %dma_start3A_472 = tpu.memref_slice %arg4[%add3A, %mul3A_24, %dma_start3A_471] : memref<32x80x128xi32, #tpu.memory_space<hbm>> -> memref<1x16x128xi32, #tpu.memory_space<hbm>>
        %dma_start3A_473 = tpu.memref_squeeze %dma_start3A_472 : memref<1x16x128xi32, #tpu.memory_space<hbm>> -> memref<16x128xi32, #tpu.memory_space<hbm>>
        %dma_start3A_474 = arith.constant 0 : i32
        %dma_start3A_475 = tpu.memref_slice %arg4[%add3A, %mul3A_24, %dma_start3A_474] : memref<32x80x128xi32, #tpu.memory_space<hbm>> -> memref<1x16x128xi32, #tpu.memory_space<hbm>>
        %dma_start3A_476 = tpu.memref_squeeze %dma_start3A_475 : memref<1x16x128xi32, #tpu.memory_space<hbm>> -> memref<16x128xi32, #tpu.memory_space<hbm>>
        tpu.enqueue_dma source(%dma_start3A_476 : memref<16x128xi32, #tpu.memory_space<hbm>>) target(%arg9 : memref<16x128xi32, #tpu.memory_space<vmem>>) target_semaphore(%run_scoped3A : memref<!tpu.dma_semaphore, #tpu.memory_space<semaphore_mem>>)
        %dma_wait3A_477 = arith.constant 0 : i32
        %dma_wait3A_478 = tpu.memref_slice %arg4[%add3A, %mul3A_24, %dma_wait3A_477] : memref<32x80x128xi32, #tpu.memory_space<hbm>> -> memref<1x16x128xi32, #tpu.memory_space<hbm>>
        %dma_wait3A_479 = tpu.memref_squeeze %dma_wait3A_478 : memref<1x16x128xi32, #tpu.memory_space<hbm>> -> memref<16x128xi32, #tpu.memory_space<hbm>>
        %dma_wait3A_480 = arith.constant 0 : i32
        %dma_wait3A_481 = tpu.memref_slice %arg4[%add3A, %mul3A_24, %dma_wait3A_480] : memref<32x80x128xi32, #tpu.memory_space<hbm>> -> memref<1x16x128xi32, #tpu.memory_space<hbm>>
        %dma_wait3A_482 = tpu.memref_squeeze %dma_wait3A_481 : memref<1x16x128xi32, #tpu.memory_space<hbm>> -> memref<16x128xi32, #tpu.memory_space<hbm>>
        tpu.wait_dma2 semaphore(%run_scoped3A : memref<!tpu.dma_semaphore, #tpu.memory_space<semaphore_mem>>) src(%dma_wait3A_482 : memref<16x128xi32, #tpu.memory_space<hbm>>) dst(%arg9 : memref<16x128xi32, #tpu.memory_space<vmem>>)
        tpu.yield
      }) : () -> ()
      %dma_start3A = arith.constant 0 : i32
      %dma_start3A_25 = arith.constant 0 : i32
      %dma_start3A_26 = tpu.memref_slice %arg8[%dma_start3A, %dma_start3A_25] : memref<16x128xi32, #tpu.memory_space<vmem>> -> memref<1x128xi32, #tpu.memory_space<vmem>>
      %dma_start3A_27 = tpu.memref_squeeze %dma_start3A_26 : memref<1x128xi32, #tpu.memory_space<vmem>> -> memref<128xi32, #tpu.memory_space<vmem>>
      %dma_start3A_28 = arith.constant 0 : i32
      %dma_start3A_29 = arith.constant 0 : i32
      %dma_start3A_30 = tpu.memref_slice %arg2[%dma_start3A_28, %dma_start3A_29] : memref<10000x128xf32, #tpu.memory_space<hbm>> -> memref<10000x128xf32, #tpu.memory_space<hbm>>
      tpu.enqueue_indirect_dma source(%dma_start3A_30 : memref<10000x128xf32, #tpu.memory_space<hbm>>) target(%arg10 : memref<128x128xf32, #tpu.memory_space<vmem>>) offsets(%dma_start3A_27 : memref<128xi32, #tpu.memory_space<vmem>>) semaphore(%arg13 : memref<!tpu.dma_semaphore, #tpu.memory_space<semaphore_mem>>)
      %dma_start3A_31 = arith.constant 1 : i32
      %dma_start3A_32 = arith.constant 0 : i32
      %dma_start3A_33 = tpu.memref_slice %arg8[%dma_start3A_31, %dma_start3A_32] : memref<16x128xi32, #tpu.memory_space<vmem>> -> memref<1x128xi32, #tpu.memory_space<vmem>>
      %dma_start3A_34 = tpu.memref_squeeze %dma_start3A_33 : memref<1x128xi32, #tpu.memory_space<vmem>> -> memref<128xi32, #tpu.memory_space<vmem>>
      %dma_start3A_35 = arith.constant 0 : i32
      %dma_start3A_36 = arith.constant 0 : i32
      %dma_start3A_37 = tpu.memref_slice %arg2[%dma_start3A_35, %dma_start3A_36] : memref<10000x128xf32, #tpu.memory_space<hbm>> -> memref<10000x128xf32, #tpu.memory_space<hbm>>
      tpu.enqueue_indirect_dma source(%dma_start3A_37 : memref<10000x128xf32, #tpu.memory_space<hbm>>) target(%arg11 : memref<128x128xf32, #tpu.memory_space<vmem>>) offsets(%dma_start3A_34 : memref<128xi32, #tpu.memory_space<vmem>>) semaphore(%arg14 : memref<!tpu.dma_semaphore, #tpu.memory_space<semaphore_mem>>)
      %dma_wait3A = arith.constant 0 : i32
      %dma_wait3A_38 = arith.constant 0 : i32
      %dma_wait3A_39 = tpu.memref_slice %arg8[%dma_wait3A, %dma_wait3A_38] : memref<16x128xi32, #tpu.memory_space<vmem>> -> memref<1x128xi32, #tpu.memory_space<vmem>>
      %dma_wait3A_40 = tpu.memref_squeeze %dma_wait3A_39 : memref<1x128xi32, #tpu.memory_space<vmem>> -> memref<128xi32, #tpu.memory_space<vmem>>
      %dma_wait3A_41 = arith.constant 0 : i32
      %dma_wait3A_42 = arith.constant 0 : i32
      %dma_wait3A_43 = tpu.memref_slice %arg2[%dma_wait3A_41, %dma_wait3A_42] : memref<10000x128xf32, #tpu.memory_space<hbm>> -> memref<10000x128xf32, #tpu.memory_space<hbm>>
      tpu.wait_indirect_dma semaphore(%arg13 : memref<!tpu.dma_semaphore, #tpu.memory_space<semaphore_mem>>) src(%dma_wait3A_43 : memref<10000x128xf32, #tpu.memory_space<hbm>>) dst(%arg10 : memref<128x128xf32, #tpu.memory_space<vmem>>)
      %dma_start3A_44 = arith.constant 0 : i32
      %dma_start3A_45 = arith.constant 0 : i32
      %dma_start3A_46 = tpu.memref_slice %arg9[%dma_start3A_44, %dma_start3A_45] : memref<16x128xi32, #tpu.memory_space<vmem>> -> memref<1x128xi32, #tpu.memory_space<vmem>>
      %dma_start3A_47 = tpu.memref_squeeze %dma_start3A_46 : memref<1x128xi32, #tpu.memory_space<vmem>> -> memref<128xi32, #tpu.memory_space<vmem>>
      %dma_start3A_48 = arith.constant 0 : i32
      %dma_start3A_49 = arith.constant 0 : i32
      %dma_start3A_50 = tpu.memref_slice %arg12[%dma_start3A_48, %dma_start3A_49] : memref<10240x128xf32, #tpu.memory_space<vmem_shared>> -> memref<10240x128xf32, #tpu.memory_space<vmem_shared>>
      tpu.enqueue_indirect_dma source(%arg10 : memref<128x128xf32, #tpu.memory_space<vmem>>) target(%dma_start3A_50 : memref<10240x128xf32, #tpu.memory_space<vmem_shared>>) offsets(%dma_start3A_47 : memref<128xi32, #tpu.memory_space<vmem>>) semaphore(%arg15 : memref<!tpu.dma_semaphore, #tpu.memory_space<semaphore_mem>>) {add = true}
      %dma_wait3A_51 = arith.constant 0 : i32
      %dma_wait3A_52 = arith.constant 0 : i32
      %dma_wait3A_53 = tpu.memref_slice %arg9[%dma_wait3A_51, %dma_wait3A_52] : memref<16x128xi32, #tpu.memory_space<vmem>> -> memref<1x128xi32, #tpu.memory_space<vmem>>
      %dma_wait3A_54 = tpu.memref_squeeze %dma_wait3A_53 : memref<1x128xi32, #tpu.memory_space<vmem>> -> memref<128xi32, #tpu.memory_space<vmem>>
      %dma_wait3A_55 = arith.constant 0 : i32
      %dma_wait3A_56 = arith.constant 0 : i32
      %dma_wait3A_57 = tpu.memref_slice %arg12[%dma_wait3A_55, %dma_wait3A_56] : memref<10240x128xf32, #tpu.memory_space<vmem_shared>> -> memref<10240x128xf32, #tpu.memory_space<vmem_shared>>
      tpu.wait_indirect_dma semaphore(%arg15 : memref<!tpu.dma_semaphore, #tpu.memory_space<semaphore_mem>>) src(%arg10 : memref<128x128xf32, #tpu.memory_space<vmem>>) dst(%dma_wait3A_57 : memref<10240x128xf32, #tpu.memory_space<vmem_shared>>)
      %dma_start3A_58 = arith.constant 2 : i32
      %dma_start3A_59 = arith.constant 0 : i32
      %dma_start3A_60 = tpu.memref_slice %arg8[%dma_start3A_58, %dma_start3A_59] : memref<16x128xi32, #tpu.memory_space<vmem>> -> memref<1x128xi32, #tpu.memory_space<vmem>>
      %dma_start3A_61 = tpu.memref_squeeze %dma_start3A_60 : memref<1x128xi32, #tpu.memory_space<vmem>> -> memref<128xi32, #tpu.memory_space<vmem>>
      %dma_start3A_62 = arith.constant 0 : i32
      %dma_start3A_63 = arith.constant 0 : i32
      %dma_start3A_64 = tpu.memref_slice %arg2[%dma_start3A_62, %dma_start3A_63] : memref<10000x128xf32, #tpu.memory_space<hbm>> -> memref<10000x128xf32, #tpu.memory_space<hbm>>
      tpu.enqueue_indirect_dma source(%dma_start3A_64 : memref<10000x128xf32, #tpu.memory_space<hbm>>) target(%arg10 : memref<128x128xf32, #tpu.memory_space<vmem>>) offsets(%dma_start3A_61 : memref<128xi32, #tpu.memory_space<vmem>>) semaphore(%arg13 : memref<!tpu.dma_semaphore, #tpu.memory_space<semaphore_mem>>)
      %dma_wait3A_65 = arith.constant 1 : i32
      %dma_wait3A_66 = arith.constant 0 : i32
      %dma_wait3A_67 = tpu.memref_slice %arg8[%dma_wait3A_65, %dma_wait3A_66] : memref<16x128xi32, #tpu.memory_space<vmem>> -> memref<1x128xi32, #tpu.memory_space<vmem>>
      %dma_wait3A_68 = tpu.memref_squeeze %dma_wait3A_67 : memref<1x128xi32, #tpu.memory_space<vmem>> -> memref<128xi32, #tpu.memory_space<vmem>>
      %dma_wait3A_69 = arith.constant 0 : i32
      %dma_wait3A_70 = arith.constant 0 : i32
      %dma_wait3A_71 = tpu.memref_slice %arg2[%dma_wait3A_69, %dma_wait3A_70] : memref<10000x128xf32, #tpu.memory_space<hbm>> -> memref<10000x128xf32, #tpu.memory_space<hbm>>
      tpu.wait_indirect_dma semaphore(%arg14 : memref<!tpu.dma_semaphore, #tpu.memory_space<semaphore_mem>>) src(%dma_wait3A_71 : memref<10000x128xf32, #tpu.memory_space<hbm>>) dst(%arg11 : memref<128x128xf32, #tpu.memory_space<vmem>>)
      %dma_start3A_72 = arith.constant 1 : i32
      %dma_start3A_73 = arith.constant 0 : i32
      %dma_start3A_74 = tpu.memref_slice %arg9[%dma_start3A_72, %dma_start3A_73] : memref<16x128xi32, #tpu.memory_space<vmem>> -> memref<1x128xi32, #tpu.memory_space<vmem>>
      %dma_start3A_75 = tpu.memref_squeeze %dma_start3A_74 : memref<1x128xi32, #tpu.memory_space<vmem>> -> memref<128xi32, #tpu.memory_space<vmem>>
      %dma_start3A_76 = arith.constant 0 : i32
      %dma_start3A_77 = arith.constant 0 : i32
      %dma_start3A_78 = tpu.memref_slice %arg12[%dma_start3A_76, %dma_start3A_77] : memref<10240x128xf32, #tpu.memory_space<vmem_shared>> -> memref<10240x128xf32, #tpu.memory_space<vmem_shared>>
      tpu.enqueue_indirect_dma source(%arg11 : memref<128x128xf32, #tpu.memory_space<vmem>>) target(%dma_start3A_78 : memref<10240x128xf32, #tpu.memory_space<vmem_shared>>) offsets(%dma_start3A_75 : memref<128xi32, #tpu.memory_space<vmem>>) semaphore(%arg16 : memref<!tpu.dma_semaphore, #tpu.memory_space<semaphore_mem>>) {add = true}
      %dma_wait3A_79 = arith.constant 1 : i32
      %dma_wait3A_80 = arith.constant 0 : i32
      %dma_wait3A_81 = tpu.memref_slice %arg9[%dma_wait3A_79, %dma_wait3A_80] : memref<16x128xi32, #tpu.memory_space<vmem>> -> memref<1x128xi32, #tpu.memory_space<vmem>>
      %dma_wait3A_82 = tpu.memref_squeeze %dma_wait3A_81 : memref<1x128xi32, #tpu.memory_space<vmem>> -> memref<128xi32, #tpu.memory_space<vmem>>
      %dma_wait3A_83 = arith.constant 0 : i32
      %dma_wait3A_84 = arith.constant 0 : i32
      %dma_wait3A_85 = tpu.memref_slice %arg12[%dma_wait3A_83, %dma_wait3A_84] : memref<10240x128xf32, #tpu.memory_space<vmem_shared>> -> memref<10240x128xf32, #tpu.memory_space<vmem_shared>>
      tpu.wait_indirect_dma semaphore(%arg16 : memref<!tpu.dma_semaphore, #tpu.memory_space<semaphore_mem>>) src(%arg11 : memref<128x128xf32, #tpu.memory_space<vmem>>) dst(%dma_wait3A_85 : memref<10240x128xf32, #tpu.memory_space<vmem_shared>>)
      %dma_start3A_86 = arith.constant 3 : i32
      %dma_start3A_87 = arith.constant 0 : i32
      %dma_start3A_88 = tpu.memref_slice %arg8[%dma_start3A_86, %dma_start3A_87] : memref<16x128xi32, #tpu.memory_space<vmem>> -> memref<1x128xi32, #tpu.memory_space<vmem>>
      %dma_start3A_89 = tpu.memref_squeeze %dma_start3A_88 : memref<1x128xi32, #tpu.memory_space<vmem>> -> memref<128xi32, #tpu.memory_space<vmem>>
      %dma_start3A_90 = arith.constant 0 : i32
      %dma_start3A_91 = arith.constant 0 : i32
      %dma_start3A_92 = tpu.memref_slice %arg2[%dma_start3A_90, %dma_start3A_91] : memref<10000x128xf32, #tpu.memory_space<hbm>> -> memref<10000x128xf32, #tpu.memory_space<hbm>>
      tpu.enqueue_indirect_dma source(%dma_start3A_92 : memref<10000x128xf32, #tpu.memory_space<hbm>>) target(%arg11 : memref<128x128xf32, #tpu.memory_space<vmem>>) offsets(%dma_start3A_89 : memref<128xi32, #tpu.memory_space<vmem>>) semaphore(%arg14 : memref<!tpu.dma_semaphore, #tpu.memory_space<semaphore_mem>>)
      %dma_wait3A_93 = arith.constant 2 : i32
      %dma_wait3A_94 = arith.constant 0 : i32
      %dma_wait3A_95 = tpu.memref_slice %arg8[%dma_wait3A_93, %dma_wait3A_94] : memref<16x128xi32, #tpu.memory_space<vmem>> -> memref<1x128xi32, #tpu.memory_space<vmem>>
      %dma_wait3A_96 = tpu.memref_squeeze %dma_wait3A_95 : memref<1x128xi32, #tpu.memory_space<vmem>> -> memref<128xi32, #tpu.memory_space<vmem>>
      %dma_wait3A_97 = arith.constant 0 : i32
      %dma_wait3A_98 = arith.constant 0 : i32
      %dma_wait3A_99 = tpu.memref_slice %arg2[%dma_wait3A_97, %dma_wait3A_98] : memref<10000x128xf32, #tpu.memory_space<hbm>> -> memref<10000x128xf32, #tpu.memory_space<hbm>>
      tpu.wait_indirect_dma semaphore(%arg13 : memref<!tpu.dma_semaphore, #tpu.memory_space<semaphore_mem>>) src(%dma_wait3A_99 : memref<10000x128xf32, #tpu.memory_space<hbm>>) dst(%arg10 : memref<128x128xf32, #tpu.memory_space<vmem>>)
      %dma_start3A_100 = arith.constant 2 : i32
      %dma_start3A_101 = arith.constant 0 : i32
      %dma_start3A_102 = tpu.memref_slice %arg9[%dma_start3A_100, %dma_start3A_101] : memref<16x128xi32, #tpu.memory_space<vmem>> -> memref<1x128xi32, #tpu.memory_space<vmem>>
      %dma_start3A_103 = tpu.memref_squeeze %dma_start3A_102 : memref<1x128xi32, #tpu.memory_space<vmem>> -> memref<128xi32, #tpu.memory_space<vmem>>
      %dma_start3A_104 = arith.constant 0 : i32
      %dma_start3A_105 = arith.constant 0 : i32
      %dma_start3A_106 = tpu.memref_slice %arg12[%dma_start3A_104, %dma_start3A_105] : memref<10240x128xf32, #tpu.memory_space<vmem_shared>> -> memref<10240x128xf32, #tpu.memory_space<vmem_shared>>
      tpu.enqueue_indirect_dma source(%arg10 : memref<128x128xf32, #tpu.memory_space<vmem>>) target(%dma_start3A_106 : memref<10240x128xf32, #tpu.memory_space<vmem_shared>>) offsets(%dma_start3A_103 : memref<128xi32, #tpu.memory_space<vmem>>) semaphore(%arg15 : memref<!tpu.dma_semaphore, #tpu.memory_space<semaphore_mem>>) {add = true}
      %dma_wait3A_107 = arith.constant 2 : i32
      %dma_wait3A_108 = arith.constant 0 : i32
      %dma_wait3A_109 = tpu.memref_slice %arg9[%dma_wait3A_107, %dma_wait3A_108] : memref<16x128xi32, #tpu.memory_space<vmem>> -> memref<1x128xi32, #tpu.memory_space<vmem>>
      %dma_wait3A_110 = tpu.memref_squeeze %dma_wait3A_109 : memref<1x128xi32, #tpu.memory_space<vmem>> -> memref<128xi32, #tpu.memory_space<vmem>>
      %dma_wait3A_111 = arith.constant 0 : i32
      %dma_wait3A_112 = arith.constant 0 : i32
      %dma_wait3A_113 = tpu.memref_slice %arg12[%dma_wait3A_111, %dma_wait3A_112] : memref<10240x128xf32, #tpu.memory_space<vmem_shared>> -> memref<10240x128xf32, #tpu.memory_space<vmem_shared>>
      tpu.wait_indirect_dma semaphore(%arg15 : memref<!tpu.dma_semaphore, #tpu.memory_space<semaphore_mem>>) src(%arg10 : memref<128x128xf32, #tpu.memory_space<vmem>>) dst(%dma_wait3A_113 : memref<10240x128xf32, #tpu.memory_space<vmem_shared>>)
      %dma_start3A_114 = arith.constant 4 : i32
      %dma_start3A_115 = arith.constant 0 : i32
      %dma_start3A_116 = tpu.memref_slice %arg8[%dma_start3A_114, %dma_start3A_115] : memref<16x128xi32, #tpu.memory_space<vmem>> -> memref<1x128xi32, #tpu.memory_space<vmem>>
      %dma_start3A_117 = tpu.memref_squeeze %dma_start3A_116 : memref<1x128xi32, #tpu.memory_space<vmem>> -> memref<128xi32, #tpu.memory_space<vmem>>
      %dma_start3A_118 = arith.constant 0 : i32
      %dma_start3A_119 = arith.constant 0 : i32
      %dma_start3A_120 = tpu.memref_slice %arg2[%dma_start3A_118, %dma_start3A_119] : memref<10000x128xf32, #tpu.memory_space<hbm>> -> memref<10000x128xf32, #tpu.memory_space<hbm>>
      tpu.enqueue_indirect_dma source(%dma_start3A_120 : memref<10000x128xf32, #tpu.memory_space<hbm>>) target(%arg10 : memref<128x128xf32, #tpu.memory_space<vmem>>) offsets(%dma_start3A_117 : memref<128xi32, #tpu.memory_space<vmem>>) semaphore(%arg13 : memref<!tpu.dma_semaphore, #tpu.memory_space<semaphore_mem>>)
      %dma_wait3A_121 = arith.constant 3 : i32
      %dma_wait3A_122 = arith.constant 0 : i32
      %dma_wait3A_123 = tpu.memref_slice %arg8[%dma_wait3A_121, %dma_wait3A_122] : memref<16x128xi32, #tpu.memory_space<vmem>> -> memref<1x128xi32, #tpu.memory_space<vmem>>
      %dma_wait3A_124 = tpu.memref_squeeze %dma_wait3A_123 : memref<1x128xi32, #tpu.memory_space<vmem>> -> memref<128xi32, #tpu.memory_space<vmem>>
      %dma_wait3A_125 = arith.constant 0 : i32
      %dma_wait3A_126 = arith.constant 0 : i32
      %dma_wait3A_127 = tpu.memref_slice %arg2[%dma_wait3A_125, %dma_wait3A_126] : memref<10000x128xf32, #tpu.memory_space<hbm>> -> memref<10000x128xf32, #tpu.memory_space<hbm>>
      tpu.wait_indirect_dma semaphore(%arg14 : memref<!tpu.dma_semaphore, #tpu.memory_space<semaphore_mem>>) src(%dma_wait3A_127 : memref<10000x128xf32, #tpu.memory_space<hbm>>) dst(%arg11 : memref<128x128xf32, #tpu.memory_space<vmem>>)
      %dma_start3A_128 = arith.constant 3 : i32
      %dma_start3A_129 = arith.constant 0 : i32
      %dma_start3A_130 = tpu.memref_slice %arg9[%dma_start3A_128, %dma_start3A_129] : memref<16x128xi32, #tpu.memory_space<vmem>> -> memref<1x128xi32, #tpu.memory_space<vmem>>
      %dma_start3A_131 = tpu.memref_squeeze %dma_start3A_130 : memref<1x128xi32, #tpu.memory_space<vmem>> -> memref<128xi32, #tpu.memory_space<vmem>>
      %dma_start3A_132 = arith.constant 0 : i32
      %dma_start3A_133 = arith.constant 0 : i32
      %dma_start3A_134 = tpu.memref_slice %arg12[%dma_start3A_132, %dma_start3A_133] : memref<10240x128xf32, #tpu.memory_space<vmem_shared>> -> memref<10240x128xf32, #tpu.memory_space<vmem_shared>>
      tpu.enqueue_indirect_dma source(%arg11 : memref<128x128xf32, #tpu.memory_space<vmem>>) target(%dma_start3A_134 : memref<10240x128xf32, #tpu.memory_space<vmem_shared>>) offsets(%dma_start3A_131 : memref<128xi32, #tpu.memory_space<vmem>>) semaphore(%arg16 : memref<!tpu.dma_semaphore, #tpu.memory_space<semaphore_mem>>) {add = true}
      %dma_wait3A_135 = arith.constant 3 : i32
      %dma_wait3A_136 = arith.constant 0 : i32
      %dma_wait3A_137 = tpu.memref_slice %arg9[%dma_wait3A_135, %dma_wait3A_136] : memref<16x128xi32, #tpu.memory_space<vmem>> -> memref<1x128xi32, #tpu.memory_space<vmem>>
      %dma_wait3A_138 = tpu.memref_squeeze %dma_wait3A_137 : memref<1x128xi32, #tpu.memory_space<vmem>> -> memref<128xi32, #tpu.memory_space<vmem>>
      %dma_wait3A_139 = arith.constant 0 : i32
      %dma_wait3A_140 = arith.constant 0 : i32
      %dma_wait3A_141 = tpu.memref_slice %arg12[%dma_wait3A_139, %dma_wait3A_140] : memref<10240x128xf32, #tpu.memory_space<vmem_shared>> -> memref<10240x128xf32, #tpu.memory_space<vmem_shared>>
      tpu.wait_indirect_dma semaphore(%arg16 : memref<!tpu.dma_semaphore, #tpu.memory_space<semaphore_mem>>) src(%arg11 : memref<128x128xf32, #tpu.memory_space<vmem>>) dst(%dma_wait3A_141 : memref<10240x128xf32, #tpu.memory_space<vmem_shared>>)
      %dma_start3A_142 = arith.constant 5 : i32
      %dma_start3A_143 = arith.constant 0 : i32
      %dma_start3A_144 = tpu.memref_slice %arg8[%dma_start3A_142, %dma_start3A_143] : memref<16x128xi32, #tpu.memory_space<vmem>> -> memref<1x128xi32, #tpu.memory_space<vmem>>
      %dma_start3A_145 = tpu.memref_squeeze %dma_start3A_144 : memref<1x128xi32, #tpu.memory_space<vmem>> -> memref<128xi32, #tpu.memory_space<vmem>>
      %dma_start3A_146 = arith.constant 0 : i32
      %dma_start3A_147 = arith.constant 0 : i32
      %dma_start3A_148 = tpu.memref_slice %arg2[%dma_start3A_146, %dma_start3A_147] : memref<10000x128xf32, #tpu.memory_space<hbm>> -> memref<10000x128xf32, #tpu.memory_space<hbm>>
      tpu.enqueue_indirect_dma source(%dma_start3A_148 : memref<10000x128xf32, #tpu.memory_space<hbm>>) target(%arg11 : memref<128x128xf32, #tpu.memory_space<vmem>>) offsets(%dma_start3A_145 : memref<128xi32, #tpu.memory_space<vmem>>) semaphore(%arg14 : memref<!tpu.dma_semaphore, #tpu.memory_space<semaphore_mem>>)
      %dma_wait3A_149 = arith.constant 4 : i32
      %dma_wait3A_150 = arith.constant 0 : i32
      %dma_wait3A_151 = tpu.memref_slice %arg8[%dma_wait3A_149, %dma_wait3A_150] : memref<16x128xi32, #tpu.memory_space<vmem>> -> memref<1x128xi32, #tpu.memory_space<vmem>>
      %dma_wait3A_152 = tpu.memref_squeeze %dma_wait3A_151 : memref<1x128xi32, #tpu.memory_space<vmem>> -> memref<128xi32, #tpu.memory_space<vmem>>
      %dma_wait3A_153 = arith.constant 0 : i32
      %dma_wait3A_154 = arith.constant 0 : i32
      %dma_wait3A_155 = tpu.memref_slice %arg2[%dma_wait3A_153, %dma_wait3A_154] : memref<10000x128xf32, #tpu.memory_space<hbm>> -> memref<10000x128xf32, #tpu.memory_space<hbm>>
      tpu.wait_indirect_dma semaphore(%arg13 : memref<!tpu.dma_semaphore, #tpu.memory_space<semaphore_mem>>) src(%dma_wait3A_155 : memref<10000x128xf32, #tpu.memory_space<hbm>>) dst(%arg10 : memref<128x128xf32, #tpu.memory_space<vmem>>)
      %dma_start3A_156 = arith.constant 4 : i32
      %dma_start3A_157 = arith.constant 0 : i32
      %dma_start3A_158 = tpu.memref_slice %arg9[%dma_start3A_156, %dma_start3A_157] : memref<16x128xi32, #tpu.memory_space<vmem>> -> memref<1x128xi32, #tpu.memory_space<vmem>>
      %dma_start3A_159 = tpu.memref_squeeze %dma_start3A_158 : memref<1x128xi32, #tpu.memory_space<vmem>> -> memref<128xi32, #tpu.memory_space<vmem>>
      %dma_start3A_160 = arith.constant 0 : i32
      %dma_start3A_161 = arith.constant 0 : i32
      %dma_start3A_162 = tpu.memref_slice %arg12[%dma_start3A_160, %dma_start3A_161] : memref<10240x128xf32, #tpu.memory_space<vmem_shared>> -> memref<10240x128xf32, #tpu.memory_space<vmem_shared>>
      tpu.enqueue_indirect_dma source(%arg10 : memref<128x128xf32, #tpu.memory_space<vmem>>) target(%dma_start3A_162 : memref<10240x128xf32, #tpu.memory_space<vmem_shared>>) offsets(%dma_start3A_159 : memref<128xi32, #tpu.memory_space<vmem>>) semaphore(%arg15 : memref<!tpu.dma_semaphore, #tpu.memory_space<semaphore_mem>>) {add = true}
      %dma_wait3A_163 = arith.constant 4 : i32
      %dma_wait3A_164 = arith.constant 0 : i32
      %dma_wait3A_165 = tpu.memref_slice %arg9[%dma_wait3A_163, %dma_wait3A_164] : memref<16x128xi32, #tpu.memory_space<vmem>> -> memref<1x128xi32, #tpu.memory_space<vmem>>
      %dma_wait3A_166 = tpu.memref_squeeze %dma_wait3A_165 : memref<1x128xi32, #tpu.memory_space<vmem>> -> memref<128xi32, #tpu.memory_space<vmem>>
      %dma_wait3A_167 = arith.constant 0 : i32
      %dma_wait3A_168 = arith.constant 0 : i32
      %dma_wait3A_169 = tpu.memref_slice %arg12[%dma_wait3A_167, %dma_wait3A_168] : memref<10240x128xf32, #tpu.memory_space<vmem_shared>> -> memref<10240x128xf32, #tpu.memory_space<vmem_shared>>
      tpu.wait_indirect_dma semaphore(%arg15 : memref<!tpu.dma_semaphore, #tpu.memory_space<semaphore_mem>>) src(%arg10 : memref<128x128xf32, #tpu.memory_space<vmem>>) dst(%dma_wait3A_169 : memref<10240x128xf32, #tpu.memory_space<vmem_shared>>)
      %dma_start3A_170 = arith.constant 6 : i32
      %dma_start3A_171 = arith.constant 0 : i32
      %dma_start3A_172 = tpu.memref_slice %arg8[%dma_start3A_170, %dma_start3A_171] : memref<16x128xi32, #tpu.memory_space<vmem>> -> memref<1x128xi32, #tpu.memory_space<vmem>>
      %dma_start3A_173 = tpu.memref_squeeze %dma_start3A_172 : memref<1x128xi32, #tpu.memory_space<vmem>> -> memref<128xi32, #tpu.memory_space<vmem>>
      %dma_start3A_174 = arith.constant 0 : i32
      %dma_start3A_175 = arith.constant 0 : i32
      %dma_start3A_176 = tpu.memref_slice %arg2[%dma_start3A_174, %dma_start3A_175] : memref<10000x128xf32, #tpu.memory_space<hbm>> -> memref<10000x128xf32, #tpu.memory_space<hbm>>
      tpu.enqueue_indirect_dma source(%dma_start3A_176 : memref<10000x128xf32, #tpu.memory_space<hbm>>) target(%arg10 : memref<128x128xf32, #tpu.memory_space<vmem>>) offsets(%dma_start3A_173 : memref<128xi32, #tpu.memory_space<vmem>>) semaphore(%arg13 : memref<!tpu.dma_semaphore, #tpu.memory_space<semaphore_mem>>)
      %dma_wait3A_177 = arith.constant 5 : i32
      %dma_wait3A_178 = arith.constant 0 : i32
      %dma_wait3A_179 = tpu.memref_slice %arg8[%dma_wait3A_177, %dma_wait3A_178] : memref<16x128xi32, #tpu.memory_space<vmem>> -> memref<1x128xi32, #tpu.memory_space<vmem>>
      %dma_wait3A_180 = tpu.memref_squeeze %dma_wait3A_179 : memref<1x128xi32, #tpu.memory_space<vmem>> -> memref<128xi32, #tpu.memory_space<vmem>>
      %dma_wait3A_181 = arith.constant 0 : i32
      %dma_wait3A_182 = arith.constant 0 : i32
      %dma_wait3A_183 = tpu.memref_slice %arg2[%dma_wait3A_181, %dma_wait3A_182] : memref<10000x128xf32, #tpu.memory_space<hbm>> -> memref<10000x128xf32, #tpu.memory_space<hbm>>
      tpu.wait_indirect_dma semaphore(%arg14 : memref<!tpu.dma_semaphore, #tpu.memory_space<semaphore_mem>>) src(%dma_wait3A_183 : memref<10000x128xf32, #tpu.memory_space<hbm>>) dst(%arg11 : memref<128x128xf32, #tpu.memory_space<vmem>>)
      %dma_start3A_184 = arith.constant 5 : i32
      %dma_start3A_185 = arith.constant 0 : i32
      %dma_start3A_186 = tpu.memref_slice %arg9[%dma_start3A_184, %dma_start3A_185] : memref<16x128xi32, #tpu.memory_space<vmem>> -> memref<1x128xi32, #tpu.memory_space<vmem>>
      %dma_start3A_187 = tpu.memref_squeeze %dma_start3A_186 : memref<1x128xi32, #tpu.memory_space<vmem>> -> memref<128xi32, #tpu.memory_space<vmem>>
      %dma_start3A_188 = arith.constant 0 : i32
      %dma_start3A_189 = arith.constant 0 : i32
      %dma_start3A_190 = tpu.memref_slice %arg12[%dma_start3A_188, %dma_start3A_189] : memref<10240x128xf32, #tpu.memory_space<vmem_shared>> -> memref<10240x128xf32, #tpu.memory_space<vmem_shared>>
      tpu.enqueue_indirect_dma source(%arg11 : memref<128x128xf32, #tpu.memory_space<vmem>>) target(%dma_start3A_190 : memref<10240x128xf32, #tpu.memory_space<vmem_shared>>) offsets(%dma_start3A_187 : memref<128xi32, #tpu.memory_space<vmem>>) semaphore(%arg16 : memref<!tpu.dma_semaphore, #tpu.memory_space<semaphore_mem>>) {add = true}
      %dma_wait3A_191 = arith.constant 5 : i32
      %dma_wait3A_192 = arith.constant 0 : i32
      %dma_wait3A_193 = tpu.memref_slice %arg9[%dma_wait3A_191, %dma_wait3A_192] : memref<16x128xi32, #tpu.memory_space<vmem>> -> memref<1x128xi32, #tpu.memory_space<vmem>>
      %dma_wait3A_194 = tpu.memref_squeeze %dma_wait3A_193 : memref<1x128xi32, #tpu.memory_space<vmem>> -> memref<128xi32, #tpu.memory_space<vmem>>
      %dma_wait3A_195 = arith.constant 0 : i32
      %dma_wait3A_196 = arith.constant 0 : i32
      %dma_wait3A_197 = tpu.memref_slice %arg12[%dma_wait3A_195, %dma_wait3A_196] : memref<10240x128xf32, #tpu.memory_space<vmem_shared>> -> memref<10240x128xf32, #tpu.memory_space<vmem_shared>>
      tpu.wait_indirect_dma semaphore(%arg16 : memref<!tpu.dma_semaphore, #tpu.memory_space<semaphore_mem>>) src(%arg11 : memref<128x128xf32, #tpu.memory_space<vmem>>) dst(%dma_wait3A_197 : memref<10240x128xf32, #tpu.memory_space<vmem_shared>>)
      %dma_start3A_198 = arith.constant 7 : i32
      %dma_start3A_199 = arith.constant 0 : i32
      %dma_start3A_200 = tpu.memref_slice %arg8[%dma_start3A_198, %dma_start3A_199] : memref<16x128xi32, #tpu.memory_space<vmem>> -> memref<1x128xi32, #tpu.memory_space<vmem>>
      %dma_start3A_201 = tpu.memref_squeeze %dma_start3A_200 : memref<1x128xi32, #tpu.memory_space<vmem>> -> memref<128xi32, #tpu.memory_space<vmem>>
      %dma_start3A_202 = arith.constant 0 : i32
      %dma_start3A_203 = arith.constant 0 : i32
      %dma_start3A_204 = tpu.memref_slice %arg2[%dma_start3A_202, %dma_start3A_203] : memref<10000x128xf32, #tpu.memory_space<hbm>> -> memref<10000x128xf32, #tpu.memory_space<hbm>>
      tpu.enqueue_indirect_dma source(%dma_start3A_204 : memref<10000x128xf32, #tpu.memory_space<hbm>>) target(%arg11 : memref<128x128xf32, #tpu.memory_space<vmem>>) offsets(%dma_start3A_201 : memref<128xi32, #tpu.memory_space<vmem>>) semaphore(%arg14 : memref<!tpu.dma_semaphore, #tpu.memory_space<semaphore_mem>>)
      %dma_wait3A_205 = arith.constant 6 : i32
      %dma_wait3A_206 = arith.constant 0 : i32
      %dma_wait3A_207 = tpu.memref_slice %arg8[%dma_wait3A_205, %dma_wait3A_206] : memref<16x128xi32, #tpu.memory_space<vmem>> -> memref<1x128xi32, #tpu.memory_space<vmem>>
      %dma_wait3A_208 = tpu.memref_squeeze %dma_wait3A_207 : memref<1x128xi32, #tpu.memory_space<vmem>> -> memref<128xi32, #tpu.memory_space<vmem>>
      %dma_wait3A_209 = arith.constant 0 : i32
      %dma_wait3A_210 = arith.constant 0 : i32
      %dma_wait3A_211 = tpu.memref_slice %arg2[%dma_wait3A_209, %dma_wait3A_210] : memref<10000x128xf32, #tpu.memory_space<hbm>> -> memref<10000x128xf32, #tpu.memory_space<hbm>>
      tpu.wait_indirect_dma semaphore(%arg13 : memref<!tpu.dma_semaphore, #tpu.memory_space<semaphore_mem>>) src(%dma_wait3A_211 : memref<10000x128xf32, #tpu.memory_space<hbm>>) dst(%arg10 : memref<128x128xf32, #tpu.memory_space<vmem>>)
      %dma_start3A_212 = arith.constant 6 : i32
      %dma_start3A_213 = arith.constant 0 : i32
      %dma_start3A_214 = tpu.memref_slice %arg9[%dma_start3A_212, %dma_start3A_213] : memref<16x128xi32, #tpu.memory_space<vmem>> -> memref<1x128xi32, #tpu.memory_space<vmem>>
      %dma_start3A_215 = tpu.memref_squeeze %dma_start3A_214 : memref<1x128xi32, #tpu.memory_space<vmem>> -> memref<128xi32, #tpu.memory_space<vmem>>
      %dma_start3A_216 = arith.constant 0 : i32
      %dma_start3A_217 = arith.constant 0 : i32
      %dma_start3A_218 = tpu.memref_slice %arg12[%dma_start3A_216, %dma_start3A_217] : memref<10240x128xf32, #tpu.memory_space<vmem_shared>> -> memref<10240x128xf32, #tpu.memory_space<vmem_shared>>
      tpu.enqueue_indirect_dma source(%arg10 : memref<128x128xf32, #tpu.memory_space<vmem>>) target(%dma_start3A_218 : memref<10240x128xf32, #tpu.memory_space<vmem_shared>>) offsets(%dma_start3A_215 : memref<128xi32, #tpu.memory_space<vmem>>) semaphore(%arg15 : memref<!tpu.dma_semaphore, #tpu.memory_space<semaphore_mem>>) {add = true}
      %dma_wait3A_219 = arith.constant 6 : i32
      %dma_wait3A_220 = arith.constant 0 : i32
      %dma_wait3A_221 = tpu.memref_slice %arg9[%dma_wait3A_219, %dma_wait3A_220] : memref<16x128xi32, #tpu.memory_space<vmem>> -> memref<1x128xi32, #tpu.memory_space<vmem>>
      %dma_wait3A_222 = tpu.memref_squeeze %dma_wait3A_221 : memref<1x128xi32, #tpu.memory_space<vmem>> -> memref<128xi32, #tpu.memory_space<vmem>>
      %dma_wait3A_223 = arith.constant 0 : i32
      %dma_wait3A_224 = arith.constant 0 : i32
      %dma_wait3A_225 = tpu.memref_slice %arg12[%dma_wait3A_223, %dma_wait3A_224] : memref<10240x128xf32, #tpu.memory_space<vmem_shared>> -> memref<10240x128xf32, #tpu.memory_space<vmem_shared>>
      tpu.wait_indirect_dma semaphore(%arg15 : memref<!tpu.dma_semaphore, #tpu.memory_space<semaphore_mem>>) src(%arg10 : memref<128x128xf32, #tpu.memory_space<vmem>>) dst(%dma_wait3A_225 : memref<10240x128xf32, #tpu.memory_space<vmem_shared>>)
      %dma_start3A_226 = arith.constant 8 : i32
      %dma_start3A_227 = arith.constant 0 : i32
      %dma_start3A_228 = tpu.memref_slice %arg8[%dma_start3A_226, %dma_start3A_227] : memref<16x128xi32, #tpu.memory_space<vmem>> -> memref<1x128xi32, #tpu.memory_space<vmem>>
      %dma_start3A_229 = tpu.memref_squeeze %dma_start3A_228 : memref<1x128xi32, #tpu.memory_space<vmem>> -> memref<128xi32, #tpu.memory_space<vmem>>
      %dma_start3A_230 = arith.constant 0 : i32
      %dma_start3A_231 = arith.constant 0 : i32
      %dma_start3A_232 = tpu.memref_slice %arg2[%dma_start3A_230, %dma_start3A_231] : memref<10000x128xf32, #tpu.memory_space<hbm>> -> memref<10000x128xf32, #tpu.memory_space<hbm>>
      tpu.enqueue_indirect_dma source(%dma_start3A_232 : memref<10000x128xf32, #tpu.memory_space<hbm>>) target(%arg10 : memref<128x128xf32, #tpu.memory_space<vmem>>) offsets(%dma_start3A_229 : memref<128xi32, #tpu.memory_space<vmem>>) semaphore(%arg13 : memref<!tpu.dma_semaphore, #tpu.memory_space<semaphore_mem>>)
      %dma_wait3A_233 = arith.constant 7 : i32
      %dma_wait3A_234 = arith.constant 0 : i32
      %dma_wait3A_235 = tpu.memref_slice %arg8[%dma_wait3A_233, %dma_wait3A_234] : memref<16x128xi32, #tpu.memory_space<vmem>> -> memref<1x128xi32, #tpu.memory_space<vmem>>
      %dma_wait3A_236 = tpu.memref_squeeze %dma_wait3A_235 : memref<1x128xi32, #tpu.memory_space<vmem>> -> memref<128xi32, #tpu.memory_space<vmem>>
      %dma_wait3A_237 = arith.constant 0 : i32
      %dma_wait3A_238 = arith.constant 0 : i32
      %dma_wait3A_239 = tpu.memref_slice %arg2[%dma_wait3A_237, %dma_wait3A_238] : memref<10000x128xf32, #tpu.memory_space<hbm>> -> memref<10000x128xf32, #tpu.memory_space<hbm>>
      tpu.wait_indirect_dma semaphore(%arg14 : memref<!tpu.dma_semaphore, #tpu.memory_space<semaphore_mem>>) src(%dma_wait3A_239 : memref<10000x128xf32, #tpu.memory_space<hbm>>) dst(%arg11 : memref<128x128xf32, #tpu.memory_space<vmem>>)
      %dma_start3A_240 = arith.constant 7 : i32
      %dma_start3A_241 = arith.constant 0 : i32
      %dma_start3A_242 = tpu.memref_slice %arg9[%dma_start3A_240, %dma_start3A_241] : memref<16x128xi32, #tpu.memory_space<vmem>> -> memref<1x128xi32, #tpu.memory_space<vmem>>
      %dma_start3A_243 = tpu.memref_squeeze %dma_start3A_242 : memref<1x128xi32, #tpu.memory_space<vmem>> -> memref<128xi32, #tpu.memory_space<vmem>>
      %dma_start3A_244 = arith.constant 0 : i32
      %dma_start3A_245 = arith.constant 0 : i32
      %dma_start3A_246 = tpu.memref_slice %arg12[%dma_start3A_244, %dma_start3A_245] : memref<10240x128xf32, #tpu.memory_space<vmem_shared>> -> memref<10240x128xf32, #tpu.memory_space<vmem_shared>>
      tpu.enqueue_indirect_dma source(%arg11 : memref<128x128xf32, #tpu.memory_space<vmem>>) target(%dma_start3A_246 : memref<10240x128xf32, #tpu.memory_space<vmem_shared>>) offsets(%dma_start3A_243 : memref<128xi32, #tpu.memory_space<vmem>>) semaphore(%arg16 : memref<!tpu.dma_semaphore, #tpu.memory_space<semaphore_mem>>) {add = true}
      %dma_wait3A_247 = arith.constant 7 : i32
      %dma_wait3A_248 = arith.constant 0 : i32
      %dma_wait3A_249 = tpu.memref_slice %arg9[%dma_wait3A_247, %dma_wait3A_248] : memref<16x128xi32, #tpu.memory_space<vmem>> -> memref<1x128xi32, #tpu.memory_space<vmem>>
      %dma_wait3A_250 = tpu.memref_squeeze %dma_wait3A_249 : memref<1x128xi32, #tpu.memory_space<vmem>> -> memref<128xi32, #tpu.memory_space<vmem>>
      %dma_wait3A_251 = arith.constant 0 : i32
      %dma_wait3A_252 = arith.constant 0 : i32
      %dma_wait3A_253 = tpu.memref_slice %arg12[%dma_wait3A_251, %dma_wait3A_252] : memref<10240x128xf32, #tpu.memory_space<vmem_shared>> -> memref<10240x128xf32, #tpu.memory_space<vmem_shared>>
      tpu.wait_indirect_dma semaphore(%arg16 : memref<!tpu.dma_semaphore, #tpu.memory_space<semaphore_mem>>) src(%arg11 : memref<128x128xf32, #tpu.memory_space<vmem>>) dst(%dma_wait3A_253 : memref<10240x128xf32, #tpu.memory_space<vmem_shared>>)
      %dma_start3A_254 = arith.constant 9 : i32
      %dma_start3A_255 = arith.constant 0 : i32
      %dma_start3A_256 = tpu.memref_slice %arg8[%dma_start3A_254, %dma_start3A_255] : memref<16x128xi32, #tpu.memory_space<vmem>> -> memref<1x128xi32, #tpu.memory_space<vmem>>
      %dma_start3A_257 = tpu.memref_squeeze %dma_start3A_256 : memref<1x128xi32, #tpu.memory_space<vmem>> -> memref<128xi32, #tpu.memory_space<vmem>>
      %dma_start3A_258 = arith.constant 0 : i32
      %dma_start3A_259 = arith.constant 0 : i32
      %dma_start3A_260 = tpu.memref_slice %arg2[%dma_start3A_258, %dma_start3A_259] : memref<10000x128xf32, #tpu.memory_space<hbm>> -> memref<10000x128xf32, #tpu.memory_space<hbm>>
      tpu.enqueue_indirect_dma source(%dma_start3A_260 : memref<10000x128xf32, #tpu.memory_space<hbm>>) target(%arg11 : memref<128x128xf32, #tpu.memory_space<vmem>>) offsets(%dma_start3A_257 : memref<128xi32, #tpu.memory_space<vmem>>) semaphore(%arg14 : memref<!tpu.dma_semaphore, #tpu.memory_space<semaphore_mem>>)
      %dma_wait3A_261 = arith.constant 8 : i32
      %dma_wait3A_262 = arith.constant 0 : i32
      %dma_wait3A_263 = tpu.memref_slice %arg8[%dma_wait3A_261, %dma_wait3A_262] : memref<16x128xi32, #tpu.memory_space<vmem>> -> memref<1x128xi32, #tpu.memory_space<vmem>>
      %dma_wait3A_264 = tpu.memref_squeeze %dma_wait3A_263 : memref<1x128xi32, #tpu.memory_space<vmem>> -> memref<128xi32, #tpu.memory_space<vmem>>
      %dma_wait3A_265 = arith.constant 0 : i32
      %dma_wait3A_266 = arith.constant 0 : i32
      %dma_wait3A_267 = tpu.memref_slice %arg2[%dma_wait3A_265, %dma_wait3A_266] : memref<10000x128xf32, #tpu.memory_space<hbm>> -> memref<10000x128xf32, #tpu.memory_space<hbm>>
      tpu.wait_indirect_dma semaphore(%arg13 : memref<!tpu.dma_semaphore, #tpu.memory_space<semaphore_mem>>) src(%dma_wait3A_267 : memref<10000x128xf32, #tpu.memory_space<hbm>>) dst(%arg10 : memref<128x128xf32, #tpu.memory_space<vmem>>)
      %dma_start3A_268 = arith.constant 8 : i32
      %dma_start3A_269 = arith.constant 0 : i32
      %dma_start3A_270 = tpu.memref_slice %arg9[%dma_start3A_268, %dma_start3A_269] : memref<16x128xi32, #tpu.memory_space<vmem>> -> memref<1x128xi32, #tpu.memory_space<vmem>>
      %dma_start3A_271 = tpu.memref_squeeze %dma_start3A_270 : memref<1x128xi32, #tpu.memory_space<vmem>> -> memref<128xi32, #tpu.memory_space<vmem>>
      %dma_start3A_272 = arith.constant 0 : i32
      %dma_start3A_273 = arith.constant 0 : i32
      %dma_start3A_274 = tpu.memref_slice %arg12[%dma_start3A_272, %dma_start3A_273] : memref<10240x128xf32, #tpu.memory_space<vmem_shared>> -> memref<10240x128xf32, #tpu.memory_space<vmem_shared>>
      tpu.enqueue_indirect_dma source(%arg10 : memref<128x128xf32, #tpu.memory_space<vmem>>) target(%dma_start3A_274 : memref<10240x128xf32, #tpu.memory_space<vmem_shared>>) offsets(%dma_start3A_271 : memref<128xi32, #tpu.memory_space<vmem>>) semaphore(%arg15 : memref<!tpu.dma_semaphore, #tpu.memory_space<semaphore_mem>>) {add = true}
      %dma_wait3A_275 = arith.constant 8 : i32
      %dma_wait3A_276 = arith.constant 0 : i32
      %dma_wait3A_277 = tpu.memref_slice %arg9[%dma_wait3A_275, %dma_wait3A_276] : memref<16x128xi32, #tpu.memory_space<vmem>> -> memref<1x128xi32, #tpu.memory_space<vmem>>
      %dma_wait3A_278 = tpu.memref_squeeze %dma_wait3A_277 : memref<1x128xi32, #tpu.memory_space<vmem>> -> memref<128xi32, #tpu.memory_space<vmem>>
      %dma_wait3A_279 = arith.constant 0 : i32
      %dma_wait3A_280 = arith.constant 0 : i32
      %dma_wait3A_281 = tpu.memref_slice %arg12[%dma_wait3A_279, %dma_wait3A_280] : memref<10240x128xf32, #tpu.memory_space<vmem_shared>> -> memref<10240x128xf32, #tpu.memory_space<vmem_shared>>
      tpu.wait_indirect_dma semaphore(%arg15 : memref<!tpu.dma_semaphore, #tpu.memory_space<semaphore_mem>>) src(%arg10 : memref<128x128xf32, #tpu.memory_space<vmem>>) dst(%dma_wait3A_281 : memref<10240x128xf32, #tpu.memory_space<vmem_shared>>)
      %dma_start3A_282 = arith.constant 10 : i32
      %dma_start3A_283 = arith.constant 0 : i32
      %dma_start3A_284 = tpu.memref_slice %arg8[%dma_start3A_282, %dma_start3A_283] : memref<16x128xi32, #tpu.memory_space<vmem>> -> memref<1x128xi32, #tpu.memory_space<vmem>>
      %dma_start3A_285 = tpu.memref_squeeze %dma_start3A_284 : memref<1x128xi32, #tpu.memory_space<vmem>> -> memref<128xi32, #tpu.memory_space<vmem>>
      %dma_start3A_286 = arith.constant 0 : i32
      %dma_start3A_287 = arith.constant 0 : i32
      %dma_start3A_288 = tpu.memref_slice %arg2[%dma_start3A_286, %dma_start3A_287] : memref<10000x128xf32, #tpu.memory_space<hbm>> -> memref<10000x128xf32, #tpu.memory_space<hbm>>
      tpu.enqueue_indirect_dma source(%dma_start3A_288 : memref<10000x128xf32, #tpu.memory_space<hbm>>) target(%arg10 : memref<128x128xf32, #tpu.memory_space<vmem>>) offsets(%dma_start3A_285 : memref<128xi32, #tpu.memory_space<vmem>>) semaphore(%arg13 : memref<!tpu.dma_semaphore, #tpu.memory_space<semaphore_mem>>)
      %dma_wait3A_289 = arith.constant 9 : i32
      %dma_wait3A_290 = arith.constant 0 : i32
      %dma_wait3A_291 = tpu.memref_slice %arg8[%dma_wait3A_289, %dma_wait3A_290] : memref<16x128xi32, #tpu.memory_space<vmem>> -> memref<1x128xi32, #tpu.memory_space<vmem>>
      %dma_wait3A_292 = tpu.memref_squeeze %dma_wait3A_291 : memref<1x128xi32, #tpu.memory_space<vmem>> -> memref<128xi32, #tpu.memory_space<vmem>>
      %dma_wait3A_293 = arith.constant 0 : i32
      %dma_wait3A_294 = arith.constant 0 : i32
      %dma_wait3A_295 = tpu.memref_slice %arg2[%dma_wait3A_293, %dma_wait3A_294] : memref<10000x128xf32, #tpu.memory_space<hbm>> -> memref<10000x128xf32, #tpu.memory_space<hbm>>
      tpu.wait_indirect_dma semaphore(%arg14 : memref<!tpu.dma_semaphore, #tpu.memory_space<semaphore_mem>>) src(%dma_wait3A_295 : memref<10000x128xf32, #tpu.memory_space<hbm>>) dst(%arg11 : memref<128x128xf32, #tpu.memory_space<vmem>>)
      %dma_start3A_296 = arith.constant 9 : i32
      %dma_start3A_297 = arith.constant 0 : i32
      %dma_start3A_298 = tpu.memref_slice %arg9[%dma_start3A_296, %dma_start3A_297] : memref<16x128xi32, #tpu.memory_space<vmem>> -> memref<1x128xi32, #tpu.memory_space<vmem>>
      %dma_start3A_299 = tpu.memref_squeeze %dma_start3A_298 : memref<1x128xi32, #tpu.memory_space<vmem>> -> memref<128xi32, #tpu.memory_space<vmem>>
      %dma_start3A_300 = arith.constant 0 : i32
      %dma_start3A_301 = arith.constant 0 : i32
      %dma_start3A_302 = tpu.memref_slice %arg12[%dma_start3A_300, %dma_start3A_301] : memref<10240x128xf32, #tpu.memory_space<vmem_shared>> -> memref<10240x128xf32, #tpu.memory_space<vmem_shared>>
      tpu.enqueue_indirect_dma source(%arg11 : memref<128x128xf32, #tpu.memory_space<vmem>>) target(%dma_start3A_302 : memref<10240x128xf32, #tpu.memory_space<vmem_shared>>) offsets(%dma_start3A_299 : memref<128xi32, #tpu.memory_space<vmem>>) semaphore(%arg16 : memref<!tpu.dma_semaphore, #tpu.memory_space<semaphore_mem>>) {add = true}
      %dma_wait3A_303 = arith.constant 9 : i32
      %dma_wait3A_304 = arith.constant 0 : i32
      %dma_wait3A_305 = tpu.memref_slice %arg9[%dma_wait3A_303, %dma_wait3A_304] : memref<16x128xi32, #tpu.memory_space<vmem>> -> memref<1x128xi32, #tpu.memory_space<vmem>>
      %dma_wait3A_306 = tpu.memref_squeeze %dma_wait3A_305 : memref<1x128xi32, #tpu.memory_space<vmem>> -> memref<128xi32, #tpu.memory_space<vmem>>
      %dma_wait3A_307 = arith.constant 0 : i32
      %dma_wait3A_308 = arith.constant 0 : i32
      %dma_wait3A_309 = tpu.memref_slice %arg12[%dma_wait3A_307, %dma_wait3A_308] : memref<10240x128xf32, #tpu.memory_space<vmem_shared>> -> memref<10240x128xf32, #tpu.memory_space<vmem_shared>>
      tpu.wait_indirect_dma semaphore(%arg16 : memref<!tpu.dma_semaphore, #tpu.memory_space<semaphore_mem>>) src(%arg11 : memref<128x128xf32, #tpu.memory_space<vmem>>) dst(%dma_wait3A_309 : memref<10240x128xf32, #tpu.memory_space<vmem_shared>>)
      %dma_start3A_310 = arith.constant 11 : i32
      %dma_start3A_311 = arith.constant 0 : i32
      %dma_start3A_312 = tpu.memref_slice %arg8[%dma_start3A_310, %dma_start3A_311] : memref<16x128xi32, #tpu.memory_space<vmem>> -> memref<1x128xi32, #tpu.memory_space<vmem>>
      %dma_start3A_313 = tpu.memref_squeeze %dma_start3A_312 : memref<1x128xi32, #tpu.memory_space<vmem>> -> memref<128xi32, #tpu.memory_space<vmem>>
      %dma_start3A_314 = arith.constant 0 : i32
      %dma_start3A_315 = arith.constant 0 : i32
      %dma_start3A_316 = tpu.memref_slice %arg2[%dma_start3A_314, %dma_start3A_315] : memref<10000x128xf32, #tpu.memory_space<hbm>> -> memref<10000x128xf32, #tpu.memory_space<hbm>>
      tpu.enqueue_indirect_dma source(%dma_start3A_316 : memref<10000x128xf32, #tpu.memory_space<hbm>>) target(%arg11 : memref<128x128xf32, #tpu.memory_space<vmem>>) offsets(%dma_start3A_313 : memref<128xi32, #tpu.memory_space<vmem>>) semaphore(%arg14 : memref<!tpu.dma_semaphore, #tpu.memory_space<semaphore_mem>>)
      %dma_wait3A_317 = arith.constant 10 : i32
      %dma_wait3A_318 = arith.constant 0 : i32
      %dma_wait3A_319 = tpu.memref_slice %arg8[%dma_wait3A_317, %dma_wait3A_318] : memref<16x128xi32, #tpu.memory_space<vmem>> -> memref<1x128xi32, #tpu.memory_space<vmem>>
      %dma_wait3A_320 = tpu.memref_squeeze %dma_wait3A_319 : memref<1x128xi32, #tpu.memory_space<vmem>> -> memref<128xi32, #tpu.memory_space<vmem>>
      %dma_wait3A_321 = arith.constant 0 : i32
      %dma_wait3A_322 = arith.constant 0 : i32
      %dma_wait3A_323 = tpu.memref_slice %arg2[%dma_wait3A_321, %dma_wait3A_322] : memref<10000x128xf32, #tpu.memory_space<hbm>> -> memref<10000x128xf32, #tpu.memory_space<hbm>>
      tpu.wait_indirect_dma semaphore(%arg13 : memref<!tpu.dma_semaphore, #tpu.memory_space<semaphore_mem>>) src(%dma_wait3A_323 : memref<10000x128xf32, #tpu.memory_space<hbm>>) dst(%arg10 : memref<128x128xf32, #tpu.memory_space<vmem>>)
      %dma_start3A_324 = arith.constant 10 : i32
      %dma_start3A_325 = arith.constant 0 : i32
      %dma_start3A_326 = tpu.memref_slice %arg9[%dma_start3A_324, %dma_start3A_325] : memref<16x128xi32, #tpu.memory_space<vmem>> -> memref<1x128xi32, #tpu.memory_space<vmem>>
      %dma_start3A_327 = tpu.memref_squeeze %dma_start3A_326 : memref<1x128xi32, #tpu.memory_space<vmem>> -> memref<128xi32, #tpu.memory_space<vmem>>
      %dma_start3A_328 = arith.constant 0 : i32
      %dma_start3A_329 = arith.constant 0 : i32
      %dma_start3A_330 = tpu.memref_slice %arg12[%dma_start3A_328, %dma_start3A_329] : memref<10240x128xf32, #tpu.memory_space<vmem_shared>> -> memref<10240x128xf32, #tpu.memory_space<vmem_shared>>
      tpu.enqueue_indirect_dma source(%arg10 : memref<128x128xf32, #tpu.memory_space<vmem>>) target(%dma_start3A_330 : memref<10240x128xf32, #tpu.memory_space<vmem_shared>>) offsets(%dma_start3A_327 : memref<128xi32, #tpu.memory_space<vmem>>) semaphore(%arg15 : memref<!tpu.dma_semaphore, #tpu.memory_space<semaphore_mem>>) {add = true}
      %dma_wait3A_331 = arith.constant 10 : i32
      %dma_wait3A_332 = arith.constant 0 : i32
      %dma_wait3A_333 = tpu.memref_slice %arg9[%dma_wait3A_331, %dma_wait3A_332] : memref<16x128xi32, #tpu.memory_space<vmem>> -> memref<1x128xi32, #tpu.memory_space<vmem>>
      %dma_wait3A_334 = tpu.memref_squeeze %dma_wait3A_333 : memref<1x128xi32, #tpu.memory_space<vmem>> -> memref<128xi32, #tpu.memory_space<vmem>>
      %dma_wait3A_335 = arith.constant 0 : i32
      %dma_wait3A_336 = arith.constant 0 : i32
      %dma_wait3A_337 = tpu.memref_slice %arg12[%dma_wait3A_335, %dma_wait3A_336] : memref<10240x128xf32, #tpu.memory_space<vmem_shared>> -> memref<10240x128xf32, #tpu.memory_space<vmem_shared>>
      tpu.wait_indirect_dma semaphore(%arg15 : memref<!tpu.dma_semaphore, #tpu.memory_space<semaphore_mem>>) src(%arg10 : memref<128x128xf32, #tpu.memory_space<vmem>>) dst(%dma_wait3A_337 : memref<10240x128xf32, #tpu.memory_space<vmem_shared>>)
      %dma_start3A_338 = arith.constant 12 : i32
      %dma_start3A_339 = arith.constant 0 : i32
      %dma_start3A_340 = tpu.memref_slice %arg8[%dma_start3A_338, %dma_start3A_339] : memref<16x128xi32, #tpu.memory_space<vmem>> -> memref<1x128xi32, #tpu.memory_space<vmem>>
      %dma_start3A_341 = tpu.memref_squeeze %dma_start3A_340 : memref<1x128xi32, #tpu.memory_space<vmem>> -> memref<128xi32, #tpu.memory_space<vmem>>
      %dma_start3A_342 = arith.constant 0 : i32
      %dma_start3A_343 = arith.constant 0 : i32
      %dma_start3A_344 = tpu.memref_slice %arg2[%dma_start3A_342, %dma_start3A_343] : memref<10000x128xf32, #tpu.memory_space<hbm>> -> memref<10000x128xf32, #tpu.memory_space<hbm>>
      tpu.enqueue_indirect_dma source(%dma_start3A_344 : memref<10000x128xf32, #tpu.memory_space<hbm>>) target(%arg10 : memref<128x128xf32, #tpu.memory_space<vmem>>) offsets(%dma_start3A_341 : memref<128xi32, #tpu.memory_space<vmem>>) semaphore(%arg13 : memref<!tpu.dma_semaphore, #tpu.memory_space<semaphore_mem>>)
      %dma_wait3A_345 = arith.constant 11 : i32
      %dma_wait3A_346 = arith.constant 0 : i32
      %dma_wait3A_347 = tpu.memref_slice %arg8[%dma_wait3A_345, %dma_wait3A_346] : memref<16x128xi32, #tpu.memory_space<vmem>> -> memref<1x128xi32, #tpu.memory_space<vmem>>
      %dma_wait3A_348 = tpu.memref_squeeze %dma_wait3A_347 : memref<1x128xi32, #tpu.memory_space<vmem>> -> memref<128xi32, #tpu.memory_space<vmem>>
      %dma_wait3A_349 = arith.constant 0 : i32
      %dma_wait3A_350 = arith.constant 0 : i32
      %dma_wait3A_351 = tpu.memref_slice %arg2[%dma_wait3A_349, %dma_wait3A_350] : memref<10000x128xf32, #tpu.memory_space<hbm>> -> memref<10000x128xf32, #tpu.memory_space<hbm>>
      tpu.wait_indirect_dma semaphore(%arg14 : memref<!tpu.dma_semaphore, #tpu.memory_space<semaphore_mem>>) src(%dma_wait3A_351 : memref<10000x128xf32, #tpu.memory_space<hbm>>) dst(%arg11 : memref<128x128xf32, #tpu.memory_space<vmem>>)
      %dma_start3A_352 = arith.constant 11 : i32
      %dma_start3A_353 = arith.constant 0 : i32
      %dma_start3A_354 = tpu.memref_slice %arg9[%dma_start3A_352, %dma_start3A_353] : memref<16x128xi32, #tpu.memory_space<vmem>> -> memref<1x128xi32, #tpu.memory_space<vmem>>
      %dma_start3A_355 = tpu.memref_squeeze %dma_start3A_354 : memref<1x128xi32, #tpu.memory_space<vmem>> -> memref<128xi32, #tpu.memory_space<vmem>>
      %dma_start3A_356 = arith.constant 0 : i32
      %dma_start3A_357 = arith.constant 0 : i32
      %dma_start3A_358 = tpu.memref_slice %arg12[%dma_start3A_356, %dma_start3A_357] : memref<10240x128xf32, #tpu.memory_space<vmem_shared>> -> memref<10240x128xf32, #tpu.memory_space<vmem_shared>>
      tpu.enqueue_indirect_dma source(%arg11 : memref<128x128xf32, #tpu.memory_space<vmem>>) target(%dma_start3A_358 : memref<10240x128xf32, #tpu.memory_space<vmem_shared>>) offsets(%dma_start3A_355 : memref<128xi32, #tpu.memory_space<vmem>>) semaphore(%arg16 : memref<!tpu.dma_semaphore, #tpu.memory_space<semaphore_mem>>) {add = true}
      %dma_wait3A_359 = arith.constant 11 : i32
      %dma_wait3A_360 = arith.constant 0 : i32
      %dma_wait3A_361 = tpu.memref_slice %arg9[%dma_wait3A_359, %dma_wait3A_360] : memref<16x128xi32, #tpu.memory_space<vmem>> -> memref<1x128xi32, #tpu.memory_space<vmem>>
      %dma_wait3A_362 = tpu.memref_squeeze %dma_wait3A_361 : memref<1x128xi32, #tpu.memory_space<vmem>> -> memref<128xi32, #tpu.memory_space<vmem>>
      %dma_wait3A_363 = arith.constant 0 : i32
      %dma_wait3A_364 = arith.constant 0 : i32
      %dma_wait3A_365 = tpu.memref_slice %arg12[%dma_wait3A_363, %dma_wait3A_364] : memref<10240x128xf32, #tpu.memory_space<vmem_shared>> -> memref<10240x128xf32, #tpu.memory_space<vmem_shared>>
      tpu.wait_indirect_dma semaphore(%arg16 : memref<!tpu.dma_semaphore, #tpu.memory_space<semaphore_mem>>) src(%arg11 : memref<128x128xf32, #tpu.memory_space<vmem>>) dst(%dma_wait3A_365 : memref<10240x128xf32, #tpu.memory_space<vmem_shared>>)
      %dma_start3A_366 = arith.constant 13 : i32
      %dma_start3A_367 = arith.constant 0 : i32
      %dma_start3A_368 = tpu.memref_slice %arg8[%dma_start3A_366, %dma_start3A_367] : memref<16x128xi32, #tpu.memory_space<vmem>> -> memref<1x128xi32, #tpu.memory_space<vmem>>
      %dma_start3A_369 = tpu.memref_squeeze %dma_start3A_368 : memref<1x128xi32, #tpu.memory_space<vmem>> -> memref<128xi32, #tpu.memory_space<vmem>>
      %dma_start3A_370 = arith.constant 0 : i32
      %dma_start3A_371 = arith.constant 0 : i32
      %dma_start3A_372 = tpu.memref_slice %arg2[%dma_start3A_370, %dma_start3A_371] : memref<10000x128xf32, #tpu.memory_space<hbm>> -> memref<10000x128xf32, #tpu.memory_space<hbm>>
      tpu.enqueue_indirect_dma source(%dma_start3A_372 : memref<10000x128xf32, #tpu.memory_space<hbm>>) target(%arg11 : memref<128x128xf32, #tpu.memory_space<vmem>>) offsets(%dma_start3A_369 : memref<128xi32, #tpu.memory_space<vmem>>) semaphore(%arg14 : memref<!tpu.dma_semaphore, #tpu.memory_space<semaphore_mem>>)
      %dma_wait3A_373 = arith.constant 12 : i32
      %dma_wait3A_374 = arith.constant 0 : i32
      %dma_wait3A_375 = tpu.memref_slice %arg8[%dma_wait3A_373, %dma_wait3A_374] : memref<16x128xi32, #tpu.memory_space<vmem>> -> memref<1x128xi32, #tpu.memory_space<vmem>>
      %dma_wait3A_376 = tpu.memref_squeeze %dma_wait3A_375 : memref<1x128xi32, #tpu.memory_space<vmem>> -> memref<128xi32, #tpu.memory_space<vmem>>
      %dma_wait3A_377 = arith.constant 0 : i32
      %dma_wait3A_378 = arith.constant 0 : i32
      %dma_wait3A_379 = tpu.memref_slice %arg2[%dma_wait3A_377, %dma_wait3A_378] : memref<10000x128xf32, #tpu.memory_space<hbm>> -> memref<10000x128xf32, #tpu.memory_space<hbm>>
      tpu.wait_indirect_dma semaphore(%arg13 : memref<!tpu.dma_semaphore, #tpu.memory_space<semaphore_mem>>) src(%dma_wait3A_379 : memref<10000x128xf32, #tpu.memory_space<hbm>>) dst(%arg10 : memref<128x128xf32, #tpu.memory_space<vmem>>)
      %dma_start3A_380 = arith.constant 12 : i32
      %dma_start3A_381 = arith.constant 0 : i32
      %dma_start3A_382 = tpu.memref_slice %arg9[%dma_start3A_380, %dma_start3A_381] : memref<16x128xi32, #tpu.memory_space<vmem>> -> memref<1x128xi32, #tpu.memory_space<vmem>>
      %dma_start3A_383 = tpu.memref_squeeze %dma_start3A_382 : memref<1x128xi32, #tpu.memory_space<vmem>> -> memref<128xi32, #tpu.memory_space<vmem>>
      %dma_start3A_384 = arith.constant 0 : i32
      %dma_start3A_385 = arith.constant 0 : i32
      %dma_start3A_386 = tpu.memref_slice %arg12[%dma_start3A_384, %dma_start3A_385] : memref<10240x128xf32, #tpu.memory_space<vmem_shared>> -> memref<10240x128xf32, #tpu.memory_space<vmem_shared>>
      tpu.enqueue_indirect_dma source(%arg10 : memref<128x128xf32, #tpu.memory_space<vmem>>) target(%dma_start3A_386 : memref<10240x128xf32, #tpu.memory_space<vmem_shared>>) offsets(%dma_start3A_383 : memref<128xi32, #tpu.memory_space<vmem>>) semaphore(%arg15 : memref<!tpu.dma_semaphore, #tpu.memory_space<semaphore_mem>>) {add = true}
      %dma_wait3A_387 = arith.constant 12 : i32
      %dma_wait3A_388 = arith.constant 0 : i32
      %dma_wait3A_389 = tpu.memref_slice %arg9[%dma_wait3A_387, %dma_wait3A_388] : memref<16x128xi32, #tpu.memory_space<vmem>> -> memref<1x128xi32, #tpu.memory_space<vmem>>
      %dma_wait3A_390 = tpu.memref_squeeze %dma_wait3A_389 : memref<1x128xi32, #tpu.memory_space<vmem>> -> memref<128xi32, #tpu.memory_space<vmem>>
      %dma_wait3A_391 = arith.constant 0 : i32
      %dma_wait3A_392 = arith.constant 0 : i32
      %dma_wait3A_393 = tpu.memref_slice %arg12[%dma_wait3A_391, %dma_wait3A_392] : memref<10240x128xf32, #tpu.memory_space<vmem_shared>> -> memref<10240x128xf32, #tpu.memory_space<vmem_shared>>
      tpu.wait_indirect_dma semaphore(%arg15 : memref<!tpu.dma_semaphore, #tpu.memory_space<semaphore_mem>>) src(%arg10 : memref<128x128xf32, #tpu.memory_space<vmem>>) dst(%dma_wait3A_393 : memref<10240x128xf32, #tpu.memory_space<vmem_shared>>)
      %dma_start3A_394 = arith.constant 14 : i32
      %dma_start3A_395 = arith.constant 0 : i32
      %dma_start3A_396 = tpu.memref_slice %arg8[%dma_start3A_394, %dma_start3A_395] : memref<16x128xi32, #tpu.memory_space<vmem>> -> memref<1x128xi32, #tpu.memory_space<vmem>>
      %dma_start3A_397 = tpu.memref_squeeze %dma_start3A_396 : memref<1x128xi32, #tpu.memory_space<vmem>> -> memref<128xi32, #tpu.memory_space<vmem>>
      %dma_start3A_398 = arith.constant 0 : i32
      %dma_start3A_399 = arith.constant 0 : i32
      %dma_start3A_400 = tpu.memref_slice %arg2[%dma_start3A_398, %dma_start3A_399] : memref<10000x128xf32, #tpu.memory_space<hbm>> -> memref<10000x128xf32, #tpu.memory_space<hbm>>
      tpu.enqueue_indirect_dma source(%dma_start3A_400 : memref<10000x128xf32, #tpu.memory_space<hbm>>) target(%arg10 : memref<128x128xf32, #tpu.memory_space<vmem>>) offsets(%dma_start3A_397 : memref<128xi32, #tpu.memory_space<vmem>>) semaphore(%arg13 : memref<!tpu.dma_semaphore, #tpu.memory_space<semaphore_mem>>)
      %dma_wait3A_401 = arith.constant 13 : i32
      %dma_wait3A_402 = arith.constant 0 : i32
      %dma_wait3A_403 = tpu.memref_slice %arg8[%dma_wait3A_401, %dma_wait3A_402] : memref<16x128xi32, #tpu.memory_space<vmem>> -> memref<1x128xi32, #tpu.memory_space<vmem>>
      %dma_wait3A_404 = tpu.memref_squeeze %dma_wait3A_403 : memref<1x128xi32, #tpu.memory_space<vmem>> -> memref<128xi32, #tpu.memory_space<vmem>>
      %dma_wait3A_405 = arith.constant 0 : i32
      %dma_wait3A_406 = arith.constant 0 : i32
      %dma_wait3A_407 = tpu.memref_slice %arg2[%dma_wait3A_405, %dma_wait3A_406] : memref<10000x128xf32, #tpu.memory_space<hbm>> -> memref<10000x128xf32, #tpu.memory_space<hbm>>
      tpu.wait_indirect_dma semaphore(%arg14 : memref<!tpu.dma_semaphore, #tpu.memory_space<semaphore_mem>>) src(%dma_wait3A_407 : memref<10000x128xf32, #tpu.memory_space<hbm>>) dst(%arg11 : memref<128x128xf32, #tpu.memory_space<vmem>>)
      %dma_start3A_408 = arith.constant 13 : i32
      %dma_start3A_409 = arith.constant 0 : i32
      %dma_start3A_410 = tpu.memref_slice %arg9[%dma_start3A_408, %dma_start3A_409] : memref<16x128xi32, #tpu.memory_space<vmem>> -> memref<1x128xi32, #tpu.memory_space<vmem>>
      %dma_start3A_411 = tpu.memref_squeeze %dma_start3A_410 : memref<1x128xi32, #tpu.memory_space<vmem>> -> memref<128xi32, #tpu.memory_space<vmem>>
      %dma_start3A_412 = arith.constant 0 : i32
      %dma_start3A_413 = arith.constant 0 : i32
      %dma_start3A_414 = tpu.memref_slice %arg12[%dma_start3A_412, %dma_start3A_413] : memref<10240x128xf32, #tpu.memory_space<vmem_shared>> -> memref<10240x128xf32, #tpu.memory_space<vmem_shared>>
      tpu.enqueue_indirect_dma source(%arg11 : memref<128x128xf32, #tpu.memory_space<vmem>>) target(%dma_start3A_414 : memref<10240x128xf32, #tpu.memory_space<vmem_shared>>) offsets(%dma_start3A_411 : memref<128xi32, #tpu.memory_space<vmem>>) semaphore(%arg16 : memref<!tpu.dma_semaphore, #tpu.memory_space<semaphore_mem>>) {add = true}
      %dma_wait3A_415 = arith.constant 13 : i32
      %dma_wait3A_416 = arith.constant 0 : i32
      %dma_wait3A_417 = tpu.memref_slice %arg9[%dma_wait3A_415, %dma_wait3A_416] : memref<16x128xi32, #tpu.memory_space<vmem>> -> memref<1x128xi32, #tpu.memory_space<vmem>>
      %dma_wait3A_418 = tpu.memref_squeeze %dma_wait3A_417 : memref<1x128xi32, #tpu.memory_space<vmem>> -> memref<128xi32, #tpu.memory_space<vmem>>
      %dma_wait3A_419 = arith.constant 0 : i32
      %dma_wait3A_420 = arith.constant 0 : i32
      %dma_wait3A_421 = tpu.memref_slice %arg12[%dma_wait3A_419, %dma_wait3A_420] : memref<10240x128xf32, #tpu.memory_space<vmem_shared>> -> memref<10240x128xf32, #tpu.memory_space<vmem_shared>>
      tpu.wait_indirect_dma semaphore(%arg16 : memref<!tpu.dma_semaphore, #tpu.memory_space<semaphore_mem>>) src(%arg11 : memref<128x128xf32, #tpu.memory_space<vmem>>) dst(%dma_wait3A_421 : memref<10240x128xf32, #tpu.memory_space<vmem_shared>>)
      %dma_start3A_422 = arith.constant 15 : i32
      %dma_start3A_423 = arith.constant 0 : i32
      %dma_start3A_424 = tpu.memref_slice %arg8[%dma_start3A_422, %dma_start3A_423] : memref<16x128xi32, #tpu.memory_space<vmem>> -> memref<1x128xi32, #tpu.memory_space<vmem>>
      %dma_start3A_425 = tpu.memref_squeeze %dma_start3A_424 : memref<1x128xi32, #tpu.memory_space<vmem>> -> memref<128xi32, #tpu.memory_space<vmem>>
      %dma_start3A_426 = arith.constant 0 : i32
      %dma_start3A_427 = arith.constant 0 : i32
      %dma_start3A_428 = tpu.memref_slice %arg2[%dma_start3A_426, %dma_start3A_427] : memref<10000x128xf32, #tpu.memory_space<hbm>> -> memref<10000x128xf32, #tpu.memory_space<hbm>>
      tpu.enqueue_indirect_dma source(%dma_start3A_428 : memref<10000x128xf32, #tpu.memory_space<hbm>>) target(%arg11 : memref<128x128xf32, #tpu.memory_space<vmem>>) offsets(%dma_start3A_425 : memref<128xi32, #tpu.memory_space<vmem>>) semaphore(%arg14 : memref<!tpu.dma_semaphore, #tpu.memory_space<semaphore_mem>>)
      %dma_wait3A_429 = arith.constant 14 : i32
      %dma_wait3A_430 = arith.constant 0 : i32
      %dma_wait3A_431 = tpu.memref_slice %arg8[%dma_wait3A_429, %dma_wait3A_430] : memref<16x128xi32, #tpu.memory_space<vmem>> -> memref<1x128xi32, #tpu.memory_space<vmem>>
      %dma_wait3A_432 = tpu.memref_squeeze %dma_wait3A_431 : memref<1x128xi32, #tpu.memory_space<vmem>> -> memref<128xi32, #tpu.memory_space<vmem>>
      %dma_wait3A_433 = arith.constant 0 : i32
      %dma_wait3A_434 = arith.constant 0 : i32
      %dma_wait3A_435 = tpu.memref_slice %arg2[%dma_wait3A_433, %dma_wait3A_434] : memref<10000x128xf32, #tpu.memory_space<hbm>> -> memref<10000x128xf32, #tpu.memory_space<hbm>>
      tpu.wait_indirect_dma semaphore(%arg13 : memref<!tpu.dma_semaphore, #tpu.memory_space<semaphore_mem>>) src(%dma_wait3A_435 : memref<10000x128xf32, #tpu.memory_space<hbm>>) dst(%arg10 : memref<128x128xf32, #tpu.memory_space<vmem>>)
      %dma_start3A_436 = arith.constant 14 : i32
      %dma_start3A_437 = arith.constant 0 : i32
      %dma_start3A_438 = tpu.memref_slice %arg9[%dma_start3A_436, %dma_start3A_437] : memref<16x128xi32, #tpu.memory_space<vmem>> -> memref<1x128xi32, #tpu.memory_space<vmem>>
      %dma_start3A_439 = tpu.memref_squeeze %dma_start3A_438 : memref<1x128xi32, #tpu.memory_space<vmem>> -> memref<128xi32, #tpu.memory_space<vmem>>
      %dma_start3A_440 = arith.constant 0 : i32
      %dma_start3A_441 = arith.constant 0 : i32
      %dma_start3A_442 = tpu.memref_slice %arg12[%dma_start3A_440, %dma_start3A_441] : memref<10240x128xf32, #tpu.memory_space<vmem_shared>> -> memref<10240x128xf32, #tpu.memory_space<vmem_shared>>
      tpu.enqueue_indirect_dma source(%arg10 : memref<128x128xf32, #tpu.memory_space<vmem>>) target(%dma_start3A_442 : memref<10240x128xf32, #tpu.memory_space<vmem_shared>>) offsets(%dma_start3A_439 : memref<128xi32, #tpu.memory_space<vmem>>) semaphore(%arg15 : memref<!tpu.dma_semaphore, #tpu.memory_space<semaphore_mem>>) {add = true}
      %dma_wait3A_443 = arith.constant 15 : i32
      %dma_wait3A_444 = arith.constant 0 : i32
      %dma_wait3A_445 = tpu.memref_slice %arg8[%dma_wait3A_443, %dma_wait3A_444] : memref<16x128xi32, #tpu.memory_space<vmem>> -> memref<1x128xi32, #tpu.memory_space<vmem>>
      %dma_wait3A_446 = tpu.memref_squeeze %dma_wait3A_445 : memref<1x128xi32, #tpu.memory_space<vmem>> -> memref<128xi32, #tpu.memory_space<vmem>>
      %dma_wait3A_447 = arith.constant 0 : i32
      %dma_wait3A_448 = arith.constant 0 : i32
      %dma_wait3A_449 = tpu.memref_slice %arg2[%dma_wait3A_447, %dma_wait3A_448] : memref<10000x128xf32, #tpu.memory_space<hbm>> -> memref<10000x128xf32, #tpu.memory_space<hbm>>
      tpu.wait_indirect_dma semaphore(%arg14 : memref<!tpu.dma_semaphore, #tpu.memory_space<semaphore_mem>>) src(%dma_wait3A_449 : memref<10000x128xf32, #tpu.memory_space<hbm>>) dst(%arg11 : memref<128x128xf32, #tpu.memory_space<vmem>>)
      %dma_start3A_450 = arith.constant 15 : i32
      %dma_start3A_451 = arith.constant 0 : i32
      %dma_start3A_452 = tpu.memref_slice %arg9[%dma_start3A_450, %dma_start3A_451] : memref<16x128xi32, #tpu.memory_space<vmem>> -> memref<1x128xi32, #tpu.memory_space<vmem>>
      %dma_start3A_453 = tpu.memref_squeeze %dma_start3A_452 : memref<1x128xi32, #tpu.memory_space<vmem>> -> memref<128xi32, #tpu.memory_space<vmem>>
      %dma_start3A_454 = arith.constant 0 : i32
      %dma_start3A_455 = arith.constant 0 : i32
      %dma_start3A_456 = tpu.memref_slice %arg12[%dma_start3A_454, %dma_start3A_455] : memref<10240x128xf32, #tpu.memory_space<vmem_shared>> -> memref<10240x128xf32, #tpu.memory_space<vmem_shared>>
      tpu.enqueue_indirect_dma source(%arg11 : memref<128x128xf32, #tpu.memory_space<vmem>>) target(%dma_start3A_456 : memref<10240x128xf32, #tpu.memory_space<vmem_shared>>) offsets(%dma_start3A_453 : memref<128xi32, #tpu.memory_space<vmem>>) semaphore(%arg16 : memref<!tpu.dma_semaphore, #tpu.memory_space<semaphore_mem>>) {add = true}
      %dma_wait3A_457 = arith.constant 14 : i32
      %dma_wait3A_458 = arith.constant 0 : i32
      %dma_wait3A_459 = tpu.memref_slice %arg9[%dma_wait3A_457, %dma_wait3A_458] : memref<16x128xi32, #tpu.memory_space<vmem>> -> memref<1x128xi32, #tpu.memory_space<vmem>>
      %dma_wait3A_460 = tpu.memref_squeeze %dma_wait3A_459 : memref<1x128xi32, #tpu.memory_space<vmem>> -> memref<128xi32, #tpu.memory_space<vmem>>
      %dma_wait3A_461 = arith.constant 0 : i32
      %dma_wait3A_462 = arith.constant 0 : i32
      %dma_wait3A_463 = tpu.memref_slice %arg12[%dma_wait3A_461, %dma_wait3A_462] : memref<10240x128xf32, #tpu.memory_space<vmem_shared>> -> memref<10240x128xf32, #tpu.memory_space<vmem_shared>>
      tpu.wait_indirect_dma semaphore(%arg15 : memref<!tpu.dma_semaphore, #tpu.memory_space<semaphore_mem>>) src(%arg10 : memref<128x128xf32, #tpu.memory_space<vmem>>) dst(%dma_wait3A_463 : memref<10240x128xf32, #tpu.memory_space<vmem_shared>>)
      %dma_wait3A_464 = arith.constant 15 : i32
      %dma_wait3A_465 = arith.constant 0 : i32
      %dma_wait3A_466 = tpu.memref_slice %arg9[%dma_wait3A_464, %dma_wait3A_465] : memref<16x128xi32, #tpu.memory_space<vmem>> -> memref<1x128xi32, #tpu.memory_space<vmem>>
      %dma_wait3A_467 = tpu.memref_squeeze %dma_wait3A_466 : memref<1x128xi32, #tpu.memory_space<vmem>> -> memref<128xi32, #tpu.memory_space<vmem>>
      %dma_wait3A_468 = arith.constant 0 : i32
      %dma_wait3A_469 = arith.constant 0 : i32
      %dma_wait3A_470 = tpu.memref_slice %arg12[%dma_wait3A_468, %dma_wait3A_469] : memref<10240x128xf32, #tpu.memory_space<vmem_shared>> -> memref<10240x128xf32, #tpu.memory_space<vmem_shared>>
      tpu.wait_indirect_dma semaphore(%arg16 : memref<!tpu.dma_semaphore, #tpu.memory_space<semaphore_mem>>) src(%arg11 : memref<128x128xf32, #tpu.memory_space<vmem>>) dst(%dma_wait3A_470 : memref<10240x128xf32, #tpu.memory_space<vmem_shared>>)
    }
    %scan3A_11 = arith.constant 5 : i32
    %barrier3A_12 = arith.constant 0 : index
    tpu.barrier barrier_id(%barrier3A_12)
    %eq3A = arith.constant 0 : i32
    "tpu.trace_stop"() : () -> ()
    "tpu.trace_start"() <{level = 10 : i32, message = "writeout"}> : () -> ()
    %eq3A_13 = arith.cmpi eq, %arg0, %eq3A : i32
    %convert_element_type3A = arith.extui %eq3A_13 : i1 to i32
    %cond3A = arith.constant 0 : i32
    %cond3A_14 = arith.cmpi ne, %convert_element_type3A, %cond3A : i32
    scf.if %cond3A_14 {
      %mul3A_20 = arith.constant 640 : i32
      %mul3A_21 = arith.muli %arg1, %mul3A_20 : i32
      %mul3A_22 = arith.constant 640 : i32
      %mul3A_23 = arith.muli %arg1, %mul3A_22 : i32
      "tpu.region"() ({
        %run_scoped3A = tpu.sem_alloc : memref<!tpu.dma_semaphore, #tpu.memory_space<semaphore_mem>>
        %dma_start3A = arith.constant 0 : i32
        %dma_start3A_24 = tpu.memref_slice %arg6[%mul3A_23, %dma_start3A] : memref<10240x128xf32, #tpu.memory_space<hbm>> -> memref<640x128xf32, #tpu.memory_space<hbm>>
        %dma_start3A_25 = arith.constant 0 : i32
        %dma_start3A_26 = tpu.memref_slice %arg12[%mul3A_21, %dma_start3A_25] : memref<10240x128xf32, #tpu.memory_space<vmem_shared>> -> memref<640x128xf32, #tpu.memory_space<vmem_shared>>
        tpu.enqueue_dma source(%dma_start3A_26 : memref<640x128xf32, #tpu.memory_space<vmem_shared>>) target(%dma_start3A_24 : memref<640x128xf32, #tpu.memory_space<hbm>>) target_semaphore(%run_scoped3A : memref<!tpu.dma_semaphore, #tpu.memory_space<semaphore_mem>>)
        %dma_wait3A = arith.constant 0 : i32
        %dma_wait3A_27 = tpu.memref_slice %arg6[%mul3A_23, %dma_wait3A] : memref<10240x128xf32, #tpu.memory_space<hbm>> -> memref<640x128xf32, #tpu.memory_space<hbm>>
        %dma_wait3A_28 = arith.constant 0 : i32
        %dma_wait3A_29 = tpu.memref_slice %arg12[%mul3A_21, %dma_wait3A_28] : memref<10240x128xf32, #tpu.memory_space<vmem_shared>> -> memref<640x128xf32, #tpu.memory_space<vmem_shared>>
        tpu.wait_dma2 semaphore(%run_scoped3A : memref<!tpu.dma_semaphore, #tpu.memory_space<semaphore_mem>>) src(%dma_wait3A_29 : memref<640x128xf32, #tpu.memory_space<vmem_shared>>) dst(%dma_wait3A_27 : memref<640x128xf32, #tpu.memory_space<hbm>>)
        tpu.yield
      }) : () -> ()
    } else {
    }
    %eq3A_15 = arith.constant 1 : i32
    %eq3A_16 = arith.cmpi eq, %arg0, %eq3A_15 : i32
    %convert_element_type3A_17 = arith.extui %eq3A_16 : i1 to i32
    %cond3A_18 = arith.constant 0 : i32
    %cond3A_19 = arith.cmpi ne, %convert_element_type3A_17, %cond3A_18 : i32
    scf.if %cond3A_19 {
      %mul3A_20 = arith.constant 640 : i32
      %mul3A_21 = arith.muli %arg1, %mul3A_20 : i32
      %mul3A_22 = arith.constant 640 : i32
      %mul3A_23 = arith.muli %arg1, %mul3A_22 : i32
      "tpu.region"() ({
        %run_scoped3A = tpu.sem_alloc : memref<!tpu.dma_semaphore, #tpu.memory_space<semaphore_mem>>
        %dma_start3A = arith.constant 0 : i32
        %dma_start3A_24 = tpu.memref_slice %arg7[%mul3A_23, %dma_start3A] : memref<10240x128xf32, #tpu.memory_space<hbm>> -> memref<640x128xf32, #tpu.memory_space<hbm>>
        %dma_start3A_25 = arith.constant 0 : i32
        %dma_start3A_26 = tpu.memref_slice %arg12[%mul3A_21, %dma_start3A_25] : memref<10240x128xf32, #tpu.memory_space<vmem_shared>> -> memref<640x128xf32, #tpu.memory_space<vmem_shared>>
        tpu.enqueue_dma source(%dma_start3A_26 : memref<640x128xf32, #tpu.memory_space<vmem_shared>>) target(%dma_start3A_24 : memref<640x128xf32, #tpu.memory_space<hbm>>) target_semaphore(%run_scoped3A : memref<!tpu.dma_semaphore, #tpu.memory_space<semaphore_mem>>)
        %dma_wait3A = arith.constant 0 : i32
        %dma_wait3A_27 = tpu.memref_slice %arg7[%mul3A_23, %dma_wait3A] : memref<10240x128xf32, #tpu.memory_space<hbm>> -> memref<640x128xf32, #tpu.memory_space<hbm>>
        %dma_wait3A_28 = arith.constant 0 : i32
        %dma_wait3A_29 = tpu.memref_slice %arg12[%mul3A_21, %dma_wait3A_28] : memref<10240x128xf32, #tpu.memory_space<vmem_shared>> -> memref<640x128xf32, #tpu.memory_space<vmem_shared>>
        tpu.wait_dma2 semaphore(%run_scoped3A : memref<!tpu.dma_semaphore, #tpu.memory_space<semaphore_mem>>) src(%dma_wait3A_29 : memref<640x128xf32, #tpu.memory_space<vmem_shared>>) dst(%dma_wait3A_27 : memref<640x128xf32, #tpu.memory_space<hbm>>)
        tpu.yield
      }) : () -> ()
    } else {
    }
    "tpu.trace_stop"() : () -> ()
    return
  }
}

#map = affine_map<(d0, d1) -> (0, 0)>
#map1 = affine_map<(d0, d1) -> (0, 0, 0)>
module attributes {stable_mosaic.version = 14 : i64} {
  func.func @seg_sum(%arg0: i32, %arg1: i32, %arg2: memref<10000x128xf32, #tpu.memory_space<hbm>>, %arg3: memref<32x80x128xi32, #tpu.memory_space<hbm>>, %arg4: memref<32x80x128xi32, #tpu.memory_space<hbm>>, %arg5: memref<128x128xf32, #tpu.memory_space<hbm>>, %arg6: memref<10240x128xf32, #tpu.memory_space<hbm>>, %arg7: memref<10240x128xf32, #tpu.memory_space<hbm>>, %arg8: memref<16x128xi32, #tpu.memory_space<vmem>>, %arg9: memref<16x128xi32, #tpu.memory_space<vmem>>, %arg10: memref<128x128xf32, #tpu.memory_space<vmem>>, %arg11: memref<128x128xf32, #tpu.memory_space<vmem>>, %arg12: memref<10240x128xf32, #tpu.memory_space<vmem_shared>>, %arg13: memref<!tpu.dma_semaphore, #tpu.memory_space<semaphore_mem>>, %arg14: memref<!tpu.dma_semaphore, #tpu.memory_space<semaphore_mem>>, %arg15: memref<!tpu.dma_semaphore, #tpu.memory_space<semaphore_mem>>, %arg16: memref<!tpu.dma_semaphore, #tpu.memory_space<semaphore_mem>>) attributes {dimension_semantics = [#tpu.dimension_semantics<core_parallel>, #tpu.dimension_semantics<subcore_parallel>], iteration_bounds = array<i64: 2, 16>, scalar_prefetch = 0 : i64, scratch_operands = 9 : i64, tpu.core_type = #tpu.core_type<sc_vector_subcore>, window_params = [{transform_indices = #map}, {transform_indices = #map1}, {transform_indices = #map1}, {transform_indices = #map}, {transform_indices = #map}, {transform_indices = #map}]} {
    %mul3A = arith.constant 16 : i32
    %mul3A_0 = arith.muli %arg0, %mul3A : i32
    %add3A = arith.addi %mul3A_0, %arg1 : i32
    "tpu.trace_start"() <{level = 10 : i32, message = "acc_zero"}> : () -> ()
    "tpu.region"() ({
      %run_scoped3A = tpu.sem_alloc : memref<!tpu.dma_semaphore, #tpu.memory_space<semaphore_mem>>
      tpu.enqueue_dma source(%arg5 : memref<128x128xf32, #tpu.memory_space<hbm>>) target(%arg10 : memref<128x128xf32, #tpu.memory_space<vmem>>) target_semaphore(%run_scoped3A : memref<!tpu.dma_semaphore, #tpu.memory_space<semaphore_mem>>)
      tpu.wait_dma2 semaphore(%run_scoped3A : memref<!tpu.dma_semaphore, #tpu.memory_space<semaphore_mem>>) src(%arg5 : memref<128x128xf32, #tpu.memory_space<hbm>>) dst(%arg10 : memref<128x128xf32, #tpu.memory_space<vmem>>)
      tpu.yield
    }) : () -> ()
    %scan3A = arith.constant 0 : i32
    %scan3A_1 = arith.constant 0 : i32
    %scan3A_2 = arith.constant 5 : i32
    %scan3A_3 = arith.addi %scan3A_1, %scan3A_2 : i32
    %scan3A_4 = arith.constant 1 : i32
    scf.for %scan3A_20 = %scan3A_1 to %scan3A_3 step %scan3A_4  : i32 {
      %mul3A_21 = arith.constant 640 : i32
      %mul3A_22 = arith.muli %arg1, %mul3A_21 : i32
      %mul3A_23 = arith.constant 128 : i32
      %mul3A_24 = arith.muli %scan3A_20, %mul3A_23 : i32
      %add3A_25 = arith.addi %mul3A_22, %mul3A_24 : i32
      "tpu.region"() ({
        %run_scoped3A = tpu.sem_alloc : memref<!tpu.dma_semaphore, #tpu.memory_space<semaphore_mem>>
        %dma_start3A = arith.constant 0 : i32
        %dma_start3A_26 = tpu.memref_slice %arg12[%add3A_25, %dma_start3A] : memref<10240x128xf32, #tpu.memory_space<vmem_shared>> -> memref<128x128xf32, #tpu.memory_space<vmem_shared>>
        %dma_start3A_27 = arith.constant 0 : i32
        %dma_start3A_28 = tpu.memref_slice %arg12[%add3A_25, %dma_start3A_27] : memref<10240x128xf32, #tpu.memory_space<vmem_shared>> -> memref<128x128xf32, #tpu.memory_space<vmem_shared>>
        tpu.enqueue_dma source(%arg10 : memref<128x128xf32, #tpu.memory_space<vmem>>) target(%dma_start3A_28 : memref<128x128xf32, #tpu.memory_space<vmem_shared>>) target_semaphore(%run_scoped3A : memref<!tpu.dma_semaphore, #tpu.memory_space<semaphore_mem>>)
        %dma_wait3A = arith.constant 0 : i32
        %dma_wait3A_29 = tpu.memref_slice %arg12[%add3A_25, %dma_wait3A] : memref<10240x128xf32, #tpu.memory_space<vmem_shared>> -> memref<128x128xf32, #tpu.memory_space<vmem_shared>>
        %dma_wait3A_30 = arith.constant 0 : i32
        %dma_wait3A_31 = tpu.memref_slice %arg12[%add3A_25, %dma_wait3A_30] : memref<10240x128xf32, #tpu.memory_space<vmem_shared>> -> memref<128x128xf32, #tpu.memory_space<vmem_shared>>
        tpu.wait_dma2 semaphore(%run_scoped3A : memref<!tpu.dma_semaphore, #tpu.memory_space<semaphore_mem>>) src(%arg10 : memref<128x128xf32, #tpu.memory_space<vmem>>) dst(%dma_wait3A_31 : memref<128x128xf32, #tpu.memory_space<vmem_shared>>)
        tpu.yield
      }) : () -> ()
    }
    %scan3A_5 = arith.constant 5 : i32
    %barrier3A = arith.constant 0 : index
    tpu.barrier barrier_id(%barrier3A)
    "tpu.trace_stop"() : () -> ()
    "tpu.trace_start"() <{level = 10 : i32, message = "edge_loop"}> : () -> ()
    %scan3A_6 = arith.constant 0 : i32
    %scan3A_7 = arith.constant 0 : i32
    %scan3A_8 = arith.constant 5 : i32
    %scan3A_9 = arith.addi %scan3A_7, %scan3A_8 : i32
    %scan3A_10 = arith.constant 1 : i32
    scf.for %scan3A_20 = %scan3A_7 to %scan3A_9 step %scan3A_10  : i32 {
      %mul3A_21 = arith.constant 16 : i32
      %mul3A_22 = arith.muli %scan3A_20, %mul3A_21 : i32
      "tpu.region"() ({
        %run_scoped3A = tpu.sem_alloc : memref<!tpu.dma_semaphore, #tpu.memory_space<semaphore_mem>>
        %dma_start3A_471 = arith.constant 0 : i32
        %dma_start3A_472 = tpu.memref_slice %arg3[%add3A, %mul3A_22, %dma_start3A_471] : memref<32x80x128xi32, #tpu.memory_space<hbm>> -> memref<1x16x128xi32, #tpu.memory_space<hbm>>
        %dma_start3A_473 = tpu.memref_squeeze %dma_start3A_472 : memref<1x16x128xi32, #tpu.memory_space<hbm>> -> memref<16x128xi32, #tpu.memory_space<hbm>>
        %dma_start3A_474 = arith.constant 0 : i32
        %dma_start3A_475 = tpu.memref_slice %arg3[%add3A, %mul3A_22, %dma_start3A_474] : memref<32x80x128xi32, #tpu.memory_space<hbm>> -> memref<1x16x128xi32, #tpu.memory_space<hbm>>
        %dma_start3A_476 = tpu.memref_squeeze %dma_start3A_475 : memref<1x16x128xi32, #tpu.memory_space<hbm>> -> memref<16x128xi32, #tpu.memory_space<hbm>>
        tpu.enqueue_dma source(%dma_start3A_476 : memref<16x128xi32, #tpu.memory_space<hbm>>) target(%arg8 : memref<16x128xi32, #tpu.memory_space<vmem>>) target_semaphore(%run_scoped3A : memref<!tpu.dma_semaphore, #tpu.memory_space<semaphore_mem>>)
        %dma_wait3A_477 = arith.constant 0 : i32
        %dma_wait3A_478 = tpu.memref_slice %arg3[%add3A, %mul3A_22, %dma_wait3A_477] : memref<32x80x128xi32, #tpu.memory_space<hbm>> -> memref<1x16x128xi32, #tpu.memory_space<hbm>>
        %dma_wait3A_479 = tpu.memref_squeeze %dma_wait3A_478 : memref<1x16x128xi32, #tpu.memory_space<hbm>> -> memref<16x128xi32, #tpu.memory_space<hbm>>
        %dma_wait3A_480 = arith.constant 0 : i32
        %dma_wait3A_481 = tpu.memref_slice %arg3[%add3A, %mul3A_22, %dma_wait3A_480] : memref<32x80x128xi32, #tpu.memory_space<hbm>> -> memref<1x16x128xi32, #tpu.memory_space<hbm>>
        %dma_wait3A_482 = tpu.memref_squeeze %dma_wait3A_481 : memref<1x16x128xi32, #tpu.memory_space<hbm>> -> memref<16x128xi32, #tpu.memory_space<hbm>>
        tpu.wait_dma2 semaphore(%run_scoped3A : memref<!tpu.dma_semaphore, #tpu.memory_space<semaphore_mem>>) src(%dma_wait3A_482 : memref<16x128xi32, #tpu.memory_space<hbm>>) dst(%arg8 : memref<16x128xi32, #tpu.memory_space<vmem>>)
        tpu.yield
      }) : () -> ()
      %mul3A_23 = arith.constant 16 : i32
      %mul3A_24 = arith.muli %scan3A_20, %mul3A_23 : i32
      "tpu.region"() ({
        %run_scoped3A = tpu.sem_alloc : memref<!tpu.dma_semaphore, #tpu.memory_space<semaphore_mem>>
        %dma_start3A_471 = arith.constant 0 : i32
        %dma_start3A_472 = tpu.memref_slice %arg4[%add3A, %mul3A_24, %dma_start3A_471] : memref<32x80x128xi32, #tpu.memory_space<hbm>> -> memref<1x16x128xi32, #tpu.memory_space<hbm>>
        %dma_start3A_473 = tpu.memref_squeeze %dma_start3A_472 : memref<1x16x128xi32, #tpu.memory_space<hbm>> -> memref<16x128xi32, #tpu.memory_space<hbm>>
        %dma_start3A_474 = arith.constant 0 : i32
        %dma_start3A_475 = tpu.memref_slice %arg4[%add3A, %mul3A_24, %dma_start3A_474] : memref<32x80x128xi32, #tpu.memory_space<hbm>> -> memref<1x16x128xi32, #tpu.memory_space<hbm>>
        %dma_start3A_476 = tpu.memref_squeeze %dma_start3A_475 : memref<1x16x128xi32, #tpu.memory_space<hbm>> -> memref<16x128xi32, #tpu.memory_space<hbm>>
        tpu.enqueue_dma source(%dma_start3A_476 : memref<16x128xi32, #tpu.memory_space<hbm>>) target(%arg9 : memref<16x128xi32, #tpu.memory_space<vmem>>) target_semaphore(%run_scoped3A : memref<!tpu.dma_semaphore, #tpu.memory_space<semaphore_mem>>)
        %dma_wait3A_477 = arith.constant 0 : i32
        %dma_wait3A_478 = tpu.memref_slice %arg4[%add3A, %mul3A_24, %dma_wait3A_477] : memref<32x80x128xi32, #tpu.memory_space<hbm>> -> memref<1x16x128xi32, #tpu.memory_space<hbm>>
        %dma_wait3A_479 = tpu.memref_squeeze %dma_wait3A_478 : memref<1x16x128xi32, #tpu.memory_space<hbm>> -> memref<16x128xi32, #tpu.memory_space<hbm>>
        %dma_wait3A_480 = arith.constant 0 : i32
        %dma_wait3A_481 = tpu.memref_slice %arg4[%add3A, %mul3A_24, %dma_wait3A_480] : memref<32x80x128xi32, #tpu.memory_space<hbm>> -> memref<1x16x128xi32, #tpu.memory_space<hbm>>
        %dma_wait3A_482 = tpu.memref_squeeze %dma_wait3A_481 : memref<1x16x128xi32, #tpu.memory_space<hbm>> -> memref<16x128xi32, #tpu.memory_space<hbm>>
        tpu.wait_dma2 semaphore(%run_scoped3A : memref<!tpu.dma_semaphore, #tpu.memory_space<semaphore_mem>>) src(%dma_wait3A_482 : memref<16x128xi32, #tpu.memory_space<hbm>>) dst(%arg9 : memref<16x128xi32, #tpu.memory_space<vmem>>)
        tpu.yield
      }) : () -> ()
      %dma_start3A = arith.constant 0 : i32
      %dma_start3A_25 = arith.constant 0 : i32
      %dma_start3A_26 = tpu.memref_slice %arg8[%dma_start3A, %dma_start3A_25] : memref<16x128xi32, #tpu.memory_space<vmem>> -> memref<1x128xi32, #tpu.memory_space<vmem>>
      %dma_start3A_27 = tpu.memref_squeeze %dma_start3A_26 : memref<1x128xi32, #tpu.memory_space<vmem>> -> memref<128xi32, #tpu.memory_space<vmem>>
      %dma_start3A_28 = arith.constant 0 : i32
      %dma_start3A_29 = arith.constant 0 : i32
      %dma_start3A_30 = tpu.memref_slice %arg2[%dma_start3A_28, %dma_start3A_29] : memref<10000x128xf32, #tpu.memory_space<hbm>> -> memref<10000x128xf32, #tpu.memory_space<hbm>>
      tpu.enqueue_indirect_dma source(%dma_start3A_30 : memref<10000x128xf32, #tpu.memory_space<hbm>>) target(%arg10 : memref<128x128xf32, #tpu.memory_space<vmem>>) offsets(%dma_start3A_27 : memref<128xi32, #tpu.memory_space<vmem>>) semaphore(%arg13 : memref<!tpu.dma_semaphore, #tpu.memory_space<semaphore_mem>>)
      %dma_start3A_31 = arith.constant 1 : i32
      %dma_start3A_32 = arith.constant 0 : i32
      %dma_start3A_33 = tpu.memref_slice %arg8[%dma_start3A_31, %dma_start3A_32] : memref<16x128xi32, #tpu.memory_space<vmem>> -> memref<1x128xi32, #tpu.memory_space<vmem>>
      %dma_start3A_34 = tpu.memref_squeeze %dma_start3A_33 : memref<1x128xi32, #tpu.memory_space<vmem>> -> memref<128xi32, #tpu.memory_space<vmem>>
      %dma_start3A_35 = arith.constant 0 : i32
      %dma_start3A_36 = arith.constant 0 : i32
      %dma_start3A_37 = tpu.memref_slice %arg2[%dma_start3A_35, %dma_start3A_36] : memref<10000x128xf32, #tpu.memory_space<hbm>> -> memref<10000x128xf32, #tpu.memory_space<hbm>>
      tpu.enqueue_indirect_dma source(%dma_start3A_37 : memref<10000x128xf32, #tpu.memory_space<hbm>>) target(%arg11 : memref<128x128xf32, #tpu.memory_space<vmem>>) offsets(%dma_start3A_34 : memref<128xi32, #tpu.memory_space<vmem>>) semaphore(%arg14 : memref<!tpu.dma_semaphore, #tpu.memory_space<semaphore_mem>>)
      %dma_wait3A = arith.constant 0 : i32
      %dma_wait3A_38 = arith.constant 0 : i32
      %dma_wait3A_39 = tpu.memref_slice %arg8[%dma_wait3A, %dma_wait3A_38] : memref<16x128xi32, #tpu.memory_space<vmem>> -> memref<1x128xi32, #tpu.memory_space<vmem>>
      %dma_wait3A_40 = tpu.memref_squeeze %dma_wait3A_39 : memref<1x128xi32, #tpu.memory_space<vmem>> -> memref<128xi32, #tpu.memory_space<vmem>>
      %dma_wait3A_41 = arith.constant 0 : i32
      %dma_wait3A_42 = arith.constant 0 : i32
      %dma_wait3A_43 = tpu.memref_slice %arg2[%dma_wait3A_41, %dma_wait3A_42] : memref<10000x128xf32, #tpu.memory_space<hbm>> -> memref<10000x128xf32, #tpu.memory_space<hbm>>
      tpu.wait_indirect_dma semaphore(%arg13 : memref<!tpu.dma_semaphore, #tpu.memory_space<semaphore_mem>>) src(%dma_wait3A_43 : memref<10000x128xf32, #tpu.memory_space<hbm>>) dst(%arg10 : memref<128x128xf32, #tpu.memory_space<vmem>>)
      %dma_start3A_44 = arith.constant 0 : i32
      %dma_start3A_45 = arith.constant 0 : i32
      %dma_start3A_46 = tpu.memref_slice %arg9[%dma_start3A_44, %dma_start3A_45] : memref<16x128xi32, #tpu.memory_space<vmem>> -> memref<1x128xi32, #tpu.memory_space<vmem>>
      %dma_start3A_47 = tpu.memref_squeeze %dma_start3A_46 : memref<1x128xi32, #tpu.memory_space<vmem>> -> memref<128xi32, #tpu.memory_space<vmem>>
      %dma_start3A_48 = arith.constant 0 : i32
      %dma_start3A_49 = arith.constant 0 : i32
      %dma_start3A_50 = tpu.memref_slice %arg12[%dma_start3A_48, %dma_start3A_49] : memref<10240x128xf32, #tpu.memory_space<vmem_shared>> -> memref<10240x128xf32, #tpu.memory_space<vmem_shared>>
      tpu.enqueue_indirect_dma source(%arg10 : memref<128x128xf32, #tpu.memory_space<vmem>>) target(%dma_start3A_50 : memref<10240x128xf32, #tpu.memory_space<vmem_shared>>) offsets(%dma_start3A_47 : memref<128xi32, #tpu.memory_space<vmem>>) semaphore(%arg15 : memref<!tpu.dma_semaphore, #tpu.memory_space<semaphore_mem>>) {add = true}
      %dma_wait3A_51 = arith.constant 0 : i32
      %dma_wait3A_52 = arith.constant 0 : i32
      %dma_wait3A_53 = tpu.memref_slice %arg9[%dma_wait3A_51, %dma_wait3A_52] : memref<16x128xi32, #tpu.memory_space<vmem>> -> memref<1x128xi32, #tpu.memory_space<vmem>>
      %dma_wait3A_54 = tpu.memref_squeeze %dma_wait3A_53 : memref<1x128xi32, #tpu.memory_space<vmem>> -> memref<128xi32, #tpu.memory_space<vmem>>
      %dma_wait3A_55 = arith.constant 0 : i32
      %dma_wait3A_56 = arith.constant 0 : i32
      %dma_wait3A_57 = tpu.memref_slice %arg12[%dma_wait3A_55, %dma_wait3A_56] : memref<10240x128xf32, #tpu.memory_space<vmem_shared>> -> memref<10240x128xf32, #tpu.memory_space<vmem_shared>>
      tpu.wait_indirect_dma semaphore(%arg15 : memref<!tpu.dma_semaphore, #tpu.memory_space<semaphore_mem>>) src(%arg10 : memref<128x128xf32, #tpu.memory_space<vmem>>) dst(%dma_wait3A_57 : memref<10240x128xf32, #tpu.memory_space<vmem_shared>>)
      %dma_start3A_58 = arith.constant 2 : i32
      %dma_start3A_59 = arith.constant 0 : i32
      %dma_start3A_60 = tpu.memref_slice %arg8[%dma_start3A_58, %dma_start3A_59] : memref<16x128xi32, #tpu.memory_space<vmem>> -> memref<1x128xi32, #tpu.memory_space<vmem>>
      %dma_start3A_61 = tpu.memref_squeeze %dma_start3A_60 : memref<1x128xi32, #tpu.memory_space<vmem>> -> memref<128xi32, #tpu.memory_space<vmem>>
      %dma_start3A_62 = arith.constant 0 : i32
      %dma_start3A_63 = arith.constant 0 : i32
      %dma_start3A_64 = tpu.memref_slice %arg2[%dma_start3A_62, %dma_start3A_63] : memref<10000x128xf32, #tpu.memory_space<hbm>> -> memref<10000x128xf32, #tpu.memory_space<hbm>>
      tpu.enqueue_indirect_dma source(%dma_start3A_64 : memref<10000x128xf32, #tpu.memory_space<hbm>>) target(%arg10 : memref<128x128xf32, #tpu.memory_space<vmem>>) offsets(%dma_start3A_61 : memref<128xi32, #tpu.memory_space<vmem>>) semaphore(%arg13 : memref<!tpu.dma_semaphore, #tpu.memory_space<semaphore_mem>>)
      %dma_wait3A_65 = arith.constant 1 : i32
      %dma_wait3A_66 = arith.constant 0 : i32
      %dma_wait3A_67 = tpu.memref_slice %arg8[%dma_wait3A_65, %dma_wait3A_66] : memref<16x128xi32, #tpu.memory_space<vmem>> -> memref<1x128xi32, #tpu.memory_space<vmem>>
      %dma_wait3A_68 = tpu.memref_squeeze %dma_wait3A_67 : memref<1x128xi32, #tpu.memory_space<vmem>> -> memref<128xi32, #tpu.memory_space<vmem>>
      %dma_wait3A_69 = arith.constant 0 : i32
      %dma_wait3A_70 = arith.constant 0 : i32
      %dma_wait3A_71 = tpu.memref_slice %arg2[%dma_wait3A_69, %dma_wait3A_70] : memref<10000x128xf32, #tpu.memory_space<hbm>> -> memref<10000x128xf32, #tpu.memory_space<hbm>>
      tpu.wait_indirect_dma semaphore(%arg14 : memref<!tpu.dma_semaphore, #tpu.memory_space<semaphore_mem>>) src(%dma_wait3A_71 : memref<10000x128xf32, #tpu.memory_space<hbm>>) dst(%arg11 : memref<128x128xf32, #tpu.memory_space<vmem>>)
      %dma_start3A_72 = arith.constant 1 : i32
      %dma_start3A_73 = arith.constant 0 : i32
      %dma_start3A_74 = tpu.memref_slice %arg9[%dma_start3A_72, %dma_start3A_73] : memref<16x128xi32, #tpu.memory_space<vmem>> -> memref<1x128xi32, #tpu.memory_space<vmem>>
      %dma_start3A_75 = tpu.memref_squeeze %dma_start3A_74 : memref<1x128xi32, #tpu.memory_space<vmem>> -> memref<128xi32, #tpu.memory_space<vmem>>
      %dma_start3A_76 = arith.constant 0 : i32
      %dma_start3A_77 = arith.constant 0 : i32
      %dma_start3A_78 = tpu.memref_slice %arg12[%dma_start3A_76, %dma_start3A_77] : memref<10240x128xf32, #tpu.memory_space<vmem_shared>> -> memref<10240x128xf32, #tpu.memory_space<vmem_shared>>
      tpu.enqueue_indirect_dma source(%arg11 : memref<128x128xf32, #tpu.memory_space<vmem>>) target(%dma_start3A_78 : memref<10240x128xf32, #tpu.memory_space<vmem_shared>>) offsets(%dma_start3A_75 : memref<128xi32, #tpu.memory_space<vmem>>) semaphore(%arg16 : memref<!tpu.dma_semaphore, #tpu.memory_space<semaphore_mem>>) {add = true}
      %dma_wait3A_79 = arith.constant 1 : i32
      %dma_wait3A_80 = arith.constant 0 : i32
      %dma_wait3A_81 = tpu.memref_slice %arg9[%dma_wait3A_79, %dma_wait3A_80] : memref<16x128xi32, #tpu.memory_space<vmem>> -> memref<1x128xi32, #tpu.memory_space<vmem>>
      %dma_wait3A_82 = tpu.memref_squeeze %dma_wait3A_81 : memref<1x128xi32, #tpu.memory_space<vmem>> -> memref<128xi32, #tpu.memory_space<vmem>>
      %dma_wait3A_83 = arith.constant 0 : i32
      %dma_wait3A_84 = arith.constant 0 : i32
      %dma_wait3A_85 = tpu.memref_slice %arg12[%dma_wait3A_83, %dma_wait3A_84] : memref<10240x128xf32, #tpu.memory_space<vmem_shared>> -> memref<10240x128xf32, #tpu.memory_space<vmem_shared>>
      tpu.wait_indirect_dma semaphore(%arg16 : memref<!tpu.dma_semaphore, #tpu.memory_space<semaphore_mem>>) src(%arg11 : memref<128x128xf32, #tpu.memory_space<vmem>>) dst(%dma_wait3A_85 : memref<10240x128xf32, #tpu.memory_space<vmem_shared>>)
      %dma_start3A_86 = arith.constant 3 : i32
      %dma_start3A_87 = arith.constant 0 : i32
      %dma_start3A_88 = tpu.memref_slice %arg8[%dma_start3A_86, %dma_start3A_87] : memref<16x128xi32, #tpu.memory_space<vmem>> -> memref<1x128xi32, #tpu.memory_space<vmem>>
      %dma_start3A_89 = tpu.memref_squeeze %dma_start3A_88 : memref<1x128xi32, #tpu.memory_space<vmem>> -> memref<128xi32, #tpu.memory_space<vmem>>
      %dma_start3A_90 = arith.constant 0 : i32
      %dma_start3A_91 = arith.constant 0 : i32
      %dma_start3A_92 = tpu.memref_slice %arg2[%dma_start3A_90, %dma_start3A_91] : memref<10000x128xf32, #tpu.memory_space<hbm>> -> memref<10000x128xf32, #tpu.memory_space<hbm>>
      tpu.enqueue_indirect_dma source(%dma_start3A_92 : memref<10000x128xf32, #tpu.memory_space<hbm>>) target(%arg11 : memref<128x128xf32, #tpu.memory_space<vmem>>) offsets(%dma_start3A_89 : memref<128xi32, #tpu.memory_space<vmem>>) semaphore(%arg14 : memref<!tpu.dma_semaphore, #tpu.memory_space<semaphore_mem>>)
      %dma_wait3A_93 = arith.constant 2 : i32
      %dma_wait3A_94 = arith.constant 0 : i32
      %dma_wait3A_95 = tpu.memref_slice %arg8[%dma_wait3A_93, %dma_wait3A_94] : memref<16x128xi32, #tpu.memory_space<vmem>> -> memref<1x128xi32, #tpu.memory_space<vmem>>
      %dma_wait3A_96 = tpu.memref_squeeze %dma_wait3A_95 : memref<1x128xi32, #tpu.memory_space<vmem>> -> memref<128xi32, #tpu.memory_space<vmem>>
      %dma_wait3A_97 = arith.constant 0 : i32
      %dma_wait3A_98 = arith.constant 0 : i32
      %dma_wait3A_99 = tpu.memref_slice %arg2[%dma_wait3A_97, %dma_wait3A_98] : memref<10000x128xf32, #tpu.memory_space<hbm>> -> memref<10000x128xf32, #tpu.memory_space<hbm>>
      tpu.wait_indirect_dma semaphore(%arg13 : memref<!tpu.dma_semaphore, #tpu.memory_space<semaphore_mem>>) src(%dma_wait3A_99 : memref<10000x128xf32, #tpu.memory_space<hbm>>) dst(%arg10 : memref<128x128xf32, #tpu.memory_space<vmem>>)
      %dma_start3A_100 = arith.constant 2 : i32
      %dma_start3A_101 = arith.constant 0 : i32
      %dma_start3A_102 = tpu.memref_slice %arg9[%dma_start3A_100, %dma_start3A_101] : memref<16x128xi32, #tpu.memory_space<vmem>> -> memref<1x128xi32, #tpu.memory_space<vmem>>
      %dma_start3A_103 = tpu.memref_squeeze %dma_start3A_102 : memref<1x128xi32, #tpu.memory_space<vmem>> -> memref<128xi32, #tpu.memory_space<vmem>>
      %dma_start3A_104 = arith.constant 0 : i32
      %dma_start3A_105 = arith.constant 0 : i32
      %dma_start3A_106 = tpu.memref_slice %arg12[%dma_start3A_104, %dma_start3A_105] : memref<10240x128xf32, #tpu.memory_space<vmem_shared>> -> memref<10240x128xf32, #tpu.memory_space<vmem_shared>>
      tpu.enqueue_indirect_dma source(%arg10 : memref<128x128xf32, #tpu.memory_space<vmem>>) target(%dma_start3A_106 : memref<10240x128xf32, #tpu.memory_space<vmem_shared>>) offsets(%dma_start3A_103 : memref<128xi32, #tpu.memory_space<vmem>>) semaphore(%arg15 : memref<!tpu.dma_semaphore, #tpu.memory_space<semaphore_mem>>) {add = true}
      %dma_wait3A_107 = arith.constant 2 : i32
      %dma_wait3A_108 = arith.constant 0 : i32
      %dma_wait3A_109 = tpu.memref_slice %arg9[%dma_wait3A_107, %dma_wait3A_108] : memref<16x128xi32, #tpu.memory_space<vmem>> -> memref<1x128xi32, #tpu.memory_space<vmem>>
      %dma_wait3A_110 = tpu.memref_squeeze %dma_wait3A_109 : memref<1x128xi32, #tpu.memory_space<vmem>> -> memref<128xi32, #tpu.memory_space<vmem>>
      %dma_wait3A_111 = arith.constant 0 : i32
      %dma_wait3A_112 = arith.constant 0 : i32
      %dma_wait3A_113 = tpu.memref_slice %arg12[%dma_wait3A_111, %dma_wait3A_112] : memref<10240x128xf32, #tpu.memory_space<vmem_shared>> -> memref<10240x128xf32, #tpu.memory_space<vmem_shared>>
      tpu.wait_indirect_dma semaphore(%arg15 : memref<!tpu.dma_semaphore, #tpu.memory_space<semaphore_mem>>) src(%arg10 : memref<128x128xf32, #tpu.memory_space<vmem>>) dst(%dma_wait3A_113 : memref<10240x128xf32, #tpu.memory_space<vmem_shared>>)
      %dma_start3A_114 = arith.constant 4 : i32
      %dma_start3A_115 = arith.constant 0 : i32
      %dma_start3A_116 = tpu.memref_slice %arg8[%dma_start3A_114, %dma_start3A_115] : memref<16x128xi32, #tpu.memory_space<vmem>> -> memref<1x128xi32, #tpu.memory_space<vmem>>
      %dma_start3A_117 = tpu.memref_squeeze %dma_start3A_116 : memref<1x128xi32, #tpu.memory_space<vmem>> -> memref<128xi32, #tpu.memory_space<vmem>>
      %dma_start3A_118 = arith.constant 0 : i32
      %dma_start3A_119 = arith.constant 0 : i32
      %dma_start3A_120 = tpu.memref_slice %arg2[%dma_start3A_118, %dma_start3A_119] : memref<10000x128xf32, #tpu.memory_space<hbm>> -> memref<10000x128xf32, #tpu.memory_space<hbm>>
      tpu.enqueue_indirect_dma source(%dma_start3A_120 : memref<10000x128xf32, #tpu.memory_space<hbm>>) target(%arg10 : memref<128x128xf32, #tpu.memory_space<vmem>>) offsets(%dma_start3A_117 : memref<128xi32, #tpu.memory_space<vmem>>) semaphore(%arg13 : memref<!tpu.dma_semaphore, #tpu.memory_space<semaphore_mem>>)
      %dma_wait3A_121 = arith.constant 3 : i32
      %dma_wait3A_122 = arith.constant 0 : i32
      %dma_wait3A_123 = tpu.memref_slice %arg8[%dma_wait3A_121, %dma_wait3A_122] : memref<16x128xi32, #tpu.memory_space<vmem>> -> memref<1x128xi32, #tpu.memory_space<vmem>>
      %dma_wait3A_124 = tpu.memref_squeeze %dma_wait3A_123 : memref<1x128xi32, #tpu.memory_space<vmem>> -> memref<128xi32, #tpu.memory_space<vmem>>
      %dma_wait3A_125 = arith.constant 0 : i32
      %dma_wait3A_126 = arith.constant 0 : i32
      %dma_wait3A_127 = tpu.memref_slice %arg2[%dma_wait3A_125, %dma_wait3A_126] : memref<10000x128xf32, #tpu.memory_space<hbm>> -> memref<10000x128xf32, #tpu.memory_space<hbm>>
      tpu.wait_indirect_dma semaphore(%arg14 : memref<!tpu.dma_semaphore, #tpu.memory_space<semaphore_mem>>) src(%dma_wait3A_127 : memref<10000x128xf32, #tpu.memory_space<hbm>>) dst(%arg11 : memref<128x128xf32, #tpu.memory_space<vmem>>)
      %dma_start3A_128 = arith.constant 3 : i32
      %dma_start3A_129 = arith.constant 0 : i32
      %dma_start3A_130 = tpu.memref_slice %arg9[%dma_start3A_128, %dma_start3A_129] : memref<16x128xi32, #tpu.memory_space<vmem>> -> memref<1x128xi32, #tpu.memory_space<vmem>>
      %dma_start3A_131 = tpu.memref_squeeze %dma_start3A_130 : memref<1x128xi32, #tpu.memory_space<vmem>> -> memref<128xi32, #tpu.memory_space<vmem>>
      %dma_start3A_132 = arith.constant 0 : i32
      %dma_start3A_133 = arith.constant 0 : i32
      %dma_start3A_134 = tpu.memref_slice %arg12[%dma_start3A_132, %dma_start3A_133] : memref<10240x128xf32, #tpu.memory_space<vmem_shared>> -> memref<10240x128xf32, #tpu.memory_space<vmem_shared>>
      tpu.enqueue_indirect_dma source(%arg11 : memref<128x128xf32, #tpu.memory_space<vmem>>) target(%dma_start3A_134 : memref<10240x128xf32, #tpu.memory_space<vmem_shared>>) offsets(%dma_start3A_131 : memref<128xi32, #tpu.memory_space<vmem>>) semaphore(%arg16 : memref<!tpu.dma_semaphore, #tpu.memory_space<semaphore_mem>>) {add = true}
      %dma_wait3A_135 = arith.constant 3 : i32
      %dma_wait3A_136 = arith.constant 0 : i32
      %dma_wait3A_137 = tpu.memref_slice %arg9[%dma_wait3A_135, %dma_wait3A_136] : memref<16x128xi32, #tpu.memory_space<vmem>> -> memref<1x128xi32, #tpu.memory_space<vmem>>
      %dma_wait3A_138 = tpu.memref_squeeze %dma_wait3A_137 : memref<1x128xi32, #tpu.memory_space<vmem>> -> memref<128xi32, #tpu.memory_space<vmem>>
      %dma_wait3A_139 = arith.constant 0 : i32
      %dma_wait3A_140 = arith.constant 0 : i32
      %dma_wait3A_141 = tpu.memref_slice %arg12[%dma_wait3A_139, %dma_wait3A_140] : memref<10240x128xf32, #tpu.memory_space<vmem_shared>> -> memref<10240x128xf32, #tpu.memory_space<vmem_shared>>
      tpu.wait_indirect_dma semaphore(%arg16 : memref<!tpu.dma_semaphore, #tpu.memory_space<semaphore_mem>>) src(%arg11 : memref<128x128xf32, #tpu.memory_space<vmem>>) dst(%dma_wait3A_141 : memref<10240x128xf32, #tpu.memory_space<vmem_shared>>)
      %dma_start3A_142 = arith.constant 5 : i32
      %dma_start3A_143 = arith.constant 0 : i32
      %dma_start3A_144 = tpu.memref_slice %arg8[%dma_start3A_142, %dma_start3A_143] : memref<16x128xi32, #tpu.memory_space<vmem>> -> memref<1x128xi32, #tpu.memory_space<vmem>>
      %dma_start3A_145 = tpu.memref_squeeze %dma_start3A_144 : memref<1x128xi32, #tpu.memory_space<vmem>> -> memref<128xi32, #tpu.memory_space<vmem>>
      %dma_start3A_146 = arith.constant 0 : i32
      %dma_start3A_147 = arith.constant 0 : i32
      %dma_start3A_148 = tpu.memref_slice %arg2[%dma_start3A_146, %dma_start3A_147] : memref<10000x128xf32, #tpu.memory_space<hbm>> -> memref<10000x128xf32, #tpu.memory_space<hbm>>
      tpu.enqueue_indirect_dma source(%dma_start3A_148 : memref<10000x128xf32, #tpu.memory_space<hbm>>) target(%arg11 : memref<128x128xf32, #tpu.memory_space<vmem>>) offsets(%dma_start3A_145 : memref<128xi32, #tpu.memory_space<vmem>>) semaphore(%arg14 : memref<!tpu.dma_semaphore, #tpu.memory_space<semaphore_mem>>)
      %dma_wait3A_149 = arith.constant 4 : i32
      %dma_wait3A_150 = arith.constant 0 : i32
      %dma_wait3A_151 = tpu.memref_slice %arg8[%dma_wait3A_149, %dma_wait3A_150] : memref<16x128xi32, #tpu.memory_space<vmem>> -> memref<1x128xi32, #tpu.memory_space<vmem>>
      %dma_wait3A_152 = tpu.memref_squeeze %dma_wait3A_151 : memref<1x128xi32, #tpu.memory_space<vmem>> -> memref<128xi32, #tpu.memory_space<vmem>>
      %dma_wait3A_153 = arith.constant 0 : i32
      %dma_wait3A_154 = arith.constant 0 : i32
      %dma_wait3A_155 = tpu.memref_slice %arg2[%dma_wait3A_153, %dma_wait3A_154] : memref<10000x128xf32, #tpu.memory_space<hbm>> -> memref<10000x128xf32, #tpu.memory_space<hbm>>
      tpu.wait_indirect_dma semaphore(%arg13 : memref<!tpu.dma_semaphore, #tpu.memory_space<semaphore_mem>>) src(%dma_wait3A_155 : memref<10000x128xf32, #tpu.memory_space<hbm>>) dst(%arg10 : memref<128x128xf32, #tpu.memory_space<vmem>>)
      %dma_start3A_156 = arith.constant 4 : i32
      %dma_start3A_157 = arith.constant 0 : i32
      %dma_start3A_158 = tpu.memref_slice %arg9[%dma_start3A_156, %dma_start3A_157] : memref<16x128xi32, #tpu.memory_space<vmem>> -> memref<1x128xi32, #tpu.memory_space<vmem>>
      %dma_start3A_159 = tpu.memref_squeeze %dma_start3A_158 : memref<1x128xi32, #tpu.memory_space<vmem>> -> memref<128xi32, #tpu.memory_space<vmem>>
      %dma_start3A_160 = arith.constant 0 : i32
      %dma_start3A_161 = arith.constant 0 : i32
      %dma_start3A_162 = tpu.memref_slice %arg12[%dma_start3A_160, %dma_start3A_161] : memref<10240x128xf32, #tpu.memory_space<vmem_shared>> -> memref<10240x128xf32, #tpu.memory_space<vmem_shared>>
      tpu.enqueue_indirect_dma source(%arg10 : memref<128x128xf32, #tpu.memory_space<vmem>>) target(%dma_start3A_162 : memref<10240x128xf32, #tpu.memory_space<vmem_shared>>) offsets(%dma_start3A_159 : memref<128xi32, #tpu.memory_space<vmem>>) semaphore(%arg15 : memref<!tpu.dma_semaphore, #tpu.memory_space<semaphore_mem>>) {add = true}
      %dma_wait3A_163 = arith.constant 4 : i32
      %dma_wait3A_164 = arith.constant 0 : i32
      %dma_wait3A_165 = tpu.memref_slice %arg9[%dma_wait3A_163, %dma_wait3A_164] : memref<16x128xi32, #tpu.memory_space<vmem>> -> memref<1x128xi32, #tpu.memory_space<vmem>>
      %dma_wait3A_166 = tpu.memref_squeeze %dma_wait3A_165 : memref<1x128xi32, #tpu.memory_space<vmem>> -> memref<128xi32, #tpu.memory_space<vmem>>
      %dma_wait3A_167 = arith.constant 0 : i32
      %dma_wait3A_168 = arith.constant 0 : i32
      %dma_wait3A_169 = tpu.memref_slice %arg12[%dma_wait3A_167, %dma_wait3A_168] : memref<10240x128xf32, #tpu.memory_space<vmem_shared>> -> memref<10240x128xf32, #tpu.memory_space<vmem_shared>>
      tpu.wait_indirect_dma semaphore(%arg15 : memref<!tpu.dma_semaphore, #tpu.memory_space<semaphore_mem>>) src(%arg10 : memref<128x128xf32, #tpu.memory_space<vmem>>) dst(%dma_wait3A_169 : memref<10240x128xf32, #tpu.memory_space<vmem_shared>>)
      %dma_start3A_170 = arith.constant 6 : i32
      %dma_start3A_171 = arith.constant 0 : i32
      %dma_start3A_172 = tpu.memref_slice %arg8[%dma_start3A_170, %dma_start3A_171] : memref<16x128xi32, #tpu.memory_space<vmem>> -> memref<1x128xi32, #tpu.memory_space<vmem>>
      %dma_start3A_173 = tpu.memref_squeeze %dma_start3A_172 : memref<1x128xi32, #tpu.memory_space<vmem>> -> memref<128xi32, #tpu.memory_space<vmem>>
      %dma_start3A_174 = arith.constant 0 : i32
      %dma_start3A_175 = arith.constant 0 : i32
      %dma_start3A_176 = tpu.memref_slice %arg2[%dma_start3A_174, %dma_start3A_175] : memref<10000x128xf32, #tpu.memory_space<hbm>> -> memref<10000x128xf32, #tpu.memory_space<hbm>>
      tpu.enqueue_indirect_dma source(%dma_start3A_176 : memref<10000x128xf32, #tpu.memory_space<hbm>>) target(%arg10 : memref<128x128xf32, #tpu.memory_space<vmem>>) offsets(%dma_start3A_173 : memref<128xi32, #tpu.memory_space<vmem>>) semaphore(%arg13 : memref<!tpu.dma_semaphore, #tpu.memory_space<semaphore_mem>>)
      %dma_wait3A_177 = arith.constant 5 : i32
      %dma_wait3A_178 = arith.constant 0 : i32
      %dma_wait3A_179 = tpu.memref_slice %arg8[%dma_wait3A_177, %dma_wait3A_178] : memref<16x128xi32, #tpu.memory_space<vmem>> -> memref<1x128xi32, #tpu.memory_space<vmem>>
      %dma_wait3A_180 = tpu.memref_squeeze %dma_wait3A_179 : memref<1x128xi32, #tpu.memory_space<vmem>> -> memref<128xi32, #tpu.memory_space<vmem>>
      %dma_wait3A_181 = arith.constant 0 : i32
      %dma_wait3A_182 = arith.constant 0 : i32
      %dma_wait3A_183 = tpu.memref_slice %arg2[%dma_wait3A_181, %dma_wait3A_182] : memref<10000x128xf32, #tpu.memory_space<hbm>> -> memref<10000x128xf32, #tpu.memory_space<hbm>>
      tpu.wait_indirect_dma semaphore(%arg14 : memref<!tpu.dma_semaphore, #tpu.memory_space<semaphore_mem>>) src(%dma_wait3A_183 : memref<10000x128xf32, #tpu.memory_space<hbm>>) dst(%arg11 : memref<128x128xf32, #tpu.memory_space<vmem>>)
      %dma_start3A_184 = arith.constant 5 : i32
      %dma_start3A_185 = arith.constant 0 : i32
      %dma_start3A_186 = tpu.memref_slice %arg9[%dma_start3A_184, %dma_start3A_185] : memref<16x128xi32, #tpu.memory_space<vmem>> -> memref<1x128xi32, #tpu.memory_space<vmem>>
      %dma_start3A_187 = tpu.memref_squeeze %dma_start3A_186 : memref<1x128xi32, #tpu.memory_space<vmem>> -> memref<128xi32, #tpu.memory_space<vmem>>
      %dma_start3A_188 = arith.constant 0 : i32
      %dma_start3A_189 = arith.constant 0 : i32
      %dma_start3A_190 = tpu.memref_slice %arg12[%dma_start3A_188, %dma_start3A_189] : memref<10240x128xf32, #tpu.memory_space<vmem_shared>> -> memref<10240x128xf32, #tpu.memory_space<vmem_shared>>
      tpu.enqueue_indirect_dma source(%arg11 : memref<128x128xf32, #tpu.memory_space<vmem>>) target(%dma_start3A_190 : memref<10240x128xf32, #tpu.memory_space<vmem_shared>>) offsets(%dma_start3A_187 : memref<128xi32, #tpu.memory_space<vmem>>) semaphore(%arg16 : memref<!tpu.dma_semaphore, #tpu.memory_space<semaphore_mem>>) {add = true}
      %dma_wait3A_191 = arith.constant 5 : i32
      %dma_wait3A_192 = arith.constant 0 : i32
      %dma_wait3A_193 = tpu.memref_slice %arg9[%dma_wait3A_191, %dma_wait3A_192] : memref<16x128xi32, #tpu.memory_space<vmem>> -> memref<1x128xi32, #tpu.memory_space<vmem>>
      %dma_wait3A_194 = tpu.memref_squeeze %dma_wait3A_193 : memref<1x128xi32, #tpu.memory_space<vmem>> -> memref<128xi32, #tpu.memory_space<vmem>>
      %dma_wait3A_195 = arith.constant 0 : i32
      %dma_wait3A_196 = arith.constant 0 : i32
      %dma_wait3A_197 = tpu.memref_slice %arg12[%dma_wait3A_195, %dma_wait3A_196] : memref<10240x128xf32, #tpu.memory_space<vmem_shared>> -> memref<10240x128xf32, #tpu.memory_space<vmem_shared>>
      tpu.wait_indirect_dma semaphore(%arg16 : memref<!tpu.dma_semaphore, #tpu.memory_space<semaphore_mem>>) src(%arg11 : memref<128x128xf32, #tpu.memory_space<vmem>>) dst(%dma_wait3A_197 : memref<10240x128xf32, #tpu.memory_space<vmem_shared>>)
      %dma_start3A_198 = arith.constant 7 : i32
      %dma_start3A_199 = arith.constant 0 : i32
      %dma_start3A_200 = tpu.memref_slice %arg8[%dma_start3A_198, %dma_start3A_199] : memref<16x128xi32, #tpu.memory_space<vmem>> -> memref<1x128xi32, #tpu.memory_space<vmem>>
      %dma_start3A_201 = tpu.memref_squeeze %dma_start3A_200 : memref<1x128xi32, #tpu.memory_space<vmem>> -> memref<128xi32, #tpu.memory_space<vmem>>
      %dma_start3A_202 = arith.constant 0 : i32
      %dma_start3A_203 = arith.constant 0 : i32
      %dma_start3A_204 = tpu.memref_slice %arg2[%dma_start3A_202, %dma_start3A_203] : memref<10000x128xf32, #tpu.memory_space<hbm>> -> memref<10000x128xf32, #tpu.memory_space<hbm>>
      tpu.enqueue_indirect_dma source(%dma_start3A_204 : memref<10000x128xf32, #tpu.memory_space<hbm>>) target(%arg11 : memref<128x128xf32, #tpu.memory_space<vmem>>) offsets(%dma_start3A_201 : memref<128xi32, #tpu.memory_space<vmem>>) semaphore(%arg14 : memref<!tpu.dma_semaphore, #tpu.memory_space<semaphore_mem>>)
      %dma_wait3A_205 = arith.constant 6 : i32
      %dma_wait3A_206 = arith.constant 0 : i32
      %dma_wait3A_207 = tpu.memref_slice %arg8[%dma_wait3A_205, %dma_wait3A_206] : memref<16x128xi32, #tpu.memory_space<vmem>> -> memref<1x128xi32, #tpu.memory_space<vmem>>
      %dma_wait3A_208 = tpu.memref_squeeze %dma_wait3A_207 : memref<1x128xi32, #tpu.memory_space<vmem>> -> memref<128xi32, #tpu.memory_space<vmem>>
      %dma_wait3A_209 = arith.constant 0 : i32
      %dma_wait3A_210 = arith.constant 0 : i32
      %dma_wait3A_211 = tpu.memref_slice %arg2[%dma_wait3A_209, %dma_wait3A_210] : memref<10000x128xf32, #tpu.memory_space<hbm>> -> memref<10000x128xf32, #tpu.memory_space<hbm>>
      tpu.wait_indirect_dma semaphore(%arg13 : memref<!tpu.dma_semaphore, #tpu.memory_space<semaphore_mem>>) src(%dma_wait3A_211 : memref<10000x128xf32, #tpu.memory_space<hbm>>) dst(%arg10 : memref<128x128xf32, #tpu.memory_space<vmem>>)
      %dma_start3A_212 = arith.constant 6 : i32
      %dma_start3A_213 = arith.constant 0 : i32
      %dma_start3A_214 = tpu.memref_slice %arg9[%dma_start3A_212, %dma_start3A_213] : memref<16x128xi32, #tpu.memory_space<vmem>> -> memref<1x128xi32, #tpu.memory_space<vmem>>
      %dma_start3A_215 = tpu.memref_squeeze %dma_start3A_214 : memref<1x128xi32, #tpu.memory_space<vmem>> -> memref<128xi32, #tpu.memory_space<vmem>>
      %dma_start3A_216 = arith.constant 0 : i32
      %dma_start3A_217 = arith.constant 0 : i32
      %dma_start3A_218 = tpu.memref_slice %arg12[%dma_start3A_216, %dma_start3A_217] : memref<10240x128xf32, #tpu.memory_space<vmem_shared>> -> memref<10240x128xf32, #tpu.memory_space<vmem_shared>>
      tpu.enqueue_indirect_dma source(%arg10 : memref<128x128xf32, #tpu.memory_space<vmem>>) target(%dma_start3A_218 : memref<10240x128xf32, #tpu.memory_space<vmem_shared>>) offsets(%dma_start3A_215 : memref<128xi32, #tpu.memory_space<vmem>>) semaphore(%arg15 : memref<!tpu.dma_semaphore, #tpu.memory_space<semaphore_mem>>) {add = true}
      %dma_wait3A_219 = arith.constant 6 : i32
      %dma_wait3A_220 = arith.constant 0 : i32
      %dma_wait3A_221 = tpu.memref_slice %arg9[%dma_wait3A_219, %dma_wait3A_220] : memref<16x128xi32, #tpu.memory_space<vmem>> -> memref<1x128xi32, #tpu.memory_space<vmem>>
      %dma_wait3A_222 = tpu.memref_squeeze %dma_wait3A_221 : memref<1x128xi32, #tpu.memory_space<vmem>> -> memref<128xi32, #tpu.memory_space<vmem>>
      %dma_wait3A_223 = arith.constant 0 : i32
      %dma_wait3A_224 = arith.constant 0 : i32
      %dma_wait3A_225 = tpu.memref_slice %arg12[%dma_wait3A_223, %dma_wait3A_224] : memref<10240x128xf32, #tpu.memory_space<vmem_shared>> -> memref<10240x128xf32, #tpu.memory_space<vmem_shared>>
      tpu.wait_indirect_dma semaphore(%arg15 : memref<!tpu.dma_semaphore, #tpu.memory_space<semaphore_mem>>) src(%arg10 : memref<128x128xf32, #tpu.memory_space<vmem>>) dst(%dma_wait3A_225 : memref<10240x128xf32, #tpu.memory_space<vmem_shared>>)
      %dma_start3A_226 = arith.constant 8 : i32
      %dma_start3A_227 = arith.constant 0 : i32
      %dma_start3A_228 = tpu.memref_slice %arg8[%dma_start3A_226, %dma_start3A_227] : memref<16x128xi32, #tpu.memory_space<vmem>> -> memref<1x128xi32, #tpu.memory_space<vmem>>
      %dma_start3A_229 = tpu.memref_squeeze %dma_start3A_228 : memref<1x128xi32, #tpu.memory_space<vmem>> -> memref<128xi32, #tpu.memory_space<vmem>>
      %dma_start3A_230 = arith.constant 0 : i32
      %dma_start3A_231 = arith.constant 0 : i32
      %dma_start3A_232 = tpu.memref_slice %arg2[%dma_start3A_230, %dma_start3A_231] : memref<10000x128xf32, #tpu.memory_space<hbm>> -> memref<10000x128xf32, #tpu.memory_space<hbm>>
      tpu.enqueue_indirect_dma source(%dma_start3A_232 : memref<10000x128xf32, #tpu.memory_space<hbm>>) target(%arg10 : memref<128x128xf32, #tpu.memory_space<vmem>>) offsets(%dma_start3A_229 : memref<128xi32, #tpu.memory_space<vmem>>) semaphore(%arg13 : memref<!tpu.dma_semaphore, #tpu.memory_space<semaphore_mem>>)
      %dma_wait3A_233 = arith.constant 7 : i32
      %dma_wait3A_234 = arith.constant 0 : i32
      %dma_wait3A_235 = tpu.memref_slice %arg8[%dma_wait3A_233, %dma_wait3A_234] : memref<16x128xi32, #tpu.memory_space<vmem>> -> memref<1x128xi32, #tpu.memory_space<vmem>>
      %dma_wait3A_236 = tpu.memref_squeeze %dma_wait3A_235 : memref<1x128xi32, #tpu.memory_space<vmem>> -> memref<128xi32, #tpu.memory_space<vmem>>
      %dma_wait3A_237 = arith.constant 0 : i32
      %dma_wait3A_238 = arith.constant 0 : i32
      %dma_wait3A_239 = tpu.memref_slice %arg2[%dma_wait3A_237, %dma_wait3A_238] : memref<10000x128xf32, #tpu.memory_space<hbm>> -> memref<10000x128xf32, #tpu.memory_space<hbm>>
      tpu.wait_indirect_dma semaphore(%arg14 : memref<!tpu.dma_semaphore, #tpu.memory_space<semaphore_mem>>) src(%dma_wait3A_239 : memref<10000x128xf32, #tpu.memory_space<hbm>>) dst(%arg11 : memref<128x128xf32, #tpu.memory_space<vmem>>)
      %dma_start3A_240 = arith.constant 7 : i32
      %dma_start3A_241 = arith.constant 0 : i32
      %dma_start3A_242 = tpu.memref_slice %arg9[%dma_start3A_240, %dma_start3A_241] : memref<16x128xi32, #tpu.memory_space<vmem>> -> memref<1x128xi32, #tpu.memory_space<vmem>>
      %dma_start3A_243 = tpu.memref_squeeze %dma_start3A_242 : memref<1x128xi32, #tpu.memory_space<vmem>> -> memref<128xi32, #tpu.memory_space<vmem>>
      %dma_start3A_244 = arith.constant 0 : i32
      %dma_start3A_245 = arith.constant 0 : i32
      %dma_start3A_246 = tpu.memref_slice %arg12[%dma_start3A_244, %dma_start3A_245] : memref<10240x128xf32, #tpu.memory_space<vmem_shared>> -> memref<10240x128xf32, #tpu.memory_space<vmem_shared>>
      tpu.enqueue_indirect_dma source(%arg11 : memref<128x128xf32, #tpu.memory_space<vmem>>) target(%dma_start3A_246 : memref<10240x128xf32, #tpu.memory_space<vmem_shared>>) offsets(%dma_start3A_243 : memref<128xi32, #tpu.memory_space<vmem>>) semaphore(%arg16 : memref<!tpu.dma_semaphore, #tpu.memory_space<semaphore_mem>>) {add = true}
      %dma_wait3A_247 = arith.constant 7 : i32
      %dma_wait3A_248 = arith.constant 0 : i32
      %dma_wait3A_249 = tpu.memref_slice %arg9[%dma_wait3A_247, %dma_wait3A_248] : memref<16x128xi32, #tpu.memory_space<vmem>> -> memref<1x128xi32, #tpu.memory_space<vmem>>
      %dma_wait3A_250 = tpu.memref_squeeze %dma_wait3A_249 : memref<1x128xi32, #tpu.memory_space<vmem>> -> memref<128xi32, #tpu.memory_space<vmem>>
      %dma_wait3A_251 = arith.constant 0 : i32
      %dma_wait3A_252 = arith.constant 0 : i32
      %dma_wait3A_253 = tpu.memref_slice %arg12[%dma_wait3A_251, %dma_wait3A_252] : memref<10240x128xf32, #tpu.memory_space<vmem_shared>> -> memref<10240x128xf32, #tpu.memory_space<vmem_shared>>
      tpu.wait_indirect_dma semaphore(%arg16 : memref<!tpu.dma_semaphore, #tpu.memory_space<semaphore_mem>>) src(%arg11 : memref<128x128xf32, #tpu.memory_space<vmem>>) dst(%dma_wait3A_253 : memref<10240x128xf32, #tpu.memory_space<vmem_shared>>)
      %dma_start3A_254 = arith.constant 9 : i32
      %dma_start3A_255 = arith.constant 0 : i32
      %dma_start3A_256 = tpu.memref_slice %arg8[%dma_start3A_254, %dma_start3A_255] : memref<16x128xi32, #tpu.memory_space<vmem>> -> memref<1x128xi32, #tpu.memory_space<vmem>>
      %dma_start3A_257 = tpu.memref_squeeze %dma_start3A_256 : memref<1x128xi32, #tpu.memory_space<vmem>> -> memref<128xi32, #tpu.memory_space<vmem>>
      %dma_start3A_258 = arith.constant 0 : i32
      %dma_start3A_259 = arith.constant 0 : i32
      %dma_start3A_260 = tpu.memref_slice %arg2[%dma_start3A_258, %dma_start3A_259] : memref<10000x128xf32, #tpu.memory_space<hbm>> -> memref<10000x128xf32, #tpu.memory_space<hbm>>
      tpu.enqueue_indirect_dma source(%dma_start3A_260 : memref<10000x128xf32, #tpu.memory_space<hbm>>) target(%arg11 : memref<128x128xf32, #tpu.memory_space<vmem>>) offsets(%dma_start3A_257 : memref<128xi32, #tpu.memory_space<vmem>>) semaphore(%arg14 : memref<!tpu.dma_semaphore, #tpu.memory_space<semaphore_mem>>)
      %dma_wait3A_261 = arith.constant 8 : i32
      %dma_wait3A_262 = arith.constant 0 : i32
      %dma_wait3A_263 = tpu.memref_slice %arg8[%dma_wait3A_261, %dma_wait3A_262] : memref<16x128xi32, #tpu.memory_space<vmem>> -> memref<1x128xi32, #tpu.memory_space<vmem>>
      %dma_wait3A_264 = tpu.memref_squeeze %dma_wait3A_263 : memref<1x128xi32, #tpu.memory_space<vmem>> -> memref<128xi32, #tpu.memory_space<vmem>>
      %dma_wait3A_265 = arith.constant 0 : i32
      %dma_wait3A_266 = arith.constant 0 : i32
      %dma_wait3A_267 = tpu.memref_slice %arg2[%dma_wait3A_265, %dma_wait3A_266] : memref<10000x128xf32, #tpu.memory_space<hbm>> -> memref<10000x128xf32, #tpu.memory_space<hbm>>
      tpu.wait_indirect_dma semaphore(%arg13 : memref<!tpu.dma_semaphore, #tpu.memory_space<semaphore_mem>>) src(%dma_wait3A_267 : memref<10000x128xf32, #tpu.memory_space<hbm>>) dst(%arg10 : memref<128x128xf32, #tpu.memory_space<vmem>>)
      %dma_start3A_268 = arith.constant 8 : i32
      %dma_start3A_269 = arith.constant 0 : i32
      %dma_start3A_270 = tpu.memref_slice %arg9[%dma_start3A_268, %dma_start3A_269] : memref<16x128xi32, #tpu.memory_space<vmem>> -> memref<1x128xi32, #tpu.memory_space<vmem>>
      %dma_start3A_271 = tpu.memref_squeeze %dma_start3A_270 : memref<1x128xi32, #tpu.memory_space<vmem>> -> memref<128xi32, #tpu.memory_space<vmem>>
      %dma_start3A_272 = arith.constant 0 : i32
      %dma_start3A_273 = arith.constant 0 : i32
      %dma_start3A_274 = tpu.memref_slice %arg12[%dma_start3A_272, %dma_start3A_273] : memref<10240x128xf32, #tpu.memory_space<vmem_shared>> -> memref<10240x128xf32, #tpu.memory_space<vmem_shared>>
      tpu.enqueue_indirect_dma source(%arg10 : memref<128x128xf32, #tpu.memory_space<vmem>>) target(%dma_start3A_274 : memref<10240x128xf32, #tpu.memory_space<vmem_shared>>) offsets(%dma_start3A_271 : memref<128xi32, #tpu.memory_space<vmem>>) semaphore(%arg15 : memref<!tpu.dma_semaphore, #tpu.memory_space<semaphore_mem>>) {add = true}
      %dma_wait3A_275 = arith.constant 8 : i32
      %dma_wait3A_276 = arith.constant 0 : i32
      %dma_wait3A_277 = tpu.memref_slice %arg9[%dma_wait3A_275, %dma_wait3A_276] : memref<16x128xi32, #tpu.memory_space<vmem>> -> memref<1x128xi32, #tpu.memory_space<vmem>>
      %dma_wait3A_278 = tpu.memref_squeeze %dma_wait3A_277 : memref<1x128xi32, #tpu.memory_space<vmem>> -> memref<128xi32, #tpu.memory_space<vmem>>
      %dma_wait3A_279 = arith.constant 0 : i32
      %dma_wait3A_280 = arith.constant 0 : i32
      %dma_wait3A_281 = tpu.memref_slice %arg12[%dma_wait3A_279, %dma_wait3A_280] : memref<10240x128xf32, #tpu.memory_space<vmem_shared>> -> memref<10240x128xf32, #tpu.memory_space<vmem_shared>>
      tpu.wait_indirect_dma semaphore(%arg15 : memref<!tpu.dma_semaphore, #tpu.memory_space<semaphore_mem>>) src(%arg10 : memref<128x128xf32, #tpu.memory_space<vmem>>) dst(%dma_wait3A_281 : memref<10240x128xf32, #tpu.memory_space<vmem_shared>>)
      %dma_start3A_282 = arith.constant 10 : i32
      %dma_start3A_283 = arith.constant 0 : i32
      %dma_start3A_284 = tpu.memref_slice %arg8[%dma_start3A_282, %dma_start3A_283] : memref<16x128xi32, #tpu.memory_space<vmem>> -> memref<1x128xi32, #tpu.memory_space<vmem>>
      %dma_start3A_285 = tpu.memref_squeeze %dma_start3A_284 : memref<1x128xi32, #tpu.memory_space<vmem>> -> memref<128xi32, #tpu.memory_space<vmem>>
      %dma_start3A_286 = arith.constant 0 : i32
      %dma_start3A_287 = arith.constant 0 : i32
      %dma_start3A_288 = tpu.memref_slice %arg2[%dma_start3A_286, %dma_start3A_287] : memref<10000x128xf32, #tpu.memory_space<hbm>> -> memref<10000x128xf32, #tpu.memory_space<hbm>>
      tpu.enqueue_indirect_dma source(%dma_start3A_288 : memref<10000x128xf32, #tpu.memory_space<hbm>>) target(%arg10 : memref<128x128xf32, #tpu.memory_space<vmem>>) offsets(%dma_start3A_285 : memref<128xi32, #tpu.memory_space<vmem>>) semaphore(%arg13 : memref<!tpu.dma_semaphore, #tpu.memory_space<semaphore_mem>>)
      %dma_wait3A_289 = arith.constant 9 : i32
      %dma_wait3A_290 = arith.constant 0 : i32
      %dma_wait3A_291 = tpu.memref_slice %arg8[%dma_wait3A_289, %dma_wait3A_290] : memref<16x128xi32, #tpu.memory_space<vmem>> -> memref<1x128xi32, #tpu.memory_space<vmem>>
      %dma_wait3A_292 = tpu.memref_squeeze %dma_wait3A_291 : memref<1x128xi32, #tpu.memory_space<vmem>> -> memref<128xi32, #tpu.memory_space<vmem>>
      %dma_wait3A_293 = arith.constant 0 : i32
      %dma_wait3A_294 = arith.constant 0 : i32
      %dma_wait3A_295 = tpu.memref_slice %arg2[%dma_wait3A_293, %dma_wait3A_294] : memref<10000x128xf32, #tpu.memory_space<hbm>> -> memref<10000x128xf32, #tpu.memory_space<hbm>>
      tpu.wait_indirect_dma semaphore(%arg14 : memref<!tpu.dma_semaphore, #tpu.memory_space<semaphore_mem>>) src(%dma_wait3A_295 : memref<10000x128xf32, #tpu.memory_space<hbm>>) dst(%arg11 : memref<128x128xf32, #tpu.memory_space<vmem>>)
      %dma_start3A_296 = arith.constant 9 : i32
      %dma_start3A_297 = arith.constant 0 : i32
      %dma_start3A_298 = tpu.memref_slice %arg9[%dma_start3A_296, %dma_start3A_297] : memref<16x128xi32, #tpu.memory_space<vmem>> -> memref<1x128xi32, #tpu.memory_space<vmem>>
      %dma_start3A_299 = tpu.memref_squeeze %dma_start3A_298 : memref<1x128xi32, #tpu.memory_space<vmem>> -> memref<128xi32, #tpu.memory_space<vmem>>
      %dma_start3A_300 = arith.constant 0 : i32
      %dma_start3A_301 = arith.constant 0 : i32
      %dma_start3A_302 = tpu.memref_slice %arg12[%dma_start3A_300, %dma_start3A_301] : memref<10240x128xf32, #tpu.memory_space<vmem_shared>> -> memref<10240x128xf32, #tpu.memory_space<vmem_shared>>
      tpu.enqueue_indirect_dma source(%arg11 : memref<128x128xf32, #tpu.memory_space<vmem>>) target(%dma_start3A_302 : memref<10240x128xf32, #tpu.memory_space<vmem_shared>>) offsets(%dma_start3A_299 : memref<128xi32, #tpu.memory_space<vmem>>) semaphore(%arg16 : memref<!tpu.dma_semaphore, #tpu.memory_space<semaphore_mem>>) {add = true}
      %dma_wait3A_303 = arith.constant 9 : i32
      %dma_wait3A_304 = arith.constant 0 : i32
      %dma_wait3A_305 = tpu.memref_slice %arg9[%dma_wait3A_303, %dma_wait3A_304] : memref<16x128xi32, #tpu.memory_space<vmem>> -> memref<1x128xi32, #tpu.memory_space<vmem>>
      %dma_wait3A_306 = tpu.memref_squeeze %dma_wait3A_305 : memref<1x128xi32, #tpu.memory_space<vmem>> -> memref<128xi32, #tpu.memory_space<vmem>>
      %dma_wait3A_307 = arith.constant 0 : i32
      %dma_wait3A_308 = arith.constant 0 : i32
      %dma_wait3A_309 = tpu.memref_slice %arg12[%dma_wait3A_307, %dma_wait3A_308] : memref<10240x128xf32, #tpu.memory_space<vmem_shared>> -> memref<10240x128xf32, #tpu.memory_space<vmem_shared>>
      tpu.wait_indirect_dma semaphore(%arg16 : memref<!tpu.dma_semaphore, #tpu.memory_space<semaphore_mem>>) src(%arg11 : memref<128x128xf32, #tpu.memory_space<vmem>>) dst(%dma_wait3A_309 : memref<10240x128xf32, #tpu.memory_space<vmem_shared>>)
      %dma_start3A_310 = arith.constant 11 : i32
      %dma_start3A_311 = arith.constant 0 : i32
      %dma_start3A_312 = tpu.memref_slice %arg8[%dma_start3A_310, %dma_start3A_311] : memref<16x128xi32, #tpu.memory_space<vmem>> -> memref<1x128xi32, #tpu.memory_space<vmem>>
      %dma_start3A_313 = tpu.memref_squeeze %dma_start3A_312 : memref<1x128xi32, #tpu.memory_space<vmem>> -> memref<128xi32, #tpu.memory_space<vmem>>
      %dma_start3A_314 = arith.constant 0 : i32
      %dma_start3A_315 = arith.constant 0 : i32
      %dma_start3A_316 = tpu.memref_slice %arg2[%dma_start3A_314, %dma_start3A_315] : memref<10000x128xf32, #tpu.memory_space<hbm>> -> memref<10000x128xf32, #tpu.memory_space<hbm>>
      tpu.enqueue_indirect_dma source(%dma_start3A_316 : memref<10000x128xf32, #tpu.memory_space<hbm>>) target(%arg11 : memref<128x128xf32, #tpu.memory_space<vmem>>) offsets(%dma_start3A_313 : memref<128xi32, #tpu.memory_space<vmem>>) semaphore(%arg14 : memref<!tpu.dma_semaphore, #tpu.memory_space<semaphore_mem>>)
      %dma_wait3A_317 = arith.constant 10 : i32
      %dma_wait3A_318 = arith.constant 0 : i32
      %dma_wait3A_319 = tpu.memref_slice %arg8[%dma_wait3A_317, %dma_wait3A_318] : memref<16x128xi32, #tpu.memory_space<vmem>> -> memref<1x128xi32, #tpu.memory_space<vmem>>
      %dma_wait3A_320 = tpu.memref_squeeze %dma_wait3A_319 : memref<1x128xi32, #tpu.memory_space<vmem>> -> memref<128xi32, #tpu.memory_space<vmem>>
      %dma_wait3A_321 = arith.constant 0 : i32
      %dma_wait3A_322 = arith.constant 0 : i32
      %dma_wait3A_323 = tpu.memref_slice %arg2[%dma_wait3A_321, %dma_wait3A_322] : memref<10000x128xf32, #tpu.memory_space<hbm>> -> memref<10000x128xf32, #tpu.memory_space<hbm>>
      tpu.wait_indirect_dma semaphore(%arg13 : memref<!tpu.dma_semaphore, #tpu.memory_space<semaphore_mem>>) src(%dma_wait3A_323 : memref<10000x128xf32, #tpu.memory_space<hbm>>) dst(%arg10 : memref<128x128xf32, #tpu.memory_space<vmem>>)
      %dma_start3A_324 = arith.constant 10 : i32
      %dma_start3A_325 = arith.constant 0 : i32
      %dma_start3A_326 = tpu.memref_slice %arg9[%dma_start3A_324, %dma_start3A_325] : memref<16x128xi32, #tpu.memory_space<vmem>> -> memref<1x128xi32, #tpu.memory_space<vmem>>
      %dma_start3A_327 = tpu.memref_squeeze %dma_start3A_326 : memref<1x128xi32, #tpu.memory_space<vmem>> -> memref<128xi32, #tpu.memory_space<vmem>>
      %dma_start3A_328 = arith.constant 0 : i32
      %dma_start3A_329 = arith.constant 0 : i32
      %dma_start3A_330 = tpu.memref_slice %arg12[%dma_start3A_328, %dma_start3A_329] : memref<10240x128xf32, #tpu.memory_space<vmem_shared>> -> memref<10240x128xf32, #tpu.memory_space<vmem_shared>>
      tpu.enqueue_indirect_dma source(%arg10 : memref<128x128xf32, #tpu.memory_space<vmem>>) target(%dma_start3A_330 : memref<10240x128xf32, #tpu.memory_space<vmem_shared>>) offsets(%dma_start3A_327 : memref<128xi32, #tpu.memory_space<vmem>>) semaphore(%arg15 : memref<!tpu.dma_semaphore, #tpu.memory_space<semaphore_mem>>) {add = true}
      %dma_wait3A_331 = arith.constant 10 : i32
      %dma_wait3A_332 = arith.constant 0 : i32
      %dma_wait3A_333 = tpu.memref_slice %arg9[%dma_wait3A_331, %dma_wait3A_332] : memref<16x128xi32, #tpu.memory_space<vmem>> -> memref<1x128xi32, #tpu.memory_space<vmem>>
      %dma_wait3A_334 = tpu.memref_squeeze %dma_wait3A_333 : memref<1x128xi32, #tpu.memory_space<vmem>> -> memref<128xi32, #tpu.memory_space<vmem>>
      %dma_wait3A_335 = arith.constant 0 : i32
      %dma_wait3A_336 = arith.constant 0 : i32
      %dma_wait3A_337 = tpu.memref_slice %arg12[%dma_wait3A_335, %dma_wait3A_336] : memref<10240x128xf32, #tpu.memory_space<vmem_shared>> -> memref<10240x128xf32, #tpu.memory_space<vmem_shared>>
      tpu.wait_indirect_dma semaphore(%arg15 : memref<!tpu.dma_semaphore, #tpu.memory_space<semaphore_mem>>) src(%arg10 : memref<128x128xf32, #tpu.memory_space<vmem>>) dst(%dma_wait3A_337 : memref<10240x128xf32, #tpu.memory_space<vmem_shared>>)
      %dma_start3A_338 = arith.constant 12 : i32
      %dma_start3A_339 = arith.constant 0 : i32
      %dma_start3A_340 = tpu.memref_slice %arg8[%dma_start3A_338, %dma_start3A_339] : memref<16x128xi32, #tpu.memory_space<vmem>> -> memref<1x128xi32, #tpu.memory_space<vmem>>
      %dma_start3A_341 = tpu.memref_squeeze %dma_start3A_340 : memref<1x128xi32, #tpu.memory_space<vmem>> -> memref<128xi32, #tpu.memory_space<vmem>>
      %dma_start3A_342 = arith.constant 0 : i32
      %dma_start3A_343 = arith.constant 0 : i32
      %dma_start3A_344 = tpu.memref_slice %arg2[%dma_start3A_342, %dma_start3A_343] : memref<10000x128xf32, #tpu.memory_space<hbm>> -> memref<10000x128xf32, #tpu.memory_space<hbm>>
      tpu.enqueue_indirect_dma source(%dma_start3A_344 : memref<10000x128xf32, #tpu.memory_space<hbm>>) target(%arg10 : memref<128x128xf32, #tpu.memory_space<vmem>>) offsets(%dma_start3A_341 : memref<128xi32, #tpu.memory_space<vmem>>) semaphore(%arg13 : memref<!tpu.dma_semaphore, #tpu.memory_space<semaphore_mem>>)
      %dma_wait3A_345 = arith.constant 11 : i32
      %dma_wait3A_346 = arith.constant 0 : i32
      %dma_wait3A_347 = tpu.memref_slice %arg8[%dma_wait3A_345, %dma_wait3A_346] : memref<16x128xi32, #tpu.memory_space<vmem>> -> memref<1x128xi32, #tpu.memory_space<vmem>>
      %dma_wait3A_348 = tpu.memref_squeeze %dma_wait3A_347 : memref<1x128xi32, #tpu.memory_space<vmem>> -> memref<128xi32, #tpu.memory_space<vmem>>
      %dma_wait3A_349 = arith.constant 0 : i32
      %dma_wait3A_350 = arith.constant 0 : i32
      %dma_wait3A_351 = tpu.memref_slice %arg2[%dma_wait3A_349, %dma_wait3A_350] : memref<10000x128xf32, #tpu.memory_space<hbm>> -> memref<10000x128xf32, #tpu.memory_space<hbm>>
      tpu.wait_indirect_dma semaphore(%arg14 : memref<!tpu.dma_semaphore, #tpu.memory_space<semaphore_mem>>) src(%dma_wait3A_351 : memref<10000x128xf32, #tpu.memory_space<hbm>>) dst(%arg11 : memref<128x128xf32, #tpu.memory_space<vmem>>)
      %dma_start3A_352 = arith.constant 11 : i32
      %dma_start3A_353 = arith.constant 0 : i32
      %dma_start3A_354 = tpu.memref_slice %arg9[%dma_start3A_352, %dma_start3A_353] : memref<16x128xi32, #tpu.memory_space<vmem>> -> memref<1x128xi32, #tpu.memory_space<vmem>>
      %dma_start3A_355 = tpu.memref_squeeze %dma_start3A_354 : memref<1x128xi32, #tpu.memory_space<vmem>> -> memref<128xi32, #tpu.memory_space<vmem>>
      %dma_start3A_356 = arith.constant 0 : i32
      %dma_start3A_357 = arith.constant 0 : i32
      %dma_start3A_358 = tpu.memref_slice %arg12[%dma_start3A_356, %dma_start3A_357] : memref<10240x128xf32, #tpu.memory_space<vmem_shared>> -> memref<10240x128xf32, #tpu.memory_space<vmem_shared>>
      tpu.enqueue_indirect_dma source(%arg11 : memref<128x128xf32, #tpu.memory_space<vmem>>) target(%dma_start3A_358 : memref<10240x128xf32, #tpu.memory_space<vmem_shared>>) offsets(%dma_start3A_355 : memref<128xi32, #tpu.memory_space<vmem>>) semaphore(%arg16 : memref<!tpu.dma_semaphore, #tpu.memory_space<semaphore_mem>>) {add = true}
      %dma_wait3A_359 = arith.constant 11 : i32
      %dma_wait3A_360 = arith.constant 0 : i32
      %dma_wait3A_361 = tpu.memref_slice %arg9[%dma_wait3A_359, %dma_wait3A_360] : memref<16x128xi32, #tpu.memory_space<vmem>> -> memref<1x128xi32, #tpu.memory_space<vmem>>
      %dma_wait3A_362 = tpu.memref_squeeze %dma_wait3A_361 : memref<1x128xi32, #tpu.memory_space<vmem>> -> memref<128xi32, #tpu.memory_space<vmem>>
      %dma_wait3A_363 = arith.constant 0 : i32
      %dma_wait3A_364 = arith.constant 0 : i32
      %dma_wait3A_365 = tpu.memref_slice %arg12[%dma_wait3A_363, %dma_wait3A_364] : memref<10240x128xf32, #tpu.memory_space<vmem_shared>> -> memref<10240x128xf32, #tpu.memory_space<vmem_shared>>
      tpu.wait_indirect_dma semaphore(%arg16 : memref<!tpu.dma_semaphore, #tpu.memory_space<semaphore_mem>>) src(%arg11 : memref<128x128xf32, #tpu.memory_space<vmem>>) dst(%dma_wait3A_365 : memref<10240x128xf32, #tpu.memory_space<vmem_shared>>)
      %dma_start3A_366 = arith.constant 13 : i32
      %dma_start3A_367 = arith.constant 0 : i32
      %dma_start3A_368 = tpu.memref_slice %arg8[%dma_start3A_366, %dma_start3A_367] : memref<16x128xi32, #tpu.memory_space<vmem>> -> memref<1x128xi32, #tpu.memory_space<vmem>>
      %dma_start3A_369 = tpu.memref_squeeze %dma_start3A_368 : memref<1x128xi32, #tpu.memory_space<vmem>> -> memref<128xi32, #tpu.memory_space<vmem>>
      %dma_start3A_370 = arith.constant 0 : i32
      %dma_start3A_371 = arith.constant 0 : i32
      %dma_start3A_372 = tpu.memref_slice %arg2[%dma_start3A_370, %dma_start3A_371] : memref<10000x128xf32, #tpu.memory_space<hbm>> -> memref<10000x128xf32, #tpu.memory_space<hbm>>
      tpu.enqueue_indirect_dma source(%dma_start3A_372 : memref<10000x128xf32, #tpu.memory_space<hbm>>) target(%arg11 : memref<128x128xf32, #tpu.memory_space<vmem>>) offsets(%dma_start3A_369 : memref<128xi32, #tpu.memory_space<vmem>>) semaphore(%arg14 : memref<!tpu.dma_semaphore, #tpu.memory_space<semaphore_mem>>)
      %dma_wait3A_373 = arith.constant 12 : i32
      %dma_wait3A_374 = arith.constant 0 : i32
      %dma_wait3A_375 = tpu.memref_slice %arg8[%dma_wait3A_373, %dma_wait3A_374] : memref<16x128xi32, #tpu.memory_space<vmem>> -> memref<1x128xi32, #tpu.memory_space<vmem>>
      %dma_wait3A_376 = tpu.memref_squeeze %dma_wait3A_375 : memref<1x128xi32, #tpu.memory_space<vmem>> -> memref<128xi32, #tpu.memory_space<vmem>>
      %dma_wait3A_377 = arith.constant 0 : i32
      %dma_wait3A_378 = arith.constant 0 : i32
      %dma_wait3A_379 = tpu.memref_slice %arg2[%dma_wait3A_377, %dma_wait3A_378] : memref<10000x128xf32, #tpu.memory_space<hbm>> -> memref<10000x128xf32, #tpu.memory_space<hbm>>
      tpu.wait_indirect_dma semaphore(%arg13 : memref<!tpu.dma_semaphore, #tpu.memory_space<semaphore_mem>>) src(%dma_wait3A_379 : memref<10000x128xf32, #tpu.memory_space<hbm>>) dst(%arg10 : memref<128x128xf32, #tpu.memory_space<vmem>>)
      %dma_start3A_380 = arith.constant 12 : i32
      %dma_start3A_381 = arith.constant 0 : i32
      %dma_start3A_382 = tpu.memref_slice %arg9[%dma_start3A_380, %dma_start3A_381] : memref<16x128xi32, #tpu.memory_space<vmem>> -> memref<1x128xi32, #tpu.memory_space<vmem>>
      %dma_start3A_383 = tpu.memref_squeeze %dma_start3A_382 : memref<1x128xi32, #tpu.memory_space<vmem>> -> memref<128xi32, #tpu.memory_space<vmem>>
      %dma_start3A_384 = arith.constant 0 : i32
      %dma_start3A_385 = arith.constant 0 : i32
      %dma_start3A_386 = tpu.memref_slice %arg12[%dma_start3A_384, %dma_start3A_385] : memref<10240x128xf32, #tpu.memory_space<vmem_shared>> -> memref<10240x128xf32, #tpu.memory_space<vmem_shared>>
      tpu.enqueue_indirect_dma source(%arg10 : memref<128x128xf32, #tpu.memory_space<vmem>>) target(%dma_start3A_386 : memref<10240x128xf32, #tpu.memory_space<vmem_shared>>) offsets(%dma_start3A_383 : memref<128xi32, #tpu.memory_space<vmem>>) semaphore(%arg15 : memref<!tpu.dma_semaphore, #tpu.memory_space<semaphore_mem>>) {add = true}
      %dma_wait3A_387 = arith.constant 12 : i32
      %dma_wait3A_388 = arith.constant 0 : i32
      %dma_wait3A_389 = tpu.memref_slice %arg9[%dma_wait3A_387, %dma_wait3A_388] : memref<16x128xi32, #tpu.memory_space<vmem>> -> memref<1x128xi32, #tpu.memory_space<vmem>>
      %dma_wait3A_390 = tpu.memref_squeeze %dma_wait3A_389 : memref<1x128xi32, #tpu.memory_space<vmem>> -> memref<128xi32, #tpu.memory_space<vmem>>
      %dma_wait3A_391 = arith.constant 0 : i32
      %dma_wait3A_392 = arith.constant 0 : i32
      %dma_wait3A_393 = tpu.memref_slice %arg12[%dma_wait3A_391, %dma_wait3A_392] : memref<10240x128xf32, #tpu.memory_space<vmem_shared>> -> memref<10240x128xf32, #tpu.memory_space<vmem_shared>>
      tpu.wait_indirect_dma semaphore(%arg15 : memref<!tpu.dma_semaphore, #tpu.memory_space<semaphore_mem>>) src(%arg10 : memref<128x128xf32, #tpu.memory_space<vmem>>) dst(%dma_wait3A_393 : memref<10240x128xf32, #tpu.memory_space<vmem_shared>>)
      %dma_start3A_394 = arith.constant 14 : i32
      %dma_start3A_395 = arith.constant 0 : i32
      %dma_start3A_396 = tpu.memref_slice %arg8[%dma_start3A_394, %dma_start3A_395] : memref<16x128xi32, #tpu.memory_space<vmem>> -> memref<1x128xi32, #tpu.memory_space<vmem>>
      %dma_start3A_397 = tpu.memref_squeeze %dma_start3A_396 : memref<1x128xi32, #tpu.memory_space<vmem>> -> memref<128xi32, #tpu.memory_space<vmem>>
      %dma_start3A_398 = arith.constant 0 : i32
      %dma_start3A_399 = arith.constant 0 : i32
      %dma_start3A_400 = tpu.memref_slice %arg2[%dma_start3A_398, %dma_start3A_399] : memref<10000x128xf32, #tpu.memory_space<hbm>> -> memref<10000x128xf32, #tpu.memory_space<hbm>>
      tpu.enqueue_indirect_dma source(%dma_start3A_400 : memref<10000x128xf32, #tpu.memory_space<hbm>>) target(%arg10 : memref<128x128xf32, #tpu.memory_space<vmem>>) offsets(%dma_start3A_397 : memref<128xi32, #tpu.memory_space<vmem>>) semaphore(%arg13 : memref<!tpu.dma_semaphore, #tpu.memory_space<semaphore_mem>>)
      %dma_wait3A_401 = arith.constant 13 : i32
      %dma_wait3A_402 = arith.constant 0 : i32
      %dma_wait3A_403 = tpu.memref_slice %arg8[%dma_wait3A_401, %dma_wait3A_402] : memref<16x128xi32, #tpu.memory_space<vmem>> -> memref<1x128xi32, #tpu.memory_space<vmem>>
      %dma_wait3A_404 = tpu.memref_squeeze %dma_wait3A_403 : memref<1x128xi32, #tpu.memory_space<vmem>> -> memref<128xi32, #tpu.memory_space<vmem>>
      %dma_wait3A_405 = arith.constant 0 : i32
      %dma_wait3A_406 = arith.constant 0 : i32
      %dma_wait3A_407 = tpu.memref_slice %arg2[%dma_wait3A_405, %dma_wait3A_406] : memref<10000x128xf32, #tpu.memory_space<hbm>> -> memref<10000x128xf32, #tpu.memory_space<hbm>>
      tpu.wait_indirect_dma semaphore(%arg14 : memref<!tpu.dma_semaphore, #tpu.memory_space<semaphore_mem>>) src(%dma_wait3A_407 : memref<10000x128xf32, #tpu.memory_space<hbm>>) dst(%arg11 : memref<128x128xf32, #tpu.memory_space<vmem>>)
      %dma_start3A_408 = arith.constant 13 : i32
      %dma_start3A_409 = arith.constant 0 : i32
      %dma_start3A_410 = tpu.memref_slice %arg9[%dma_start3A_408, %dma_start3A_409] : memref<16x128xi32, #tpu.memory_space<vmem>> -> memref<1x128xi32, #tpu.memory_space<vmem>>
      %dma_start3A_411 = tpu.memref_squeeze %dma_start3A_410 : memref<1x128xi32, #tpu.memory_space<vmem>> -> memref<128xi32, #tpu.memory_space<vmem>>
      %dma_start3A_412 = arith.constant 0 : i32
      %dma_start3A_413 = arith.constant 0 : i32
      %dma_start3A_414 = tpu.memref_slice %arg12[%dma_start3A_412, %dma_start3A_413] : memref<10240x128xf32, #tpu.memory_space<vmem_shared>> -> memref<10240x128xf32, #tpu.memory_space<vmem_shared>>
      tpu.enqueue_indirect_dma source(%arg11 : memref<128x128xf32, #tpu.memory_space<vmem>>) target(%dma_start3A_414 : memref<10240x128xf32, #tpu.memory_space<vmem_shared>>) offsets(%dma_start3A_411 : memref<128xi32, #tpu.memory_space<vmem>>) semaphore(%arg16 : memref<!tpu.dma_semaphore, #tpu.memory_space<semaphore_mem>>) {add = true}
      %dma_wait3A_415 = arith.constant 13 : i32
      %dma_wait3A_416 = arith.constant 0 : i32
      %dma_wait3A_417 = tpu.memref_slice %arg9[%dma_wait3A_415, %dma_wait3A_416] : memref<16x128xi32, #tpu.memory_space<vmem>> -> memref<1x128xi32, #tpu.memory_space<vmem>>
      %dma_wait3A_418 = tpu.memref_squeeze %dma_wait3A_417 : memref<1x128xi32, #tpu.memory_space<vmem>> -> memref<128xi32, #tpu.memory_space<vmem>>
      %dma_wait3A_419 = arith.constant 0 : i32
      %dma_wait3A_420 = arith.constant 0 : i32
      %dma_wait3A_421 = tpu.memref_slice %arg12[%dma_wait3A_419, %dma_wait3A_420] : memref<10240x128xf32, #tpu.memory_space<vmem_shared>> -> memref<10240x128xf32, #tpu.memory_space<vmem_shared>>
      tpu.wait_indirect_dma semaphore(%arg16 : memref<!tpu.dma_semaphore, #tpu.memory_space<semaphore_mem>>) src(%arg11 : memref<128x128xf32, #tpu.memory_space<vmem>>) dst(%dma_wait3A_421 : memref<10240x128xf32, #tpu.memory_space<vmem_shared>>)
      %dma_start3A_422 = arith.constant 15 : i32
      %dma_start3A_423 = arith.constant 0 : i32
      %dma_start3A_424 = tpu.memref_slice %arg8[%dma_start3A_422, %dma_start3A_423] : memref<16x128xi32, #tpu.memory_space<vmem>> -> memref<1x128xi32, #tpu.memory_space<vmem>>
      %dma_start3A_425 = tpu.memref_squeeze %dma_start3A_424 : memref<1x128xi32, #tpu.memory_space<vmem>> -> memref<128xi32, #tpu.memory_space<vmem>>
      %dma_start3A_426 = arith.constant 0 : i32
      %dma_start3A_427 = arith.constant 0 : i32
      %dma_start3A_428 = tpu.memref_slice %arg2[%dma_start3A_426, %dma_start3A_427] : memref<10000x128xf32, #tpu.memory_space<hbm>> -> memref<10000x128xf32, #tpu.memory_space<hbm>>
      tpu.enqueue_indirect_dma source(%dma_start3A_428 : memref<10000x128xf32, #tpu.memory_space<hbm>>) target(%arg11 : memref<128x128xf32, #tpu.memory_space<vmem>>) offsets(%dma_start3A_425 : memref<128xi32, #tpu.memory_space<vmem>>) semaphore(%arg14 : memref<!tpu.dma_semaphore, #tpu.memory_space<semaphore_mem>>)
      %dma_wait3A_429 = arith.constant 14 : i32
      %dma_wait3A_430 = arith.constant 0 : i32
      %dma_wait3A_431 = tpu.memref_slice %arg8[%dma_wait3A_429, %dma_wait3A_430] : memref<16x128xi32, #tpu.memory_space<vmem>> -> memref<1x128xi32, #tpu.memory_space<vmem>>
      %dma_wait3A_432 = tpu.memref_squeeze %dma_wait3A_431 : memref<1x128xi32, #tpu.memory_space<vmem>> -> memref<128xi32, #tpu.memory_space<vmem>>
      %dma_wait3A_433 = arith.constant 0 : i32
      %dma_wait3A_434 = arith.constant 0 : i32
      %dma_wait3A_435 = tpu.memref_slice %arg2[%dma_wait3A_433, %dma_wait3A_434] : memref<10000x128xf32, #tpu.memory_space<hbm>> -> memref<10000x128xf32, #tpu.memory_space<hbm>>
      tpu.wait_indirect_dma semaphore(%arg13 : memref<!tpu.dma_semaphore, #tpu.memory_space<semaphore_mem>>) src(%dma_wait3A_435 : memref<10000x128xf32, #tpu.memory_space<hbm>>) dst(%arg10 : memref<128x128xf32, #tpu.memory_space<vmem>>)
      %dma_start3A_436 = arith.constant 14 : i32
      %dma_start3A_437 = arith.constant 0 : i32
      %dma_start3A_438 = tpu.memref_slice %arg9[%dma_start3A_436, %dma_start3A_437] : memref<16x128xi32, #tpu.memory_space<vmem>> -> memref<1x128xi32, #tpu.memory_space<vmem>>
      %dma_start3A_439 = tpu.memref_squeeze %dma_start3A_438 : memref<1x128xi32, #tpu.memory_space<vmem>> -> memref<128xi32, #tpu.memory_space<vmem>>
      %dma_start3A_440 = arith.constant 0 : i32
      %dma_start3A_441 = arith.constant 0 : i32
      %dma_start3A_442 = tpu.memref_slice %arg12[%dma_start3A_440, %dma_start3A_441] : memref<10240x128xf32, #tpu.memory_space<vmem_shared>> -> memref<10240x128xf32, #tpu.memory_space<vmem_shared>>
      tpu.enqueue_indirect_dma source(%arg10 : memref<128x128xf32, #tpu.memory_space<vmem>>) target(%dma_start3A_442 : memref<10240x128xf32, #tpu.memory_space<vmem_shared>>) offsets(%dma_start3A_439 : memref<128xi32, #tpu.memory_space<vmem>>) semaphore(%arg15 : memref<!tpu.dma_semaphore, #tpu.memory_space<semaphore_mem>>) {add = true}
      %dma_wait3A_443 = arith.constant 15 : i32
      %dma_wait3A_444 = arith.constant 0 : i32
      %dma_wait3A_445 = tpu.memref_slice %arg8[%dma_wait3A_443, %dma_wait3A_444] : memref<16x128xi32, #tpu.memory_space<vmem>> -> memref<1x128xi32, #tpu.memory_space<vmem>>
      %dma_wait3A_446 = tpu.memref_squeeze %dma_wait3A_445 : memref<1x128xi32, #tpu.memory_space<vmem>> -> memref<128xi32, #tpu.memory_space<vmem>>
      %dma_wait3A_447 = arith.constant 0 : i32
      %dma_wait3A_448 = arith.constant 0 : i32
      %dma_wait3A_449 = tpu.memref_slice %arg2[%dma_wait3A_447, %dma_wait3A_448] : memref<10000x128xf32, #tpu.memory_space<hbm>> -> memref<10000x128xf32, #tpu.memory_space<hbm>>
      tpu.wait_indirect_dma semaphore(%arg14 : memref<!tpu.dma_semaphore, #tpu.memory_space<semaphore_mem>>) src(%dma_wait3A_449 : memref<10000x128xf32, #tpu.memory_space<hbm>>) dst(%arg11 : memref<128x128xf32, #tpu.memory_space<vmem>>)
      %dma_start3A_450 = arith.constant 15 : i32
      %dma_start3A_451 = arith.constant 0 : i32
      %dma_start3A_452 = tpu.memref_slice %arg9[%dma_start3A_450, %dma_start3A_451] : memref<16x128xi32, #tpu.memory_space<vmem>> -> memref<1x128xi32, #tpu.memory_space<vmem>>
      %dma_start3A_453 = tpu.memref_squeeze %dma_start3A_452 : memref<1x128xi32, #tpu.memory_space<vmem>> -> memref<128xi32, #tpu.memory_space<vmem>>
      %dma_start3A_454 = arith.constant 0 : i32
      %dma_start3A_455 = arith.constant 0 : i32
      %dma_start3A_456 = tpu.memref_slice %arg12[%dma_start3A_454, %dma_start3A_455] : memref<10240x128xf32, #tpu.memory_space<vmem_shared>> -> memref<10240x128xf32, #tpu.memory_space<vmem_shared>>
      tpu.enqueue_indirect_dma source(%arg11 : memref<128x128xf32, #tpu.memory_space<vmem>>) target(%dma_start3A_456 : memref<10240x128xf32, #tpu.memory_space<vmem_shared>>) offsets(%dma_start3A_453 : memref<128xi32, #tpu.memory_space<vmem>>) semaphore(%arg16 : memref<!tpu.dma_semaphore, #tpu.memory_space<semaphore_mem>>) {add = true}
      %dma_wait3A_457 = arith.constant 14 : i32
      %dma_wait3A_458 = arith.constant 0 : i32
      %dma_wait3A_459 = tpu.memref_slice %arg9[%dma_wait3A_457, %dma_wait3A_458] : memref<16x128xi32, #tpu.memory_space<vmem>> -> memref<1x128xi32, #tpu.memory_space<vmem>>
      %dma_wait3A_460 = tpu.memref_squeeze %dma_wait3A_459 : memref<1x128xi32, #tpu.memory_space<vmem>> -> memref<128xi32, #tpu.memory_space<vmem>>
      %dma_wait3A_461 = arith.constant 0 : i32
      %dma_wait3A_462 = arith.constant 0 : i32
      %dma_wait3A_463 = tpu.memref_slice %arg12[%dma_wait3A_461, %dma_wait3A_462] : memref<10240x128xf32, #tpu.memory_space<vmem_shared>> -> memref<10240x128xf32, #tpu.memory_space<vmem_shared>>
      tpu.wait_indirect_dma semaphore(%arg15 : memref<!tpu.dma_semaphore, #tpu.memory_space<semaphore_mem>>) src(%arg10 : memref<128x128xf32, #tpu.memory_space<vmem>>) dst(%dma_wait3A_463 : memref<10240x128xf32, #tpu.memory_space<vmem_shared>>)
      %dma_wait3A_464 = arith.constant 15 : i32
      %dma_wait3A_465 = arith.constant 0 : i32
      %dma_wait3A_466 = tpu.memref_slice %arg9[%dma_wait3A_464, %dma_wait3A_465] : memref<16x128xi32, #tpu.memory_space<vmem>> -> memref<1x128xi32, #tpu.memory_space<vmem>>
      %dma_wait3A_467 = tpu.memref_squeeze %dma_wait3A_466 : memref<1x128xi32, #tpu.memory_space<vmem>> -> memref<128xi32, #tpu.memory_space<vmem>>
      %dma_wait3A_468 = arith.constant 0 : i32
      %dma_wait3A_469 = arith.constant 0 : i32
      %dma_wait3A_470 = tpu.memref_slice %arg12[%dma_wait3A_468, %dma_wait3A_469] : memref<10240x128xf32, #tpu.memory_space<vmem_shared>> -> memref<10240x128xf32, #tpu.memory_space<vmem_shared>>
      tpu.wait_indirect_dma semaphore(%arg16 : memref<!tpu.dma_semaphore, #tpu.memory_space<semaphore_mem>>) src(%arg11 : memref<128x128xf32, #tpu.memory_space<vmem>>) dst(%dma_wait3A_470 : memref<10240x128xf32, #tpu.memory_space<vmem_shared>>)
    }
    %scan3A_11 = arith.constant 5 : i32
    %barrier3A_12 = arith.constant 0 : index
    tpu.barrier barrier_id(%barrier3A_12)
    %eq3A = arith.constant 0 : i32
    "tpu.trace_stop"() : () -> ()
    "tpu.trace_start"() <{level = 10 : i32, message = "writeout"}> : () -> ()
    %eq3A_13 = arith.cmpi eq, %arg0, %eq3A : i32
    %convert_element_type3A = arith.extui %eq3A_13 : i1 to i32
    %cond3A = arith.constant 0 : i32
    %cond3A_14 = arith.cmpi ne, %convert_element_type3A, %cond3A : i32
    scf.if %cond3A_14 {
      %mul3A_20 = arith.constant 640 : i32
      %mul3A_21 = arith.muli %arg1, %mul3A_20 : i32
      %mul3A_22 = arith.constant 640 : i32
      %mul3A_23 = arith.muli %arg1, %mul3A_22 : i32
      "tpu.region"() ({
        %run_scoped3A = tpu.sem_alloc : memref<!tpu.dma_semaphore, #tpu.memory_space<semaphore_mem>>
        %dma_start3A = arith.constant 0 : i32
        %dma_start3A_24 = tpu.memref_slice %arg6[%mul3A_23, %dma_start3A] : memref<10240x128xf32, #tpu.memory_space<hbm>> -> memref<640x128xf32, #tpu.memory_space<hbm>>
        %dma_start3A_25 = arith.constant 0 : i32
        %dma_start3A_26 = tpu.memref_slice %arg12[%mul3A_21, %dma_start3A_25] : memref<10240x128xf32, #tpu.memory_space<vmem_shared>> -> memref<640x128xf32, #tpu.memory_space<vmem_shared>>
        tpu.enqueue_dma source(%dma_start3A_26 : memref<640x128xf32, #tpu.memory_space<vmem_shared>>) target(%dma_start3A_24 : memref<640x128xf32, #tpu.memory_space<hbm>>) target_semaphore(%run_scoped3A : memref<!tpu.dma_semaphore, #tpu.memory_space<semaphore_mem>>)
        %dma_wait3A = arith.constant 0 : i32
        %dma_wait3A_27 = tpu.memref_slice %arg6[%mul3A_23, %dma_wait3A] : memref<10240x128xf32, #tpu.memory_space<hbm>> -> memref<640x128xf32, #tpu.memory_space<hbm>>
        %dma_wait3A_28 = arith.constant 0 : i32
        %dma_wait3A_29 = tpu.memref_slice %arg12[%mul3A_21, %dma_wait3A_28] : memref<10240x128xf32, #tpu.memory_space<vmem_shared>> -> memref<640x128xf32, #tpu.memory_space<vmem_shared>>
        tpu.wait_dma2 semaphore(%run_scoped3A : memref<!tpu.dma_semaphore, #tpu.memory_space<semaphore_mem>>) src(%dma_wait3A_29 : memref<640x128xf32, #tpu.memory_space<vmem_shared>>) dst(%dma_wait3A_27 : memref<640x128xf32, #tpu.memory_space<hbm>>)
        tpu.yield
      }) : () -> ()
    } else {
    }
    %eq3A_15 = arith.constant 1 : i32
    %eq3A_16 = arith.cmpi eq, %arg0, %eq3A_15 : i32
    %convert_element_type3A_17 = arith.extui %eq3A_16 : i1 to i32
    %cond3A_18 = arith.constant 0 : i32
    %cond3A_19 = arith.cmpi ne, %convert_element_type3A_17, %cond3A_18 : i32
    scf.if %cond3A_19 {
      %mul3A_20 = arith.constant 640 : i32
      %mul3A_21 = arith.muli %arg1, %mul3A_20 : i32
      %mul3A_22 = arith.constant 640 : i32
      %mul3A_23 = arith.muli %arg1, %mul3A_22 : i32
      "tpu.region"() ({
        %run_scoped3A = tpu.sem_alloc : memref<!tpu.dma_semaphore, #tpu.memory_space<semaphore_mem>>
        %dma_start3A = arith.constant 0 : i32
        %dma_start3A_24 = tpu.memref_slice %arg7[%mul3A_23, %dma_start3A] : memref<10240x128xf32, #tpu.memory_space<hbm>> -> memref<640x128xf32, #tpu.memory_space<hbm>>
        %dma_start3A_25 = arith.constant 0 : i32
        %dma_start3A_26 = tpu.memref_slice %arg12[%mul3A_21, %dma_start3A_25] : memref<10240x128xf32, #tpu.memory_space<vmem_shared>> -> memref<640x128xf32, #tpu.memory_space<vmem_shared>>
        tpu.enqueue_dma source(%dma_start3A_26 : memref<640x128xf32, #tpu.memory_space<vmem_shared>>) target(%dma_start3A_24 : memref<640x128xf32, #tpu.memory_space<hbm>>) target_semaphore(%run_scoped3A : memref<!tpu.dma_semaphore, #tpu.memory_space<semaphore_mem>>)
        %dma_wait3A = arith.constant 0 : i32
        %dma_wait3A_27 = tpu.memref_slice %arg7[%mul3A_23, %dma_wait3A] : memref<10240x128xf32, #tpu.memory_space<hbm>> -> memref<640x128xf32, #tpu.memory_space<hbm>>
        %dma_wait3A_28 = arith.constant 0 : i32
        %dma_wait3A_29 = tpu.memref_slice %arg12[%mul3A_21, %dma_wait3A_28] : memref<10240x128xf32, #tpu.memory_space<vmem_shared>> -> memref<640x128xf32, #tpu.memory_space<vmem_shared>>
        tpu.wait_dma2 semaphore(%run_scoped3A : memref<!tpu.dma_semaphore, #tpu.memory_space<semaphore_mem>>) src(%dma_wait3A_29 : memref<640x128xf32, #tpu.memory_space<vmem_shared>>) dst(%dma_wait3A_27 : memref<640x128xf32, #tpu.memory_space<hbm>>)
        tpu.yield
      }) : () -> ()
    } else {
    }
    "tpu.trace_stop"() : () -> ()
    return
  }
}

module attributes {stable_mosaic.version = 14 : i64} {
  func.func @_mm_bias_kernel(%arg0: i32, %arg1: memref<2000x128xf32, #tpu.memory_space<vmem>>, %arg2: memref<128x128xf32, #tpu.memory_space<vmem>>, %arg3: memref<1x128xf32, #tpu.memory_space<vmem>>, %arg4: memref<2000x128xf32, #tpu.memory_space<vmem>>) attributes {dimension_semantics = [#tpu.dimension_semantics<arbitrary>], iteration_bounds = array<i64: 5>, scalar_prefetch = 0 : i64, scratch_operands = 0 : i64, tpu.core_type = #tpu.core_type<tc>, window_params = [{transform_indices = @transform_0, window_bounds = array<i64: 2000, 128>}, {pipeline_mode = #tpu.pipeline_mode<synchronous>, transform_indices = @transform_1, window_bounds = array<i64: 128, 128>}, {pipeline_mode = #tpu.pipeline_mode<synchronous>, transform_indices = @transform_2, window_bounds = array<i64: 1, 128>}, {transform_indices = @transform_3, window_bounds = array<i64: 2000, 128>}]} {
    %get3A = arith.constant 0 : index
    %get3A_0 = arith.constant 0 : index
    %get3A_1 = vector.load %arg1[%get3A, %get3A_0] : memref<2000x128xf32, #tpu.memory_space<vmem>>, vector<2000x128xf32>
    %get3A_2 = arith.constant 0 : index
    %get3A_3 = arith.constant 0 : index
    %get3A_4 = vector.load %arg2[%get3A_2, %get3A_3] : memref<128x128xf32, #tpu.memory_space<vmem>>, vector<128x128xf32>
    %dot_general3A = arith.constant dense<0.000000e+00> : vector<2000x128xf32>
    %dot_general3A_5 = tpu.matmul %get3A_1, %get3A_4, %dot_general3A {dimension_numbers = #tpu.dot_dimension_numbers<[1], [0], [0], [1], [0, 0, 1, 1], [], []>, transpose_lhs_hint = false} : vector<2000x128xf32>, vector<128x128xf32>, vector<2000x128xf32> -> vector<2000x128xf32>
    %get3A_6 = arith.constant 0 : index
    %get3A_7 = arith.constant 0 : index
    %get3A_8 = vector.load %arg3[%get3A_6, %get3A_7] : memref<1x128xf32, #tpu.memory_space<vmem>>, vector<1x128xf32>
    %add3A = vector.broadcast %get3A_8 : vector<1x128xf32> to vector<2000x128xf32>
    %add3A_9 = arith.addf %dot_general3A_5, %add3A : vector<2000x128xf32>
    %swap3A = arith.constant 0 : index
    %swap3A_10 = arith.constant 0 : index
    %swap3A_11 = vector.load %arg4[%swap3A, %swap3A_10] : memref<2000x128xf32, #tpu.memory_space<vmem>>, vector<2000x128xf32>
    tpu.vector_store %arg4[%swap3A, %swap3A_10], %add3A_9 {strides = array<i32>} : memref<2000x128xf32, #tpu.memory_space<vmem>>, vector<2000x128xf32>,
    return
  }
  func.func @transform_0(%arg0: i32) -> (i32, i32) {
    %c0_i32 = arith.constant 0 : i32
    %c0_i32_0 = arith.constant 0 : i32
    return %arg0, %c0_i32 : i32, i32
  }
  func.func @transform_1(%arg0: i32) -> (i32, i32) {
    %c0_i32 = arith.constant 0 : i32
    %c0_i32_0 = arith.constant 0 : i32
    %c0_i32_1 = arith.constant 0 : i32
    return %c0_i32, %c0_i32_0 : i32, i32
  }
  func.func @transform_2(%arg0: i32) -> (i32, i32) {
    %c0_i32 = arith.constant 0 : i32
    %c0_i32_0 = arith.constant 0 : i32
    %c0_i32_1 = arith.constant 0 : i32
    return %c0_i32, %c0_i32_0 : i32, i32
  }
  func.func @transform_3(%arg0: i32) -> (i32, i32) {
    %c0_i32 = arith.constant 0 : i32
    %c0_i32_0 = arith.constant 0 : i32
    return %arg0, %c0_i32 : i32, i32
  }
}

module attributes {stable_mosaic.version = 14 : i64} {
  func.func @_gru_kernel(%arg0: i32, %arg1: memref<2000x128xf32, #tpu.memory_space<vmem>>, %arg2: memref<2000x128xf32, #tpu.memory_space<vmem>>, %arg3: memref<2000x128xf32, #tpu.memory_space<vmem>>, %arg4: memref<128x384xf32, #tpu.memory_space<vmem>>, %arg5: memref<128x384xf32, #tpu.memory_space<vmem>>, %arg6: memref<1x384xf32, #tpu.memory_space<vmem>>, %arg7: memref<1x384xf32, #tpu.memory_space<vmem>>, %arg8: memref<128x128xf32, #tpu.memory_space<vmem>>, %arg9: memref<1x128xf32, #tpu.memory_space<vmem>>, %arg10: memref<2000x128xf32, #tpu.memory_space<vmem>>, %arg11: memref<2000x128xf32, #tpu.memory_space<vmem>>) attributes {dimension_semantics = [#tpu.dimension_semantics<arbitrary>], iteration_bounds = array<i64: 5>, scalar_prefetch = 0 : i64, scratch_operands = 0 : i64, tpu.core_type = #tpu.core_type<tc>, window_params = [{transform_indices = @transform_0, window_bounds = array<i64: 2000, 128>}, {transform_indices = @transform_1, window_bounds = array<i64: 2000, 128>}, {transform_indices = @transform_2, window_bounds = array<i64: 2000, 128>}, {pipeline_mode = #tpu.pipeline_mode<synchronous>, transform_indices = @transform_3, window_bounds = array<i64: 128, 384>}, {pipeline_mode = #tpu.pipeline_mode<synchronous>, transform_indices = @transform_4, window_bounds = array<i64: 128, 384>}, {pipeline_mode = #tpu.pipeline_mode<synchronous>, transform_indices = @transform_5, window_bounds = array<i64: 1, 384>}, {pipeline_mode = #tpu.pipeline_mode<synchronous>, transform_indices = @transform_6, window_bounds = array<i64: 1, 384>}, {pipeline_mode = #tpu.pipeline_mode<synchronous>, transform_indices = @transform_7, window_bounds = array<i64: 128, 128>}, {pipeline_mode = #tpu.pipeline_mode<synchronous>, transform_indices = @transform_8, window_bounds = array<i64: 1, 128>}, {transform_indices = @transform_9, window_bounds = array<i64: 2000, 128>}, {transform_indices = @transform_10, window_bounds = array<i64: 2000, 128>}]} {
    %get3A = arith.constant 0 : index
    %get3A_0 = arith.constant 0 : index
    %get3A_1 = vector.load %arg1[%get3A, %get3A_0] : memref<2000x128xf32, #tpu.memory_space<vmem>>, vector<2000x128xf32>
    %get3A_2 = arith.constant 0 : index
    %get3A_3 = arith.constant 0 : index
    %get3A_4 = vector.load %arg2[%get3A_2, %get3A_3] : memref<2000x128xf32, #tpu.memory_space<vmem>>, vector<2000x128xf32>
    %add3A = arith.addf %get3A_1, %get3A_4 : vector<2000x128xf32>
    %get3A_5 = arith.constant 0 : index
    %get3A_6 = arith.constant 0 : index
    %get3A_7 = vector.load %arg3[%get3A_5, %get3A_6] : memref<2000x128xf32, #tpu.memory_space<vmem>>, vector<2000x128xf32>
    %get3A_8 = arith.constant 0 : index
    %get3A_9 = arith.constant 0 : index
    %get3A_10 = vector.load %arg4[%get3A_8, %get3A_9] : memref<128x384xf32, #tpu.memory_space<vmem>>, vector<128x384xf32>
    %dot_general3A = arith.constant dense<0.000000e+00> : vector<2000x384xf32>
    %dot_general3A_11 = tpu.matmul %add3A, %get3A_10, %dot_general3A {dimension_numbers = #tpu.dot_dimension_numbers<[1], [0], [0], [1], [0, 0, 1, 1], [], []>, transpose_lhs_hint = false} : vector<2000x128xf32>, vector<128x384xf32>, vector<2000x384xf32> -> vector<2000x384xf32>
    %get3A_12 = arith.constant 0 : index
    %get3A_13 = arith.constant 0 : index
    %get3A_14 = vector.load %arg6[%get3A_12, %get3A_13] : memref<1x384xf32, #tpu.memory_space<vmem>>, vector<1x384xf32>
    %add3A_15 = vector.broadcast %get3A_14 : vector<1x384xf32> to vector<2000x384xf32>
    %add3A_16 = arith.addf %dot_general3A_11, %add3A_15 : vector<2000x384xf32>
    %get3A_17 = arith.constant 0 : index
    %get3A_18 = arith.constant 0 : index
    %get3A_19 = vector.load %arg5[%get3A_17, %get3A_18] : memref<128x384xf32, #tpu.memory_space<vmem>>, vector<128x384xf32>
    %dot_general3A_20 = arith.constant dense<0.000000e+00> : vector<2000x384xf32>
    %dot_general3A_21 = tpu.matmul %get3A_7, %get3A_19, %dot_general3A_20 {dimension_numbers = #tpu.dot_dimension_numbers<[1], [0], [0], [1], [0, 0, 1, 1], [], []>, transpose_lhs_hint = false} : vector<2000x128xf32>, vector<128x384xf32>, vector<2000x384xf32> -> vector<2000x384xf32>
    %get3A_22 = arith.constant 0 : index
    %get3A_23 = arith.constant 0 : index
    %get3A_24 = vector.load %arg7[%get3A_22, %get3A_23] : memref<1x384xf32, #tpu.memory_space<vmem>>, vector<1x384xf32>
    %add3A_25 = vector.broadcast %get3A_24 : vector<1x384xf32> to vector<2000x384xf32>
    %add3A_26 = arith.addf %dot_general3A_21, %add3A_25 : vector<2000x384xf32>
    %slice3A = vector.extract_strided_slice %add3A_16 {offsets = [0, 0], sizes = [2000, 128], strides = [1, 1]} : vector<2000x384xf32> to vector<2000x128xf32>
    %slice3A_27 = vector.extract_strided_slice %add3A_26 {offsets = [0, 0], sizes = [2000, 128], strides = [1, 1]} : vector<2000x384xf32> to vector<2000x128xf32>
    %add3A_28 = arith.addf %slice3A, %slice3A_27 : vector<2000x128xf32>
    %logistic3A = arith.negf %add3A_28 : vector<2000x128xf32>
    %logistic3A_29 = math.exp %logistic3A : vector<2000x128xf32>
    %logistic3A_30 = arith.constant 1.000000e+00 : f32
    %logistic3A_31 = vector.broadcast %logistic3A_30 : f32 to vector<2000x128xf32>
    %logistic3A_32 = arith.addf %logistic3A_31, %logistic3A_29 : vector<2000x128xf32>
    %logistic3A_33 = arith.divf %logistic3A_31, %logistic3A_32 : vector<2000x128xf32>
    %slice3A_34 = vector.extract_strided_slice %add3A_16 {offsets = [0, 128], sizes = [2000, 128], strides = [1, 1]} : vector<2000x384xf32> to vector<2000x128xf32>
    %slice3A_35 = vector.extract_strided_slice %add3A_26 {offsets = [0, 128], sizes = [2000, 128], strides = [1, 1]} : vector<2000x384xf32> to vector<2000x128xf32>
    %add3A_36 = arith.addf %slice3A_34, %slice3A_35 : vector<2000x128xf32>
    %logistic3A_37 = arith.negf %add3A_36 : vector<2000x128xf32>
    %logistic3A_38 = math.exp %logistic3A_37 : vector<2000x128xf32>
    %logistic3A_39 = arith.constant 1.000000e+00 : f32
    %logistic3A_40 = vector.broadcast %logistic3A_39 : f32 to vector<2000x128xf32>
    %logistic3A_41 = arith.addf %logistic3A_40, %logistic3A_38 : vector<2000x128xf32>
    %logistic3A_42 = arith.divf %logistic3A_40, %logistic3A_41 : vector<2000x128xf32>
    %slice3A_43 = vector.extract_strided_slice %add3A_16 {offsets = [0, 256], sizes = [2000, 128], strides = [1, 1]} : vector<2000x384xf32> to vector<2000x128xf32>
    %slice3A_44 = vector.extract_strided_slice %add3A_26 {offsets = [0, 256], sizes = [2000, 128], strides = [1, 1]} : vector<2000x384xf32> to vector<2000x128xf32>
    %mul3A = arith.mulf %logistic3A_33, %slice3A_44 : vector<2000x128xf32>
    %add3A_45 = arith.addf %slice3A_43, %mul3A : vector<2000x128xf32>
    %tanh3A = math.tanh %add3A_45 : vector<2000x128xf32>
    %sub3A = arith.constant 1.000000e+00 : f32
    %sub3A_46 = vector.broadcast %sub3A : f32 to vector<2000x128xf32>
    %sub3A_47 = arith.subf %sub3A_46, %logistic3A_42 : vector<2000x128xf32>
    %mul3A_48 = arith.mulf %sub3A_47, %tanh3A : vector<2000x128xf32>
    %mul3A_49 = arith.mulf %logistic3A_42, %get3A_7 : vector<2000x128xf32>
    %add3A_50 = arith.addf %mul3A_48, %mul3A_49 : vector<2000x128xf32>
    %max3A = arith.constant 0.000000e+00 : f32
    %max3A_51 = vector.broadcast %max3A : f32 to vector<2000x128xf32>
    %max3A_52 = arith.maximumf %add3A_50, %max3A_51 : vector<2000x128xf32>
    %swap3A = arith.constant 0 : index
    %swap3A_53 = arith.constant 0 : index
    %swap3A_54 = vector.load %arg10[%swap3A, %swap3A_53] : memref<2000x128xf32, #tpu.memory_space<vmem>>, vector<2000x128xf32>
    tpu.vector_store %arg10[%swap3A, %swap3A_53], %max3A_52 {strides = array<i32>} : memref<2000x128xf32, #tpu.memory_space<vmem>>, vector<2000x128xf32>,
    %get3A_55 = arith.constant 0 : index
    %get3A_56 = arith.constant 0 : index
    %get3A_57 = vector.load %arg8[%get3A_55, %get3A_56] : memref<128x128xf32, #tpu.memory_space<vmem>>, vector<128x128xf32>
    %dot_general3A_58 = arith.constant dense<0.000000e+00> : vector<2000x128xf32>
    %dot_general3A_59 = tpu.matmul %max3A_52, %get3A_57, %dot_general3A_58 {dimension_numbers = #tpu.dot_dimension_numbers<[1], [0], [0], [1], [0, 0, 1, 1], [], []>, transpose_lhs_hint = false} : vector<2000x128xf32>, vector<128x128xf32>, vector<2000x128xf32> -> vector<2000x128xf32>
    %get3A_60 = arith.constant 0 : index
    %get3A_61 = arith.constant 0 : index
    %get3A_62 = vector.load %arg9[%get3A_60, %get3A_61] : memref<1x128xf32, #tpu.memory_space<vmem>>, vector<1x128xf32>
    %add3A_63 = vector.broadcast %get3A_62 : vector<1x128xf32> to vector<2000x128xf32>
    %add3A_64 = arith.addf %dot_general3A_59, %add3A_63 : vector<2000x128xf32>
    %swap3A_65 = arith.constant 0 : index
    %swap3A_66 = arith.constant 0 : index
    %swap3A_67 = vector.load %arg11[%swap3A_65, %swap3A_66] : memref<2000x128xf32, #tpu.memory_space<vmem>>, vector<2000x128xf32>
    tpu.vector_store %arg11[%swap3A_65, %swap3A_66], %add3A_64 {strides = array<i32>} : memref<2000x128xf32, #tpu.memory_space<vmem>>, vector<2000x128xf32>,
    return
  }
  func.func @transform_0(%arg0: i32) -> (i32, i32) {
    %c0_i32 = arith.constant 0 : i32
    %c0_i32_0 = arith.constant 0 : i32
    return %arg0, %c0_i32 : i32, i32
  }
  func.func @transform_1(%arg0: i32) -> (i32, i32) {
    %c0_i32 = arith.constant 0 : i32
    %c0_i32_0 = arith.constant 0 : i32
    return %arg0, %c0_i32 : i32, i32
  }
  func.func @transform_2(%arg0: i32) -> (i32, i32) {
    %c0_i32 = arith.constant 0 : i32
    %c0_i32_0 = arith.constant 0 : i32
    return %arg0, %c0_i32 : i32, i32
  }
  func.func @transform_3(%arg0: i32) -> (i32, i32) {
    %c0_i32 = arith.constant 0 : i32
    %c0_i32_0 = arith.constant 0 : i32
    %c0_i32_1 = arith.constant 0 : i32
    return %c0_i32, %c0_i32_0 : i32, i32
  }
  func.func @transform_4(%arg0: i32) -> (i32, i32) {
    %c0_i32 = arith.constant 0 : i32
    %c0_i32_0 = arith.constant 0 : i32
    %c0_i32_1 = arith.constant 0 : i32
    return %c0_i32, %c0_i32_0 : i32, i32
  }
  func.func @transform_5(%arg0: i32) -> (i32, i32) {
    %c0_i32 = arith.constant 0 : i32
    %c0_i32_0 = arith.constant 0 : i32
    %c0_i32_1 = arith.constant 0 : i32
    return %c0_i32, %c0_i32_0 : i32, i32
  }
  func.func @transform_6(%arg0: i32) -> (i32, i32) {
    %c0_i32 = arith.constant 0 : i32
    %c0_i32_0 = arith.constant 0 : i32
    %c0_i32_1 = arith.constant 0 : i32
    return %c0_i32, %c0_i32_0 : i32, i32
  }
  func.func @transform_7(%arg0: i32) -> (i32, i32) {
    %c0_i32 = arith.constant 0 : i32
    %c0_i32_0 = arith.constant 0 : i32
    %c0_i32_1 = arith.constant 0 : i32
    return %c0_i32, %c0_i32_0 : i32, i32
  }
  func.func @transform_8(%arg0: i32) -> (i32, i32) {
    %c0_i32 = arith.constant 0 : i32
    %c0_i32_0 = arith.constant 0 : i32
    %c0_i32_1 = arith.constant 0 : i32
    return %c0_i32, %c0_i32_0 : i32, i32
  }
  func.func @transform_9(%arg0: i32) -> (i32, i32) {
    %c0_i32 = arith.constant 0 : i32
    %c0_i32_0 = arith.constant 0 : i32
    return %arg0, %c0_i32 : i32, i32
  }
  func.func @transform_10(%arg0: i32) -> (i32, i32) {
    %c0_i32 = arith.constant 0 : i32
    %c0_i32_0 = arith.constant 0 : i32
    return %arg0, %c0_i32 : i32, i32
  }
}

module attributes {stable_mosaic.version = 14 : i64} {
  func.func @_gru_kernel(%arg0: i32, %arg1: memref<2000x128xf32, #tpu.memory_space<vmem>>, %arg2: memref<2000x128xf32, #tpu.memory_space<vmem>>, %arg3: memref<2000x128xf32, #tpu.memory_space<vmem>>, %arg4: memref<128x384xf32, #tpu.memory_space<vmem>>, %arg5: memref<128x384xf32, #tpu.memory_space<vmem>>, %arg6: memref<1x384xf32, #tpu.memory_space<vmem>>, %arg7: memref<1x384xf32, #tpu.memory_space<vmem>>, %arg8: memref<128x128xf32, #tpu.memory_space<vmem>>, %arg9: memref<1x128xf32, #tpu.memory_space<vmem>>, %arg10: memref<2000x128xf32, #tpu.memory_space<vmem>>, %arg11: memref<2000x128xf32, #tpu.memory_space<vmem>>) attributes {dimension_semantics = [#tpu.dimension_semantics<arbitrary>], iteration_bounds = array<i64: 5>, scalar_prefetch = 0 : i64, scratch_operands = 0 : i64, tpu.core_type = #tpu.core_type<tc>, window_params = [{transform_indices = @transform_0, window_bounds = array<i64: 2000, 128>}, {transform_indices = @transform_1, window_bounds = array<i64: 2000, 128>}, {transform_indices = @transform_2, window_bounds = array<i64: 2000, 128>}, {pipeline_mode = #tpu.pipeline_mode<synchronous>, transform_indices = @transform_3, window_bounds = array<i64: 128, 384>}, {pipeline_mode = #tpu.pipeline_mode<synchronous>, transform_indices = @transform_4, window_bounds = array<i64: 128, 384>}, {pipeline_mode = #tpu.pipeline_mode<synchronous>, transform_indices = @transform_5, window_bounds = array<i64: 1, 384>}, {pipeline_mode = #tpu.pipeline_mode<synchronous>, transform_indices = @transform_6, window_bounds = array<i64: 1, 384>}, {pipeline_mode = #tpu.pipeline_mode<synchronous>, transform_indices = @transform_7, window_bounds = array<i64: 128, 128>}, {pipeline_mode = #tpu.pipeline_mode<synchronous>, transform_indices = @transform_8, window_bounds = array<i64: 1, 128>}, {transform_indices = @transform_9, window_bounds = array<i64: 2000, 128>}, {transform_indices = @transform_10, window_bounds = array<i64: 2000, 128>}]} {
    %get3A = arith.constant 0 : index
    %get3A_0 = arith.constant 0 : index
    %get3A_1 = vector.load %arg1[%get3A, %get3A_0] : memref<2000x128xf32, #tpu.memory_space<vmem>>, vector<2000x128xf32>
    %get3A_2 = arith.constant 0 : index
    %get3A_3 = arith.constant 0 : index
    %get3A_4 = vector.load %arg2[%get3A_2, %get3A_3] : memref<2000x128xf32, #tpu.memory_space<vmem>>, vector<2000x128xf32>
    %add3A = arith.addf %get3A_1, %get3A_4 : vector<2000x128xf32>
    %get3A_5 = arith.constant 0 : index
    %get3A_6 = arith.constant 0 : index
    %get3A_7 = vector.load %arg3[%get3A_5, %get3A_6] : memref<2000x128xf32, #tpu.memory_space<vmem>>, vector<2000x128xf32>
    %get3A_8 = arith.constant 0 : index
    %get3A_9 = arith.constant 0 : index
    %get3A_10 = vector.load %arg4[%get3A_8, %get3A_9] : memref<128x384xf32, #tpu.memory_space<vmem>>, vector<128x384xf32>
    %dot_general3A = arith.constant dense<0.000000e+00> : vector<2000x384xf32>
    %dot_general3A_11 = tpu.matmul %add3A, %get3A_10, %dot_general3A {dimension_numbers = #tpu.dot_dimension_numbers<[1], [0], [0], [1], [0, 0, 1, 1], [], []>, transpose_lhs_hint = false} : vector<2000x128xf32>, vector<128x384xf32>, vector<2000x384xf32> -> vector<2000x384xf32>
    %get3A_12 = arith.constant 0 : index
    %get3A_13 = arith.constant 0 : index
    %get3A_14 = vector.load %arg6[%get3A_12, %get3A_13] : memref<1x384xf32, #tpu.memory_space<vmem>>, vector<1x384xf32>
    %add3A_15 = vector.broadcast %get3A_14 : vector<1x384xf32> to vector<2000x384xf32>
    %add3A_16 = arith.addf %dot_general3A_11, %add3A_15 : vector<2000x384xf32>
    %get3A_17 = arith.constant 0 : index
    %get3A_18 = arith.constant 0 : index
    %get3A_19 = vector.load %arg5[%get3A_17, %get3A_18] : memref<128x384xf32, #tpu.memory_space<vmem>>, vector<128x384xf32>
    %dot_general3A_20 = arith.constant dense<0.000000e+00> : vector<2000x384xf32>
    %dot_general3A_21 = tpu.matmul %get3A_7, %get3A_19, %dot_general3A_20 {dimension_numbers = #tpu.dot_dimension_numbers<[1], [0], [0], [1], [0, 0, 1, 1], [], []>, transpose_lhs_hint = false} : vector<2000x128xf32>, vector<128x384xf32>, vector<2000x384xf32> -> vector<2000x384xf32>
    %get3A_22 = arith.constant 0 : index
    %get3A_23 = arith.constant 0 : index
    %get3A_24 = vector.load %arg7[%get3A_22, %get3A_23] : memref<1x384xf32, #tpu.memory_space<vmem>>, vector<1x384xf32>
    %add3A_25 = vector.broadcast %get3A_24 : vector<1x384xf32> to vector<2000x384xf32>
    %add3A_26 = arith.addf %dot_general3A_21, %add3A_25 : vector<2000x384xf32>
    %slice3A = vector.extract_strided_slice %add3A_16 {offsets = [0, 0], sizes = [2000, 128], strides = [1, 1]} : vector<2000x384xf32> to vector<2000x128xf32>
    %slice3A_27 = vector.extract_strided_slice %add3A_26 {offsets = [0, 0], sizes = [2000, 128], strides = [1, 1]} : vector<2000x384xf32> to vector<2000x128xf32>
    %add3A_28 = arith.addf %slice3A, %slice3A_27 : vector<2000x128xf32>
    %logistic3A = arith.negf %add3A_28 : vector<2000x128xf32>
    %logistic3A_29 = math.exp %logistic3A : vector<2000x128xf32>
    %logistic3A_30 = arith.constant 1.000000e+00 : f32
    %logistic3A_31 = vector.broadcast %logistic3A_30 : f32 to vector<2000x128xf32>
    %logistic3A_32 = arith.addf %logistic3A_31, %logistic3A_29 : vector<2000x128xf32>
    %logistic3A_33 = arith.divf %logistic3A_31, %logistic3A_32 : vector<2000x128xf32>
    %slice3A_34 = vector.extract_strided_slice %add3A_16 {offsets = [0, 128], sizes = [2000, 128], strides = [1, 1]} : vector<2000x384xf32> to vector<2000x128xf32>
    %slice3A_35 = vector.extract_strided_slice %add3A_26 {offsets = [0, 128], sizes = [2000, 128], strides = [1, 1]} : vector<2000x384xf32> to vector<2000x128xf32>
    %add3A_36 = arith.addf %slice3A_34, %slice3A_35 : vector<2000x128xf32>
    %logistic3A_37 = arith.negf %add3A_36 : vector<2000x128xf32>
    %logistic3A_38 = math.exp %logistic3A_37 : vector<2000x128xf32>
    %logistic3A_39 = arith.constant 1.000000e+00 : f32
    %logistic3A_40 = vector.broadcast %logistic3A_39 : f32 to vector<2000x128xf32>
    %logistic3A_41 = arith.addf %logistic3A_40, %logistic3A_38 : vector<2000x128xf32>
    %logistic3A_42 = arith.divf %logistic3A_40, %logistic3A_41 : vector<2000x128xf32>
    %slice3A_43 = vector.extract_strided_slice %add3A_16 {offsets = [0, 256], sizes = [2000, 128], strides = [1, 1]} : vector<2000x384xf32> to vector<2000x128xf32>
    %slice3A_44 = vector.extract_strided_slice %add3A_26 {offsets = [0, 256], sizes = [2000, 128], strides = [1, 1]} : vector<2000x384xf32> to vector<2000x128xf32>
    %mul3A = arith.mulf %logistic3A_33, %slice3A_44 : vector<2000x128xf32>
    %add3A_45 = arith.addf %slice3A_43, %mul3A : vector<2000x128xf32>
    %tanh3A = math.tanh %add3A_45 : vector<2000x128xf32>
    %sub3A = arith.constant 1.000000e+00 : f32
    %sub3A_46 = vector.broadcast %sub3A : f32 to vector<2000x128xf32>
    %sub3A_47 = arith.subf %sub3A_46, %logistic3A_42 : vector<2000x128xf32>
    %mul3A_48 = arith.mulf %sub3A_47, %tanh3A : vector<2000x128xf32>
    %mul3A_49 = arith.mulf %logistic3A_42, %get3A_7 : vector<2000x128xf32>
    %add3A_50 = arith.addf %mul3A_48, %mul3A_49 : vector<2000x128xf32>
    %max3A = arith.constant 0.000000e+00 : f32
    %max3A_51 = vector.broadcast %max3A : f32 to vector<2000x128xf32>
    %max3A_52 = arith.maximumf %add3A_50, %max3A_51 : vector<2000x128xf32>
    %swap3A = arith.constant 0 : index
    %swap3A_53 = arith.constant 0 : index
    %swap3A_54 = vector.load %arg10[%swap3A, %swap3A_53] : memref<2000x128xf32, #tpu.memory_space<vmem>>, vector<2000x128xf32>
    tpu.vector_store %arg10[%swap3A, %swap3A_53], %max3A_52 {strides = array<i32>} : memref<2000x128xf32, #tpu.memory_space<vmem>>, vector<2000x128xf32>,
    return
  }
  func.func @transform_0(%arg0: i32) -> (i32, i32) {
    %c0_i32 = arith.constant 0 : i32
    %c0_i32_0 = arith.constant 0 : i32
    return %arg0, %c0_i32 : i32, i32
  }
  func.func @transform_1(%arg0: i32) -> (i32, i32) {
    %c0_i32 = arith.constant 0 : i32
    %c0_i32_0 = arith.constant 0 : i32
    return %arg0, %c0_i32 : i32, i32
  }
  func.func @transform_2(%arg0: i32) -> (i32, i32) {
    %c0_i32 = arith.constant 0 : i32
    %c0_i32_0 = arith.constant 0 : i32
    return %arg0, %c0_i32 : i32, i32
  }
  func.func @transform_3(%arg0: i32) -> (i32, i32) {
    %c0_i32 = arith.constant 0 : i32
    %c0_i32_0 = arith.constant 0 : i32
    %c0_i32_1 = arith.constant 0 : i32
    return %c0_i32, %c0_i32_0 : i32, i32
  }
  func.func @transform_4(%arg0: i32) -> (i32, i32) {
    %c0_i32 = arith.constant 0 : i32
    %c0_i32_0 = arith.constant 0 : i32
    %c0_i32_1 = arith.constant 0 : i32
    return %c0_i32, %c0_i32_0 : i32, i32
  }
  func.func @transform_5(%arg0: i32) -> (i32, i32) {
    %c0_i32 = arith.constant 0 : i32
    %c0_i32_0 = arith.constant 0 : i32
    %c0_i32_1 = arith.constant 0 : i32
    return %c0_i32, %c0_i32_0 : i32, i32
  }
  func.func @transform_6(%arg0: i32) -> (i32, i32) {
    %c0_i32 = arith.constant 0 : i32
    %c0_i32_0 = arith.constant 0 : i32
    %c0_i32_1 = arith.constant 0 : i32
    return %c0_i32, %c0_i32_0 : i32, i32
  }
  func.func @transform_7(%arg0: i32) -> (i32, i32) {
    %c0_i32 = arith.constant 0 : i32
    %c0_i32_0 = arith.constant 0 : i32
    %c0_i32_1 = arith.constant 0 : i32
    return %c0_i32, %c0_i32_0 : i32, i32
  }
  func.func @transform_8(%arg0: i32) -> (i32, i32) {
    %c0_i32 = arith.constant 0 : i32
    %c0_i32_0 = arith.constant 0 : i32
    %c0_i32_1 = arith.constant 0 : i32
    return %c0_i32, %c0_i32_0 : i32, i32
  }
  func.func @transform_9(%arg0: i32) -> (i32, i32) {
    %c0_i32 = arith.constant 0 : i32
    %c0_i32_0 = arith.constant 0 : i32
    return %arg0, %c0_i32 : i32, i32
  }
  func.func @transform_10(%arg0: i32) -> (i32, i32) {
    %c0_i32 = arith.constant 0 : i32
    %c0_i32_0 = arith.constant 0 : i32
    return %arg0, %c0_i32 : i32, i32
  }
}

</mosaic_0001>

<sc_bundles>
// kernel: kernel.10.cloned.1.call-start
scs
__scs_entry_jumppad:
0x0: {  	(pc) =	sbr.rel $0x88, $3  }
0x1: {  	(tag) =	ssettag $0x0;
	lr =	simm.s32 $0x1  }
0x2: {  	[smem:$0x3F93] =	sst lr;
	_ =	strace $0xD0000000  }
0x3: {  	_ = 	snop  }
0x4: {  	_ = 	snop  }
0x5: {  	_ = 	snop  }
0x6: {  	_ = 	snop  }
0x7: {  	_ = 	snop  }
__scs_overlays_trampoline_lowered:
0x8: {  	[smem:$0x3FA2] =	sst s0  }
0x9: {  	[smem:$0x3FA3] =	sst s1  }
0xa: {  	[smem:$0x3FA4] =	sst s2  }
0xb: {  	[smem:$0x3FA5] =	sst s3  }
0xc: {  	[smem:$0x3FA6] =	sst s4  }
0xd: {  	[smem:$0x3FA7] =	sst s5  }
0xe: {  	[smem:$0x3FA8] =	sst s6  }
0xf: {  	[smem:$0x3FA9] =	sst s7  }
0x10: {  	[smem:$0x3FAA] =	sst s8  }
0x11: {  	[smem:$0x3FAB] =	sst s9;
	s0 =	simm.s32 @!p0 $0x0  }
0x12: {  	s1 =	sld [smem:$0x3F91];
	s0 =	simm.s32 @p0 $0x1  }
0x13: {  	[smem:$0x3FAC] =	sst s0;
	s0 =	simm.s32 @!p1 $0x0  }
0x14: {  	s2 =	sld [smem:$0x3F90];
	s0 =	simm.s32 @p1 $0x1  }
0x15: {  	[smem:$0x3FAD] =	sst s0;
	s0 =	simm.s32 @!p2 $0x0  }
0x16: {  	s3 =	sld [smem:$0x3FDB];
	s0 =	simm.s32 @p2 $0x1  }
0x17: {  	s4 =	simm.s32 $0x1BF5;
	[smem:$0x3FAF] =	sst s0  }
0x18: {  	s0 =	sld [smem:$0x3F92];
	_ =	swait.ge [sflag:s4], $0x0  }
0x19: {  	s7 =	sld [smem:$0x3F93]  }
0x1a: {  	s8 =	sadd.s32 $0xFFFFE003, lr  }
0x1b: {  	s9 =	sadd.s32 $0xFFFFFEF7, lr;
	s5 =	simm.s32 $0xFFFFFFFF;
	p2 =	slt.u32 s8, $0xFFFFF086  }
0x1c: {  	p1 =	slt.u32 s9, $0xF7A;
	s5 =	simm.s32 @!p2 $0x0  }
0x1d: {  	s5 =	simm.s32 @p1 $0x1;
	p0 =	seq.s32 s7, s2  }
0x1e: {  	s7 =	smul.u32 @!p0 $0xF7A, s2;
	p2 =	seq.s32 @!p0 s5, $0x0  }
0x1f: {  	s9 =	smul.u32 $0xF7A, s1;
	s8 =	simm.s32 @!p0 $0x1BF5;
	p2 =	por !p2, p0  }
0x20: {  	[sflag:s8] =	ssyncset.s32 @!p0 $0xFFFFF086;
	s6 =	sadd.s32 @!p0 s3, s7;
	s7 =	simm.s32 @!p0 $0x108  }
0x21: {  	s3 =	sadd.s32 s3, s9;
	s6 =	sadd.s32 @!p0 $0x88, s6;
	s7 =	simm.s32 @p2 $0x1082  }
0x22: {  	[simem:s7], [sflag:s8] =	dma.local @!p0 [hbm:s6], $0xF7A  }
0x23: {  	s9 =	sor.u32 $0xD0000000, s2;
	s6 =	simm.s32 $0x108;
	_ =	swait.ge @!p0 [sflag:s8], $0x0  }
0x24: {  	s3 =	sadd.s32 $0x88, s3;
	s6 =	simm.s32 @!p1 $0x1082;
	[sflag:s4] =	ssyncset.s32 $0xFFFFF086  }
0x25: {  	[simem:s6], [sflag:s4] =	dma.local [hbm:s3], $0xF7A  }
0x26: {  	[smem:$0x3F93] =	sst s1;
	(tag) =	ssettag s2;
	_ =	strace s9  }
0x27: {  	s1 =	sld [smem:$0x3FA3]  }
0x28: {  	s2 =	sld [smem:$0x3FA4]  }
0x29: {  	s4 =	sld [smem:$0x3FA6]  }
0x2a: {  	p0 =	seq.s32 s5, $0x0;
	s5 =	sld [smem:$0x3FA7]  }
0x2b: {  	s6 =	sld [smem:$0x3FA8]  }
0x2c: {  	s7 =	sld [smem:$0x3FA9]  }
0x2d: {  	s3 =	simm.s32 $0x108;
	s8 =	sld [smem:$0x3FAA]  }
0x2e: {  	s3 =	simm.s32 @!p0 $0x1082;
	s9 =	sld [smem:$0x3FAB]  }
0x2f: {  	lr =	sadd.s32 s0, s3;
	s0 =	sld [smem:$0x3FA2]  }
0x30: {  	s3 =	sld [smem:$0x3FA5]  }
0x31: {  	[smem:$0x3FAE] =	sst s10  }
0x32: {  	s10 =	sld [smem:$0x3FAC];
	_ =	sdelay $0x3  }
0x33: {  	p0 =	seq.s32 s10, $0x1;
	s10 =	sld [smem:$0x3FAE];
	_ =	sdelay $0x3  }
0x34: {  	[smem:$0x3FAE] =	sst s10  }
0x35: {  	s10 =	sld [smem:$0x3FAD];
	_ =	sdelay $0x3  }
0x36: {  	p1 =	seq.s32 s10, $0x1;
	s10 =	sld [smem:$0x3FAE];
	_ =	sdelay $0x3  }
0x37: {  	[smem:$0x3FAE] =	sst s10  }
0x38: {  	s10 =	sld [smem:$0x3FAF]  }
0x39: {  	_ = 	snop;
	(pc) =	sbr.ind lr, $3  }
0x3a: {  	_ = 	snop  }
0x3b: {  	_ = 	snop  }
0x3c: {  	p2 =	seq.s32 s10, $0x1;
	s10 =	sld [smem:$0x3FAE]  }
0x3d: {  	_ =	shalt  }
0x3e: {  	_ =	shalt  }
0x3f: {  	_ =	shalt  }
0x40: {  	_ =	shalt  }
0x41: {  	_ =	shalt  }
0x42: {  	_ =	shalt  }
0x43: {  	_ =	shalt  }
0x44: {  	_ =	shalt  }
0x45: {  	_ =	shalt  }
0x46: {  	_ =	shalt  }
0x47: {  	_ =	shalt  }
0x48: {  	_ =	shalt  }
0x49: {  	_ =	shalt  }
0x4a: {  	_ =	shalt  }
0x4b: {  	_ =	shalt  }
0x4c: {  	_ =	shalt  }
0x4d: {  	_ =	shalt  }
0x4e: {  	_ =	shalt  }
0x4f: {  	_ =	shalt  }
0x50: {  	_ =	shalt  }
0x51: {  	_ =	shalt  }
0x52: {  	_ =	shalt  }
0x53: {  	_ =	shalt  }
0x54: {  	_ =	shalt  }
0x55: {  	_ =	shalt  }
0x56: {  	_ =	shalt  }
0x57: {  	_ =	shalt  }
0x58: {  	_ =	shalt  }
0x59: {  	_ =	shalt  }
0x5a: {  	_ =	shalt  }
0x5b: {  	_ =	shalt  }
0x5c: {  	_ =	shalt  }
0x5d: {  	_ =	shalt  }
0x5e: {  	_ =	shalt  }
0x5f: {  	_ =	shalt  }
0x60: {  	_ =	shalt  }
0x61: {  	_ =	shalt  }
0x62: {  	_ =	shalt  }
0x63: {  	_ =	shalt  }
0x64: {  	_ =	shalt  }
0x65: {  	_ =	shalt  }
0x66: {  	_ =	shalt  }
0x67: {  	_ =	shalt  }
0x68: {  	_ =	shalt  }
0x69: {  	_ =	shalt  }
0x6a: {  	_ =	shalt  }
0x6b: {  	_ =	shalt  }
0x6c: {  	_ =	shalt  }
0x6d: {  	_ =	shalt  }
0x6e: {  	_ =	shalt  }
0x6f: {  	_ =	shalt  }
0x70: {  	_ =	shalt  }
0x71: {  	_ =	shalt  }
0x72: {  	_ =	shalt  }
0x73: {  	_ =	shalt  }
0x74: {  	_ =	shalt  }
0x75: {  	_ =	shalt  }
0x76: {  	_ =	shalt  }
0x77: {  	_ =	shalt  }
0x78: {  	_ =	shalt  }
0x79: {  	_ =	shalt  }
0x7a: {  	_ =	shalt  }
0x7b: {  	_ =	shalt  }
0x7c: {  	_ =	shalt  }
0x7d: {  	_ =	shalt  }
0x7e: {  	_ =	shalt  }
0x7f: {  	_ =	shalt  }
0x80: {  	_ =	shalt  }
0x81: {  	_ =	shalt  }
0x82: {  	_ =	shalt  }
0x83: {  	_ =	shalt  }
0x84: {  	_ =	shalt  }
0x85: {  	_ =	shalt  }
0x86: {  	_ =	shalt  }
0x87: {  	_ =	shalt  }
.Lfunc_end0:
.L_simem_size_0:
called_computation.1_lowered:
.L_overlay_start_0:
0x88: {  	s2 =	sld [smem:$0x3FD9]  }
0x89: {  	s3 =	sld [smem:$0x3FFE];
	_ =	sdelay $0x1  }
0x8a: {  	s1 =	srdreg.scid  }
0x8b: {  	s0 =	sand.u32 $0x1, s1  }
0x8c: {  	s17 =	sshll.u32 s0, $0xA;
	s2 =	sadd.s32 s3, s2  }
0x8d: {  	s2 =	sadd.s32 s2, s17  }
0x8e: {  	[smem:$0x3FBA] =	sst s2  }
0x8f: {  	_ = 	snop  }
0x90: {  	s2 =	sld [smem:$0x3FD0];
	(tm) =	ssettm $0x1  }
0x91: {  	s18 =	sld [smem:$0x3FFB];
	_ =	sdelay $0x3  }
0x92: {  	_ =	strace s18  }
0x93: {  	s3 =	sld [smem:$0x3FFC];
	_ =	sdelay $0x3  }
0x94: {  	_ =	strace s3  }
0x95: {  	s3 =	sld [smem:$0x3FFD];
	_ =	sdelay $0x3  }
0x96: {  	_ =	strace s3  }
0x97: {  	_ =	strace $0x8FFFFFFF  }
0x98: {  	s19 =	sld [smem:$0x3FDB];
	_ =	sdelay $0x1  }
0x99: {  	s4 =	simm.s32 $_scs_section_size  }
0x9a: {  	s5 =	simm.s32 $_size__tile_overlayer_lowered;
	s6 =	simm.s32 $_tile_overlayer_lowered  }
0x9b: {  	s22 =	simm.s32 $0x1BFF;
	s21 =	sshll.u32 s6, $0x1;
	s3 =	sadd.s32 s4, s19  }
0x9c: {  	s7 =	simm.s32 $0x0;
	s20 =	sshll.u32 s5, $0x1;
	s5 =	sadd.s32 s21, s3  }
0x9d: {  	[timem:s7], [sflag:s22] =	dma.local [hbm:s5], s20  }
0x9e: {  	_ =	swait.ge [sflag:s22], s20  }
0x9f: {  	s4 =	ssub.s32 $0x0, s20;
	[sflag:s22] =	ssyncset.done $0x0  }
0xa0: {  	[sflag:s22] =	ssyncadd.s32 s4;
	_ =	sdelay $0x1  }
0xa1: {  	s23 =	simm.s32 $0x1B8B  }
0xa2: {  	_ =	swait.ge [sflag:s23], $0x1  }
0xa3: {  	[sflag:s23] =	ssyncset.done $0x0  }
0xa4: {  	s25 =	simm.s32 $0x1B8E;
	s24 =	sld [smem:$0x3FFE];
	[sflag:s23] =	ssyncadd.s32 $0xFFFFFFFF  }
0xa5: {  	s26 =	simm.s32 $execute0_lowered;
	[smem:$0x3FD2] =	sst s25  }
0xa6: {  	s5 =	sshll.u32 s26, $0x1;
	_ =	strace $0x8000004C;
	[dreg:$0x1] =	wrdreg $0xFFFFFFFF  }
0xa7: {  	s28 =	simm.s32 $_size_execute0_lowered;
	s3 =	sadd.s32 s3, s5;
	[dreg:$0x0] =	wrdreg $0x0  }
0xa8: {  	s5 =	sshll.u32 s28, $0x1;
	[dreg:$0x2] =	wrdreg s3  }
0xa9: {  	[dreg:$0x3] =	wrdreg s5  }
0xaa: {  	[dreg:$0x4] =	wrdreg $0xC0  }
0xab: {  	_ =	task [dreg:s7], $0x5FFFF  }
0xac: {  	[dreg:$0x1] =	wrdreg $0xFFFFFFFF  }
0xad: {  	[dreg:$0x0] =	wrdreg $0x60  }
0xae: {  	[dreg:$0x2] =	wrdreg s2  }
0xaf: {  	[dreg:$0x3] =	wrdreg s24  }
0xb0: {  	[dreg:$0x4] =	wrdreg $0x90000  }
0xb1: {  	[dreg:$0x5] =	wrdreg $0x9  }
0xb2: {  	_ =	task.clear_ibuf [dreg:s7], $0x6FFFF;
	_ =	strace $0x9000004C  }
0xb3: {  	s29 =	simm.s32 $0x9;
	_ =	strace $0x80000051  }
0xb4: {  	_ =	swait.ge [sflag:s29], $0x1  }
0xb5: {  	[sflag:s29] =	ssyncadd.s32 $0xFFFFFFFF  }
0xb6: {  	_ =	strace $0x90000051  }
0xb7: {  	_ =	sfence  }
0xb8: {  	s30 =	sld [smem:$0x0];
	_ =	sdelay $0x2  }
0xb9: {  	s31 =	sshll.u32 s1, $0xD;
	s1 =	sshrl.u32 s1, $0x2  }
0xba: {  	s3 =	sand.u32 $0x4000, s31;
	s1 =	sadd.s32 s1, s30  }
0xbb: {  	s0 =	sor.u32 s3, s0;
	s1 =	sshll.u32 s1, $0x11  }
0xbc: {  	s0 =	sor.u32 s1, s0  }
0xbd: {  	s0 =	sadd.s32 $0x8F2B, s0  }
0xbe: {  	[sflag:s0] =	ssyncadd.remote.s32 $0x1  }
0xbf: {  	_ =	sfence.sel $0xFFFF  }
0xc0: {  	[dreg:$0x0] =	wrdreg $0xFFFFFFFF;
	(pc) =	sbr.abs _section_cstart, $3  }
0xc1: {  	[dreg:$0x1] =	wrdreg $0xFFFFFFFF  }
0xc2: {  	_ =	task.clear_ibuf [dreg:s7], $0x2FFFF;
	_ =	strace $0x9FFFFFFF  }
0xc3: {  	(tm) =	ssettm $0x7FFFFFFF  }
tec
execute0_lowered:
.L_overlay_start_1:
0x0: {  	(tag) =	ssettag $0x1  }
0x1: {  	s2 =	rddreg [dreg:$0x0]  }
0x2: {  	s0 =	srdreg.scid;
	s5 =	rddreg [dreg:$0x1]  }
0x3: {  	s7 =	stileid.u32;
	s3 =	rddreg [dreg:$0x2];
	s4 =	simm.s32 $0x0  }
0x4: {  	s12 =	simm.s32 $0x100;
	s14 =	simm.s32 $0x880;
	s15 =	simm.s32 $0x180  }
0x5: {  	s16 =	simm.s32 $0x900;
	[smem:$0x7FF] =	sst s4;
	s9 =	sadd.s32 $0x17400, s5  }
0x6: {  	s17 =	simm.s32 $0x200;
	_ =	strace $0x8000004D;
	[dreg:$0x14] =	wrdreg s9  }
0x7: {  	s18 =	simm.s32 $0x980;
	s19 =	simm.s32 $0x280;
	[dreg:$0x6] =	wrdreg s12  }
0x8: {  	s20 =	simm.s32 $0xA00;
	s21 =	simm.s32 $0x300;
	[dreg:$0x7] =	wrdreg s14  }
0x9: {  	s22 =	simm.s32 $0xA80;
	s23 =	simm.s32 $0x380;
	[dreg:$0x8] =	wrdreg s15  }
0xa: {  	s24 =	simm.s32 $0xB00;
	s28 =	simm.s32 $0xD00;
	[dreg:$0x9] =	wrdreg s16  }
0xb: {  	s29 =	simm.s32 $0x600;
	s30 =	simm.s32 $0xD80;
	[dreg:$0xa] =	wrdreg s17  }
0xc: {  	s31 =	simm.s32 $0x680;
	s1 =	smul.u32 $0x2800, s7;
	[dreg:$0xb] =	wrdreg s18  }
0xd: {  	s0 =	sand.u32 $0x1, s0;
	s7 =	smul.u32 $0x50000, s7;
	[dreg:$0xc] =	wrdreg s19  }
0xe: {  	s6 =	smul.u32 $0x28000, s0;
	s8 =	ssub.s32 $0x2, s0;
	[dreg:$0xd] =	wrdreg s20  }
0xf: {  	p0 =	seq.s32 s0, $0x1;
	s14 =	simm.s32 $0x5;
	[dreg:$0xe] =	wrdreg s21  }
0x10: {  	s15 =	simm.s32 $0x800;
	s16 =	simm.s32 $0x80;
	[dreg:$0xf] =	wrdreg s22  }
0x11: {  	s17 =	simm.s32 $0x5000;
	s18 =	simm.s32 $0x1;
	[dreg:$0x10] =	wrdreg s23  }
0x12: {  	s19 =	simm.s32 $0x3;
	[dreg:$0x11] =	wrdreg s24;
	s20 =	simm.s32 $0x2  }
0x13: {  	s21 =	simm.s32 $0x4;
	s22 =	simm.s32 $0x480;
	s23 =	simm.s32 $0xC00  }
0x14: {  	s24 =	simm.s32 $0x500;
	s0 =	simm.s32 $0x700;
	s25 =	sshrl.u32 s8, $0x1  }
0x15: {  	s7 =	sshrl.u32 s7, $0x2;
	s8 =	ssub.s32 s8, s25;
	s25 =	simm.s32 $0x400  }
0x16: {  	s6 =	sadd.s32 s1, s6;
	s11 =	sadd.s32 s7, s3;
	[dreg:$0x12] =	wrdreg s25  }
0x17: {  	s6 =	sshrl.u32 s6, $0x3;
	s26 =	smax.u32 s8, $0x1;
	[dreg:$0x15] =	wrdreg s11  }
0x18: {  	s7 =	sadd.s32 $0x4000, s11;
	s10 =	sadd.s32 $0xC000, s11;
	[dreg:$0x16] =	wrdreg s26  }
0x19: {  	s13 =	sadd.s32 $0x10000, s11;
	s25 =	simm.s32 $0xC80;
	[dreg:$0x17] =	wrdreg s7  }
0x1a: {  	s6 =	sadd.s32 s6, s5;
	s7 =	sadd.s32 $0x8000, s11;
	[dreg:$0x19] =	wrdreg s10  }
0x1b: {  	[dreg:$0x1a] =	wrdreg s13;
	s13 =	simm.s32 $0x1000;
	s26 =	simm.s32 $0xB80  }
0x1c: {  	s10 =	simm.s32 $0x0;
	s8 =	sadd.s32 $0xD400, s6;
	[dreg:$0x18] =	wrdreg s7  }
0x1d: {  	s9 =	sadd.s32 $0x3400, s6;
	s6 =	simm.s32 $0x3FC00;
	[dreg:$0x13] =	wrdreg s26  }
0x1e: {  	s26 =	simm.s32 $0x580;
	[dreg:$0x4] =	wrdreg s8;
	s6 =	simm.s32 @!p0 $0x17C00  }
0x1f: {  	s7 =	simm.s32 $0x780;
	[dreg:$0x5] =	wrdreg s9;
	s5 =	sadd.s32 s6, s5  }
0x20: {  	s8 =	simm.s32 $0xF00;
	s9 =	simm.s32 $0xF80;
	s1 =	sadd.s32 s5, s1  }
0x21: {  	s5 =	simm.s32 $0xE80;
	[dreg:$0x1b] =	wrdreg s1;
	s1 =	simm.s32 $0xE00  }
.LBB2_1:
0x22: {  	[dreg:$0x1c] =	wrdreg s10  }
0x23: {  	_ =	strace $0x8000004E  }
0x24: {  	s6 =	rddreg [dreg:$0x14]  }
0x25: {  	[tilespmem:s13], [sflag:$0x5] =	stream.linear.gather [hbm4b:s6+s4], $0x4000, $0x200038;
	[tilespmem:$0x1D000] =	vst v63  }
0x26: {  	_ =	swait.ge [sflag:s14], $0x4000  }
0x27: {  	[sflag:s14] =	ssyncset.done $0x0  }
0x28: {  	[sflag:s14] =	ssyncadd.s32 $0xFFFFC000  }
0x29: {  	[spmem:s11] =	stream.linear.scatter [tilespmem:s13], [sflag:$0x5], $0x4000, $0x200038;
	[tilespmem:$0x1D000] =	vst v63  }
0x2a: {  	_ =	swait.ge [sflag:s14], $0x4000  }
0x2b: {  	[sflag:s14] =	ssyncset.done $0x0  }
0x2c: {  	s11 =	rddreg [dreg:$0x17];
	[sflag:s14] =	ssyncadd.s32 $0xFFFFC000  }
0x2d: {  	[spmem:s11] =	stream.linear.scatter [tilespmem:s13], [sflag:$0x5], $0x4000, $0x200038;
	[tilespmem:$0x1D000] =	vst v63  }
0x2e: {  	_ =	swait.ge [sflag:s14], $0x4000  }
0x2f: {  	[sflag:s14] =	ssyncset.done $0x0  }
0x30: {  	s12 =	rddreg [dreg:$0x18];
	[sflag:s14] =	ssyncadd.s32 $0xFFFFC000  }
0x31: {  	[spmem:s12] =	stream.linear.scatter [tilespmem:s13], [sflag:$0x5], $0x4000, $0x200038;
	[tilespmem:$0x1D000] =	vst v63  }
0x32: {  	_ =	swait.ge [sflag:s14], $0x4000  }
0x33: {  	[sflag:s14] =	ssyncset.done $0x0  }
0x34: {  	s10 =	rddreg [dreg:$0x19];
	[sflag:s14] =	ssyncadd.s32 $0xFFFFC000  }
0x35: {  	[spmem:s10] =	stream.linear.scatter [tilespmem:s13], [sflag:$0x5], $0x4000, $0x200038;
	[tilespmem:$0x1D000] =	vst v63  }
0x36: {  	_ =	swait.ge [sflag:s14], $0x4000  }
0x37: {  	[sflag:s14] =	ssyncset.done $0x0  }
0x38: {  	s11 =	rddreg [dreg:$0x1a];
	[sflag:s14] =	ssyncadd.s32 $0xFFFFC000  }
0x39: {  	[spmem:s11] =	stream.linear.scatter [tilespmem:s13], [sflag:$0x5], $0x4000, $0x200038;
	[tilespmem:$0x1D000] =	vst v63  }
0x3a: {  	_ =	swait.ge [sflag:s14], $0x4000  }
0x3b: {  	[sflag:s14] =	ssyncset.done $0x0  }
0x3c: {  	[sflag:s14] =	ssyncadd.s32 $0xFFFFC000  }
0x3d: {  	[bflag:$0x0] =	sbarrier.arrive $0xFFFF  }
0x3e: {  	_ =	strace $0x9000004E  }
0x3f: {  	_ =	strace $0x8000004F  }
0x40: {  	s12 =	rddreg [dreg:$0x5]  }
0x41: {  	s6 =	sadd.s32 $0x0, s12  }
0x42: {  	[tilespmem:s4], [sflag:$0x5] =	stream.linear.gather [hbm4b:s6+s4], $0x800, $0x200038;
	[tilespmem:$0x1D000] =	vst v63  }
0x43: {  	_ =	swait.ge [sflag:s14], $0x800  }
0x44: {  	s10 =	rddreg [dreg:$0x4];
	[sflag:s14] =	ssyncset.done $0x0  }
0x45: {  	[sflag:s14] =	ssyncadd.s32 $0xFFFFF800;
	s6 =	sadd.s32 $0x0, s10  }
0x46: {  	[tilespmem:s15], [sflag:$0x5] =	stream.linear.gather [hbm4b:s6+s4], $0x800, $0x200038;
	[tilespmem:$0x1D000] =	vst v63  }
0x47: {  	_ =	swait.ge [sflag:s14], $0x800  }
0x48: {  	[sflag:s14] =	ssyncset.done $0x0  }
0x49: {  	[sflag:s14] =	ssyncadd.s32 $0xFFFFF800  }
0x4a: {  	[tilespmem:s13], [sflag:$0x1] =	stream.indirect.gather [hbm4b:s2+s16], $0x80, s4, s16, $0x2000b8;
	[tilespmem:$0x1D000] =	vst v63  }
0x4b: {  	_ = 	snop  }
0x4c: {  	[tilespmem:s17], [sflag:$0x2] =	stream.indirect.gather [hbm4b:s2+s16], $0x80, s16, s16, $0x2000b8;
	[tilespmem:$0x1D000] =	vst v63  }
0x4d: {  	_ =	swait.ge [sflag:s18], $0x4000  }
0x4e: {  	[sflag:s18] =	ssyncset.done $0x0  }
0x4f: {  	[sflag:s18] =	ssyncadd.s32 $0xFFFFC000  }
0x50: {  	[spmem:s3] =	stream.indirect.scatter.add.f32 [tilespmem:s13], [sflag:$0x3], $0x80, s15, s16, $0x2000b8;
	[tilespmem:$0x1D000] =	vst v63  }
0x51: {  	_ =	swait.ge [sflag:s19], $0x4000  }
0x52: {  	[sflag:s19] =	ssyncset.done $0x0  }
0x53: {  	s11 =	rddreg [dreg:$0x6];
	[sflag:s19] =	ssyncadd.s32 $0xFFFFC000  }
0x54: {  	[tilespmem:s13], [sflag:$0x1] =	stream.indirect.gather [hbm4b:s2+s16], $0x80, s11, s16, $0x2000b8;
	[tilespmem:$0x1D000] =	vst v63  }
0x55: {  	_ =	swait.ge [sflag:s20], $0x4000  }
0x56: {  	[sflag:s20] =	ssyncset.done $0x0  }
0x57: {  	s12 =	rddreg [dreg:$0x7];
	[sflag:s20] =	ssyncadd.s32 $0xFFFFC000  }
0x58: {  	[spmem:s3] =	stream.indirect.scatter.add.f32 [tilespmem:s17], [sflag:$0x4], $0x80, s12, s16, $0x2000b8;
	[tilespmem:$0x1D000] =	vst v63  }
0x59: {  	_ =	swait.ge [sflag:s21], $0x4000  }
0x5a: {  	[sflag:s21] =	ssyncset.done $0x0  }
0x5b: {  	s10 =	rddreg [dreg:$0x8];
	[sflag:s21] =	ssyncadd.s32 $0xFFFFC000  }
0x5c: {  	[tilespmem:s17], [sflag:$0x2] =	stream.indirect.gather [hbm4b:s2+s16], $0x80, s10, s16, $0x2000b8;
	[tilespmem:$0x1D000] =	vst v63  }
0x5d: {  	_ =	swait.ge [sflag:s18], $0x4000  }
0x5e: {  	[sflag:s18] =	ssyncset.done $0x0  }
0x5f: {  	s11 =	rddreg [dreg:$0x9];
	[sflag:s18] =	ssyncadd.s32 $0xFFFFC000  }
0x60: {  	[spmem:s3] =	stream.indirect.scatter.add.f32 [tilespmem:s13], [sflag:$0x3], $0x80, s11, s16, $0x2000b8;
	[tilespmem:$0x1D000] =	vst v63  }
0x61: {  	_ =	swait.ge [sflag:s19], $0x4000  }
0x62: {  	[sflag:s19] =	ssyncset.done $0x0  }
0x63: {  	s12 =	rddreg [dreg:$0xa];
	[sflag:s19] =	ssyncadd.s32 $0xFFFFC000  }
0x64: {  	[tilespmem:s13], [sflag:$0x1] =	stream.indirect.gather [hbm4b:s2+s16], $0x80, s12, s16, $0x2000b8;
	[tilespmem:$0x1D000] =	vst v63  }
0x65: {  	_ =	swait.ge [sflag:s20], $0x4000  }
0x66: {  	[sflag:s20] =	ssyncset.done $0x0  }
0x67: {  	s10 =	rddreg [dreg:$0xb];
	[sflag:s20] =	ssyncadd.s32 $0xFFFFC000  }
0x68: {  	[spmem:s3] =	stream.indirect.scatter.add.f32 [tilespmem:s17], [sflag:$0x4], $0x80, s10, s16, $0x2000b8;
	[tilespmem:$0x1D000] =	vst v63  }
0x69: {  	_ =	swait.ge [sflag:s21], $0x4000  }
0x6a: {  	[sflag:s21] =	ssyncset.done $0x0  }
0x6b: {  	s11 =	rddreg [dreg:$0xc];
	[sflag:s21] =	ssyncadd.s32 $0xFFFFC000  }
0x6c: {  	[tilespmem:s17], [sflag:$0x2] =	stream.indirect.gather [hbm4b:s2+s16], $0x80, s11, s16, $0x2000b8;
	[tilespmem:$0x1D000] =	vst v63  }
0x6d: {  	_ =	swait.ge [sflag:s18], $0x4000  }
0x6e: {  	[sflag:s18] =	ssyncset.done $0x0  }
0x6f: {  	s12 =	rddreg [dreg:$0xd];
	[sflag:s18] =	ssyncadd.s32 $0xFFFFC000  }
0x70: {  	[spmem:s3] =	stream.indirect.scatter.add.f32 [tilespmem:s13], [sflag:$0x3], $0x80, s12, s16, $0x2000b8;
	[tilespmem:$0x1D000] =	vst v63  }
0x71: {  	_ =	swait.ge [sflag:s19], $0x4000  }
0x72: {  	[sflag:s19] =	ssyncset.done $0x0  }
0x73: {  	s10 =	rddreg [dreg:$0xe];
	[sflag:s19] =	ssyncadd.s32 $0xFFFFC000  }
0x74: {  	[tilespmem:s13], [sflag:$0x1] =	stream.indirect.gather [hbm4b:s2+s16], $0x80, s10, s16, $0x2000b8;
	[tilespmem:$0x1D000] =	vst v63  }
0x75: {  	_ =	swait.ge [sflag:s20], $0x4000  }
0x76: {  	[sflag:s20] =	ssyncset.done $0x0  }
0x77: {  	s11 =	rddreg [dreg:$0xf];
	[sflag:s20] =	ssyncadd.s32 $0xFFFFC000  }
0x78: {  	[spmem:s3] =	stream.indirect.scatter.add.f32 [tilespmem:s17], [sflag:$0x4], $0x80, s11, s16, $0x2000b8;
	[tilespmem:$0x1D000] =	vst v63  }
0x79: {  	_ =	swait.ge [sflag:s21], $0x4000  }
0x7a: {  	[sflag:s21] =	ssyncset.done $0x0  }
0x7b: {  	s12 =	rddreg [dreg:$0x10];
	[sflag:s21] =	ssyncadd.s32 $0xFFFFC000  }
0x7c: {  	[tilespmem:s17], [sflag:$0x2] =	stream.indirect.gather [hbm4b:s2+s16], $0x80, s12, s16, $0x2000b8;
	[tilespmem:$0x1D000] =	vst v63  }
0x7d: {  	_ =	swait.ge [sflag:s18], $0x4000  }
0x7e: {  	[sflag:s18] =	ssyncset.done $0x0  }
0x7f: {  	s10 =	rddreg [dreg:$0x11];
	[sflag:s18] =	ssyncadd.s32 $0xFFFFC000  }
0x80: {  	[spmem:s3] =	stream.indirect.scatter.add.f32 [tilespmem:s13], [sflag:$0x3], $0x80, s10, s16, $0x2000b8;
	[tilespmem:$0x1D000] =	vst v63  }
0x81: {  	_ =	swait.ge [sflag:s19], $0x4000  }
0x82: {  	[sflag:s19] =	ssyncset.done $0x0  }
0x83: {  	s11 =	rddreg [dreg:$0x12];
	[sflag:s19] =	ssyncadd.s32 $0xFFFFC000  }
0x84: {  	[tilespmem:s13], [sflag:$0x1] =	stream.indirect.gather [hbm4b:s2+s16], $0x80, s11, s16, $0x2000b8;
	[tilespmem:$0x1D000] =	vst v63  }
0x85: {  	_ =	swait.ge [sflag:s20], $0x4000  }
0x86: {  	[sflag:s20] =	ssyncset.done $0x0  }
0x87: {  	s12 =	rddreg [dreg:$0x13];
	[sflag:s20] =	ssyncadd.s32 $0xFFFFC000  }
0x88: {  	[spmem:s3] =	stream.indirect.scatter.add.f32 [tilespmem:s17], [sflag:$0x4], $0x80, s12, s16, $0x2000b8;
	[tilespmem:$0x1D000] =	vst v63  }
0x89: {  	_ =	swait.ge [sflag:s21], $0x4000  }
0x8a: {  	[sflag:s21] =	ssyncset.done $0x0  }
0x8b: {  	[sflag:s21] =	ssyncadd.s32 $0xFFFFC000  }
0x8c: {  	[tilespmem:s17], [sflag:$0x2] =	stream.indirect.gather [hbm4b:s2+s16], $0x80, s22, s16, $0x2000b8;
	[tilespmem:$0x1D000] =	vst v63  }
0x8d: {  	_ =	swait.ge [sflag:s18], $0x4000  }
0x8e: {  	[sflag:s18] =	ssyncset.done $0x0  }
0x8f: {  	[sflag:s18] =	ssyncadd.s32 $0xFFFFC000  }
0x90: {  	[spmem:s3] =	stream.indirect.scatter.add.f32 [tilespmem:s13], [sflag:$0x3], $0x80, s23, s16, $0x2000b8;
	[tilespmem:$0x1D000] =	vst v63  }
0x91: {  	_ =	swait.ge [sflag:s19], $0x4000  }
0x92: {  	[sflag:s19] =	ssyncset.done $0x0  }
0x93: {  	[sflag:s19] =	ssyncadd.s32 $0xFFFFC000  }
0x94: {  	[tilespmem:s13], [sflag:$0x1] =	stream.indirect.gather [hbm4b:s2+s16], $0x80, s24, s16, $0x2000b8;
	[tilespmem:$0x1D000] =	vst v63  }
0x95: {  	_ =	swait.ge [sflag:s20], $0x4000  }
0x96: {  	[sflag:s20] =	ssyncset.done $0x0  }
0x97: {  	[sflag:s20] =	ssyncadd.s32 $0xFFFFC000  }
0x98: {  	[spmem:s3] =	stream.indirect.scatter.add.f32 [tilespmem:s17], [sflag:$0x4], $0x80, s25, s16, $0x2000b8;
	[tilespmem:$0x1D000] =	vst v63  }
0x99: {  	_ =	swait.ge [sflag:s21], $0x4000  }
0x9a: {  	[sflag:s21] =	ssyncset.done $0x0  }
0x9b: {  	[sflag:s21] =	ssyncadd.s32 $0xFFFFC000  }
0x9c: {  	[tilespmem:s17], [sflag:$0x2] =	stream.indirect.gather [hbm4b:s2+s16], $0x80, s26, s16, $0x2000b8;
	[tilespmem:$0x1D000] =	vst v63  }
0x9d: {  	_ =	swait.ge [sflag:s18], $0x4000  }
0x9e: {  	[sflag:s18] =	ssyncset.done $0x0  }
0x9f: {  	[sflag:s18] =	ssyncadd.s32 $0xFFFFC000  }
0xa0: {  	[spmem:s3] =	stream.indirect.scatter.add.f32 [tilespmem:s13], [sflag:$0x3], $0x80, s28, s16, $0x2000b8;
	[tilespmem:$0x1D000] =	vst v63  }
0xa1: {  	_ =	swait.ge [sflag:s19], $0x4000  }
0xa2: {  	[sflag:s19] =	ssyncset.done $0x0  }
0xa3: {  	[sflag:s19] =	ssyncadd.s32 $0xFFFFC000  }
0xa4: {  	[tilespmem:s13], [sflag:$0x1] =	stream.indirect.gather [hbm4b:s2+s16], $0x80, s29, s16, $0x2000b8;
	[tilespmem:$0x1D000] =	vst v63  }
0xa5: {  	_ =	swait.ge [sflag:s20], $0x4000  }
0xa6: {  	[sflag:s20] =	ssyncset.done $0x0  }
0xa7: {  	[sflag:s20] =	ssyncadd.s32 $0xFFFFC000  }
0xa8: {  	[spmem:s3] =	stream.indirect.scatter.add.f32 [tilespmem:s17], [sflag:$0x4], $0x80, s30, s16, $0x2000b8;
	[tilespmem:$0x1D000] =	vst v63  }
0xa9: {  	_ =	swait.ge [sflag:s21], $0x4000  }
0xaa: {  	[sflag:s21] =	ssyncset.done $0x0  }
0xab: {  	[sflag:s21] =	ssyncadd.s32 $0xFFFFC000  }
0xac: {  	[tilespmem:s17], [sflag:$0x2] =	stream.indirect.gather [hbm4b:s2+s16], $0x80, s31, s16, $0x2000b8;
	[tilespmem:$0x1D000] =	vst v63  }
0xad: {  	_ =	swait.ge [sflag:s18], $0x4000  }
0xae: {  	[sflag:s18] =	ssyncset.done $0x0  }
0xaf: {  	[sflag:s18] =	ssyncadd.s32 $0xFFFFC000  }
0xb0: {  	[spmem:s3] =	stream.indirect.scatter.add.f32 [tilespmem:s13], [sflag:$0x3], $0x80, s1, s16, $0x2000b8;
	[tilespmem:$0x1D000] =	vst v63  }
0xb1: {  	_ =	swait.ge [sflag:s19], $0x4000  }
0xb2: {  	[sflag:s19] =	ssyncset.done $0x0  }
0xb3: {  	[sflag:s19] =	ssyncadd.s32 $0xFFFFC000  }
0xb4: {  	[tilespmem:s13], [sflag:$0x1] =	stream.indirect.gather [hbm4b:s2+s16], $0x80, s0, s16, $0x2000b8;
	[tilespmem:$0x1D000] =	vst v63  }
0xb5: {  	_ =	swait.ge [sflag:s20], $0x4000  }
0xb6: {  	[sflag:s20] =	ssyncset.done $0x0  }
0xb7: {  	[sflag:s20] =	ssyncadd.s32 $0xFFFFC000  }
0xb8: {  	[spmem:s3] =	stream.indirect.scatter.add.f32 [tilespmem:s17], [sflag:$0x4], $0x80, s5, s16, $0x2000b8;
	[tilespmem:$0x1D000] =	vst v63  }
0xb9: {  	_ =	swait.ge [sflag:s21], $0x4000  }
0xba: {  	[sflag:s21] =	ssyncset.done $0x0  }
0xbb: {  	[sflag:s21] =	ssyncadd.s32 $0xFFFFC000  }
0xbc: {  	[tilespmem:s17], [sflag:$0x2] =	stream.indirect.gather [hbm4b:s2+s16], $0x80, s7, s16, $0x2000b8;
	[tilespmem:$0x1D000] =	vst v63  }
0xbd: {  	_ =	swait.ge [sflag:s18], $0x4000  }
0xbe: {  	[sflag:s18] =	ssyncset.done $0x0  }
0xbf: {  	[sflag:s18] =	ssyncadd.s32 $0xFFFFC000  }
0xc0: {  	[spmem:s3] =	stream.indirect.scatter.add.f32 [tilespmem:s13], [sflag:$0x3], $0x80, s8, s16, $0x2000b8;
	[tilespmem:$0x1D000] =	vst v63  }
0xc1: {  	_ =	swait.ge [sflag:s20], $0x4000  }
0xc2: {  	[sflag:s20] =	ssyncset.done $0x0  }
0xc3: {  	[sflag:s20] =	ssyncadd.s32 $0xFFFFC000  }
0xc4: {  	[spmem:s3] =	stream.indirect.scatter.add.f32 [tilespmem:s17], [sflag:$0x4], $0x80, s9, s16, $0x2000b8;
	[tilespmem:$0x1D000] =	vst v63  }
0xc5: {  	_ =	swait.ge [sflag:s19], $0x4000  }
0xc6: {  	[sflag:s19] =	ssyncset.done $0x0  }
0xc7: {  	[sflag:s19] =	ssyncadd.s32 $0xFFFFC000  }
0xc8: {  	s11 =	simm.s32 $0x100;
	_ =	swait.ge [sflag:s21], $0x4000  }
0xc9: {  	s12 =	simm.s32 $0x200;
	s6 =	rddreg [dreg:$0x5];
	[sflag:s21] =	ssyncset.done $0x0  }
.LBB2_2:
0xca: {  	[sflag:s21] =	ssyncadd.s32 $0xFFFFC000;
	s6 =	sadd.s32 s11, s6  }
0xcb: {  	[tilespmem:s4], [sflag:$0x5] =	stream.linear.gather [hbm4b:s6+s4], $0x800, $0x200038;
	[tilespmem:$0x1D000] =	vst v63  }
0xcc: {  	_ =	swait.ge [sflag:s14], $0x800  }
0xcd: {  	s6 =	rddreg [dreg:$0x4];
	[sflag:s14] =	ssyncset.done $0x0  }
0xce: {  	[sflag:s14] =	ssyncadd.s32 $0xFFFFF800;
	s6 =	sadd.s32 s11, s6  }
0xcf: {  	[tilespmem:s15], [sflag:$0x5] =	stream.linear.gather [hbm4b:s6+s4], $0x800, $0x200038;
	[tilespmem:$0x1D000] =	vst v63  }
0xd0: {  	_ =	swait.ge [sflag:s14], $0x800  }
0xd1: {  	[sflag:s14] =	ssyncset.done $0x0  }
0xd2: {  	[sflag:s14] =	ssyncadd.s32 $0xFFFFF800  }
0xd3: {  	[tilespmem:s13], [sflag:$0x1] =	stream.indirect.gather [hbm4b:s2+s16], $0x80, s4, s16, $0x2000b8;
	[tilespmem:$0x1D000] =	vst v63  }
0xd4: {  	_ = 	snop  }
0xd5: {  	[tilespmem:s17], [sflag:$0x2] =	stream.indirect.gather [hbm4b:s2+s16], $0x80, s16, s16, $0x2000b8;
	[tilespmem:$0x1D000] =	vst v63  }
0xd6: {  	_ =	swait.ge [sflag:s18], $0x4000  }
0xd7: {  	[sflag:s18] =	ssyncset.done $0x0  }
0xd8: {  	[sflag:s18] =	ssyncadd.s32 $0xFFFFC000  }
0xd9: {  	[spmem:s3] =	stream.indirect.scatter.add.f32 [tilespmem:s13], [sflag:$0x3], $0x80, s15, s16, $0x2000b8;
	[tilespmem:$0x1D000] =	vst v63  }
0xda: {  	_ =	swait.ge [sflag:s19], $0x4000  }
0xdb: {  	s10 =	smov.u32 s12;
	[sflag:s19] =	ssyncset.done $0x0  }
0xdc: {  	s11 =	smov.u32 s10;
	s10 =	rddreg [dreg:$0x6];
	[sflag:s19] =	ssyncadd.s32 $0xFFFFC000  }
0xdd: {  	[tilespmem:s13], [sflag:$0x1] =	stream.indirect.gather [hbm4b:s2+s16], $0x80, s10, s16, $0x2000b8;
	[tilespmem:$0x1D000] =	vst v63  }
0xde: {  	_ =	swait.ge [sflag:s20], $0x4000  }
0xdf: {  	[sflag:s20] =	ssyncset.done $0x0  }
0xe0: {  	s10 =	rddreg [dreg:$0x7];
	[sflag:s20] =	ssyncadd.s32 $0xFFFFC000  }
0xe1: {  	[spmem:s3] =	stream.indirect.scatter.add.f32 [tilespmem:s17], [sflag:$0x4], $0x80, s10, s16, $0x2000b8;
	[tilespmem:$0x1D000] =	vst v63  }
0xe2: {  	_ =	swait.ge [sflag:s21], $0x4000  }
0xe3: {  	[sflag:s21] =	ssyncset.done $0x0  }
0xe4: {  	s10 =	rddreg [dreg:$0x8];
	[sflag:s21] =	ssyncadd.s32 $0xFFFFC000  }
0xe5: {  	[tilespmem:s17], [sflag:$0x2] =	stream.indirect.gather [hbm4b:s2+s16], $0x80, s10, s16, $0x2000b8;
	[tilespmem:$0x1D000] =	vst v63  }
0xe6: {  	_ =	swait.ge [sflag:s18], $0x4000  }
0xe7: {  	[sflag:s18] =	ssyncset.done $0x0  }
0xe8: {  	s10 =	rddreg [dreg:$0x9];
	[sflag:s18] =	ssyncadd.s32 $0xFFFFC000  }
0xe9: {  	[spmem:s3] =	stream.indirect.scatter.add.f32 [tilespmem:s13], [sflag:$0x3], $0x80, s10, s16, $0x2000b8;
	[tilespmem:$0x1D000] =	vst v63  }
0xea: {  	_ =	swait.ge [sflag:s19], $0x4000  }
0xeb: {  	[sflag:s19] =	ssyncset.done $0x0  }
0xec: {  	s10 =	rddreg [dreg:$0xa];
	[sflag:s19] =	ssyncadd.s32 $0xFFFFC000  }
0xed: {  	[tilespmem:s13], [sflag:$0x1] =	stream.indirect.gather [hbm4b:s2+s16], $0x80, s10, s16, $0x2000b8;
	[tilespmem:$0x1D000] =	vst v63  }
0xee: {  	_ =	swait.ge [sflag:s20], $0x4000  }
0xef: {  	[sflag:s20] =	ssyncset.done $0x0  }
0xf0: {  	s10 =	rddreg [dreg:$0xb];
	[sflag:s20] =	ssyncadd.s32 $0xFFFFC000  }
0xf1: {  	[spmem:s3] =	stream.indirect.scatter.add.f32 [tilespmem:s17], [sflag:$0x4], $0x80, s10, s16, $0x2000b8;
	[tilespmem:$0x1D000] =	vst v63  }
0xf2: {  	_ =	swait.ge [sflag:s21], $0x4000  }
0xf3: {  	[sflag:s21] =	ssyncset.done $0x0  }
0xf4: {  	s10 =	rddreg [dreg:$0xc];
	[sflag:s21] =	ssyncadd.s32 $0xFFFFC000  }
0xf5: {  	[tilespmem:s17], [sflag:$0x2] =	stream.indirect.gather [hbm4b:s2+s16], $0x80, s10, s16, $0x2000b8;
	[tilespmem:$0x1D000] =	vst v63  }
0xf6: {  	_ =	swait.ge [sflag:s18], $0x4000  }
0xf7: {  	[sflag:s18] =	ssyncset.done $0x0  }
0xf8: {  	s10 =	rddreg [dreg:$0xd];
	[sflag:s18] =	ssyncadd.s32 $0xFFFFC000  }
0xf9: {  	[spmem:s3] =	stream.indirect.scatter.add.f32 [tilespmem:s13], [sflag:$0x3], $0x80, s10, s16, $0x2000b8;
	[tilespmem:$0x1D000] =	vst v63  }
0xfa: {  	_ =	swait.ge [sflag:s19], $0x4000  }
0xfb: {  	[sflag:s19] =	ssyncset.done $0x0  }
0xfc: {  	s10 =	rddreg [dreg:$0xe];
	[sflag:s19] =	ssyncadd.s32 $0xFFFFC000  }
0xfd: {  	[tilespmem:s13], [sflag:$0x1] =	stream.indirect.gather [hbm4b:s2+s16], $0x80, s10, s16, $0x2000b8;
	[tilespmem:$0x1D000] =	vst v63  }
0xfe: {  	_ =	swait.ge [sflag:s20], $0x4000  }
0xff: {  	[sflag:s20] =	ssyncset.done $0x0  }
0x100: {  	s10 =	rddreg [dreg:$0xf];
	[sflag:s20] =	ssyncadd.s32 $0xFFFFC000  }
0x101: {  	[spmem:s3] =	stream.indirect.scatter.add.f32 [tilespmem:s17], [sflag:$0x4], $0x80, s10, s16, $0x2000b8;
	[tilespmem:$0x1D000] =	vst v63  }
0x102: {  	_ =	swait.ge [sflag:s21], $0x4000  }
0x103: {  	[sflag:s21] =	ssyncset.done $0x0  }
0x104: {  	s10 =	rddreg [dreg:$0x10];
	[sflag:s21] =	ssyncadd.s32 $0xFFFFC000  }
0x105: {  	[tilespmem:s17], [sflag:$0x2] =	stream.indirect.gather [hbm4b:s2+s16], $0x80, s10, s16, $0x2000b8;
	[tilespmem:$0x1D000] =	vst v63  }
0x106: {  	_ =	swait.ge [sflag:s18], $0x4000  }
0x107: {  	[sflag:s18] =	ssyncset.done $0x0  }
0x108: {  	s10 =	rddreg [dreg:$0x11];
	[sflag:s18] =	ssyncadd.s32 $0xFFFFC000  }
0x109: {  	[spmem:s3] =	stream.indirect.scatter.add.f32 [tilespmem:s13], [sflag:$0x3], $0x80, s10, s16, $0x2000b8;
	[tilespmem:$0x1D000] =	vst v63  }
0x10a: {  	_ =	swait.ge [sflag:s19], $0x4000  }
0x10b: {  	[sflag:s19] =	ssyncset.done $0x0  }
0x10c: {  	s10 =	rddreg [dreg:$0x12];
	[sflag:s19] =	ssyncadd.s32 $0xFFFFC000  }
0x10d: {  	[tilespmem:s13], [sflag:$0x1] =	stream.indirect.gather [hbm4b:s2+s16], $0x80, s10, s16, $0x2000b8;
	[tilespmem:$0x1D000] =	vst v63  }
0x10e: {  	_ =	swait.ge [sflag:s20], $0x4000  }
0x10f: {  	[sflag:s20] =	ssyncset.done $0x0  }
0x110: {  	s10 =	rddreg [dreg:$0x13];
	[sflag:s20] =	ssyncadd.s32 $0xFFFFC000  }
0x111: {  	[spmem:s3] =	stream.indirect.scatter.add.f32 [tilespmem:s17], [sflag:$0x4], $0x80, s10, s16, $0x2000b8;
	[tilespmem:$0x1D000] =	vst v63  }
0x112: {  	_ =	swait.ge [sflag:s21], $0x4000  }
0x113: {  	[sflag:s21] =	ssyncset.done $0x0  }
0x114: {  	[sflag:s21] =	ssyncadd.s32 $0xFFFFC000  }
0x115: {  	[tilespmem:s17], [sflag:$0x2] =	stream.indirect.gather [hbm4b:s2+s16], $0x80, s22, s16, $0x2000b8;
	[tilespmem:$0x1D000] =	vst v63  }
0x116: {  	_ =	swait.ge [sflag:s18], $0x4000  }
0x117: {  	[sflag:s18] =	ssyncset.done $0x0  }
0x118: {  	[sflag:s18] =	ssyncadd.s32 $0xFFFFC000  }
0x119: {  	[spmem:s3] =	stream.indirect.scatter.add.f32 [tilespmem:s13], [sflag:$0x3], $0x80, s23, s16, $0x2000b8;
	[tilespmem:$0x1D000] =	vst v63  }
0x11a: {  	_ =	swait.ge [sflag:s19], $0x4000  }
0x11b: {  	[sflag:s19] =	ssyncset.done $0x0  }
0x11c: {  	[sflag:s19] =	ssyncadd.s32 $0xFFFFC000  }
0x11d: {  	[tilespmem:s13], [sflag:$0x1] =	stream.indirect.gather [hbm4b:s2+s16], $0x80, s24, s16, $0x2000b8;
	[tilespmem:$0x1D000] =	vst v63  }
0x11e: {  	_ =	swait.ge [sflag:s20], $0x4000  }
0x11f: {  	[sflag:s20] =	ssyncset.done $0x0  }
0x120: {  	[sflag:s20] =	ssyncadd.s32 $0xFFFFC000  }
0x121: {  	[spmem:s3] =	stream.indirect.scatter.add.f32 [tilespmem:s17], [sflag:$0x4], $0x80, s25, s16, $0x2000b8;
	[tilespmem:$0x1D000] =	vst v63  }
0x122: {  	_ =	swait.ge [sflag:s21], $0x4000  }
0x123: {  	[sflag:s21] =	ssyncset.done $0x0  }
0x124: {  	[sflag:s21] =	ssyncadd.s32 $0xFFFFC000  }
0x125: {  	[tilespmem:s17], [sflag:$0x2] =	stream.indirect.gather [hbm4b:s2+s16], $0x80, s26, s16, $0x2000b8;
	[tilespmem:$0x1D000] =	vst v63  }
0x126: {  	_ =	swait.ge [sflag:s18], $0x4000  }
0x127: {  	[sflag:s18] =	ssyncset.done $0x0  }
0x128: {  	[sflag:s18] =	ssyncadd.s32 $0xFFFFC000  }
0x129: {  	[spmem:s3] =	stream.indirect.scatter.add.f32 [tilespmem:s13], [sflag:$0x3], $0x80, s28, s16, $0x2000b8;
	[tilespmem:$0x1D000] =	vst v63  }
0x12a: {  	_ =	swait.ge [sflag:s19], $0x4000  }
0x12b: {  	[sflag:s19] =	ssyncset.done $0x0  }
0x12c: {  	[sflag:s19] =	ssyncadd.s32 $0xFFFFC000  }
0x12d: {  	[tilespmem:s13], [sflag:$0x1] =	stream.indirect.gather [hbm4b:s2+s16], $0x80, s29, s16, $0x2000b8;
	[tilespmem:$0x1D000] =	vst v63  }
0x12e: {  	_ =	swait.ge [sflag:s20], $0x4000  }
0x12f: {  	[sflag:s20] =	ssyncset.done $0x0  }
0x130: {  	[sflag:s20] =	ssyncadd.s32 $0xFFFFC000  }
0x131: {  	[spmem:s3] =	stream.indirect.scatter.add.f32 [tilespmem:s17], [sflag:$0x4], $0x80, s30, s16, $0x2000b8;
	[tilespmem:$0x1D000] =	vst v63  }
0x132: {  	_ =	swait.ge [sflag:s21], $0x4000  }
0x133: {  	[sflag:s21] =	ssyncset.done $0x0  }
0x134: {  	[sflag:s21] =	ssyncadd.s32 $0xFFFFC000  }
0x135: {  	[tilespmem:s17], [sflag:$0x2] =	stream.indirect.gather [hbm4b:s2+s16], $0x80, s31, s16, $0x2000b8;
	[tilespmem:$0x1D000] =	vst v63  }
0x136: {  	_ =	swait.ge [sflag:s18], $0x4000  }
0x137: {  	[sflag:s18] =	ssyncset.done $0x0  }
0x138: {  	[sflag:s18] =	ssyncadd.s32 $0xFFFFC000  }
0x139: {  	[spmem:s3] =	stream.indirect.scatter.add.f32 [tilespmem:s13], [sflag:$0x3], $0x80, s1, s16, $0x2000b8;
	[tilespmem:$0x1D000] =	vst v63  }
0x13a: {  	_ =	swait.ge [sflag:s19], $0x4000  }
0x13b: {  	[sflag:s19] =	ssyncset.done $0x0  }
0x13c: {  	[sflag:s19] =	ssyncadd.s32 $0xFFFFC000  }
0x13d: {  	[tilespmem:s13], [sflag:$0x1] =	stream.indirect.gather [hbm4b:s2+s16], $0x80, s0, s16, $0x2000b8;
	[tilespmem:$0x1D000] =	vst v63  }
0x13e: {  	_ =	swait.ge [sflag:s20], $0x4000  }
0x13f: {  	[sflag:s20] =	ssyncset.done $0x0  }
0x140: {  	[sflag:s20] =	ssyncadd.s32 $0xFFFFC000  }
0x141: {  	[spmem:s3] =	stream.indirect.scatter.add.f32 [tilespmem:s17], [sflag:$0x4], $0x80, s5, s16, $0x2000b8;
	[tilespmem:$0x1D000] =	vst v63  }
0x142: {  	_ =	swait.ge [sflag:s21], $0x4000  }
0x143: {  	[sflag:s21] =	ssyncset.done $0x0  }
0x144: {  	[sflag:s21] =	ssyncadd.s32 $0xFFFFC000  }
0x145: {  	[tilespmem:s17], [sflag:$0x2] =	stream.indirect.gather [hbm4b:s2+s16], $0x80, s7, s16, $0x2000b8;
	[tilespmem:$0x1D000] =	vst v63  }
0x146: {  	_ =	swait.ge [sflag:s18], $0x4000  }
0x147: {  	[sflag:s18] =	ssyncset.done $0x0  }
0x148: {  	[sflag:s18] =	ssyncadd.s32 $0xFFFFC000  }
0x149: {  	[spmem:s3] =	stream.indirect.scatter.add.f32 [tilespmem:s13], [sflag:$0x3], $0x80, s8, s16, $0x2000b8;
	[tilespmem:$0x1D000] =	vst v63  }
0x14a: {  	_ =	swait.ge [sflag:s20], $0x4000  }
0x14b: {  	[sflag:s20] =	ssyncset.done $0x0  }
0x14c: {  	p0 =	sne.s32 s12, $0x400;
	[sflag:s20] =	ssyncadd.s32 $0xFFFFC000  }
0x14d: {  	[spmem:s3] =	stream.indirect.scatter.add.f32 [tilespmem:s17], [sflag:$0x4], $0x80, s9, s16, $0x2000b8;
	[tilespmem:$0x1D000] =	vst v63  }
.Ltmp0:
0x14e: {  	_ =	swait.ge [sflag:s19], $0x4000;
	(pc) =	sbr.rel @p0 .LBB2_2-.Ltmp0, $4  }
0x14f: {  	[sflag:s19] =	ssyncset.done $0x0  }
0x150: {  	[sflag:s19] =	ssyncadd.s32 $0xFFFFC000  }
0x151: {  	_ =	swait.ge [sflag:s21], $0x4000  }
0x152: {  	s12 =	sadd.s32 $0x100, s12;
	s6 =	rddreg [dreg:$0x5];
	[sflag:s21] =	ssyncset.done $0x0  }
0x153: {  	[sflag:s21] =	ssyncadd.s32 $0xFFFFC000;
	s6 =	sadd.s32 s11, s6  }
0x154: {  	[tilespmem:s4], [sflag:$0x5] =	stream.linear.gather [hbm4b:s6+s4], $0x800, $0x200038;
	[tilespmem:$0x1D000] =	vst v63  }
0x155: {  	_ =	swait.ge [sflag:s14], $0x800  }
0x156: {  	s12 =	rddreg [dreg:$0x4];
	[sflag:s14] =	ssyncset.done $0x0  }
0x157: {  	[sflag:s14] =	ssyncadd.s32 $0xFFFFF800;
	s6 =	sadd.s32 s11, s12  }
0x158: {  	[tilespmem:s15], [sflag:$0x5] =	stream.linear.gather [hbm4b:s6+s4], $0x800, $0x200038;
	[tilespmem:$0x1D000] =	vst v63  }
0x159: {  	_ =	swait.ge [sflag:s14], $0x800  }
0x15a: {  	[sflag:s14] =	ssyncset.done $0x0  }
0x15b: {  	[sflag:s14] =	ssyncadd.s32 $0xFFFFF800  }
0x15c: {  	[tilespmem:s13], [sflag:$0x1] =	stream.indirect.gather [hbm4b:s2+s16], $0x80, s4, s16, $0x2000b8;
	[tilespmem:$0x1D000] =	vst v63  }
0x15d: {  	_ = 	snop  }
0x15e: {  	[tilespmem:s17], [sflag:$0x2] =	stream.indirect.gather [hbm4b:s2+s16], $0x80, s16, s16, $0x2000b8;
	[tilespmem:$0x1D000] =	vst v63  }
0x15f: {  	_ =	swait.ge [sflag:s18], $0x4000  }
0x160: {  	[sflag:s18] =	ssyncset.done $0x0  }
0x161: {  	[sflag:s18] =	ssyncadd.s32 $0xFFFFC000  }
0x162: {  	[spmem:s3] =	stream.indirect.scatter.add.f32 [tilespmem:s13], [sflag:$0x3], $0x80, s15, s16, $0x2000b8;
	[tilespmem:$0x1D000] =	vst v63  }
0x163: {  	_ =	swait.ge [sflag:s19], $0x4000  }
0x164: {  	[sflag:s19] =	ssyncset.done $0x0  }
0x165: {  	s10 =	rddreg [dreg:$0x6];
	[sflag:s19] =	ssyncadd.s32 $0xFFFFC000  }
0x166: {  	[tilespmem:s13], [sflag:$0x1] =	stream.indirect.gather [hbm4b:s2+s16], $0x80, s10, s16, $0x2000b8;
	[tilespmem:$0x1D000] =	vst v63  }
0x167: {  	_ =	swait.ge [sflag:s20], $0x4000  }
0x168: {  	[sflag:s20] =	ssyncset.done $0x0  }
0x169: {  	s11 =	rddreg [dreg:$0x7];
	[sflag:s20] =	ssyncadd.s32 $0xFFFFC000  }
0x16a: {  	[spmem:s3] =	stream.indirect.scatter.add.f32 [tilespmem:s17], [sflag:$0x4], $0x80, s11, s16, $0x2000b8;
	[tilespmem:$0x1D000] =	vst v63  }
0x16b: {  	_ =	swait.ge [sflag:s21], $0x4000  }
0x16c: {  	[sflag:s21] =	ssyncset.done $0x0  }
0x16d: {  	s12 =	rddreg [dreg:$0x8];
	[sflag:s21] =	ssyncadd.s32 $0xFFFFC000  }
0x16e: {  	[tilespmem:s17], [sflag:$0x2] =	stream.indirect.gather [hbm4b:s2+s16], $0x80, s12, s16, $0x2000b8;
	[tilespmem:$0x1D000] =	vst v63  }
0x16f: {  	_ =	swait.ge [sflag:s18], $0x4000  }
0x170: {  	[sflag:s18] =	ssyncset.done $0x0  }
0x171: {  	s10 =	rddreg [dreg:$0x9];
	[sflag:s18] =	ssyncadd.s32 $0xFFFFC000  }
0x172: {  	[spmem:s3] =	stream.indirect.scatter.add.f32 [tilespmem:s13], [sflag:$0x3], $0x80, s10, s16, $0x2000b8;
	[tilespmem:$0x1D000] =	vst v63  }
0x173: {  	_ =	swait.ge [sflag:s19], $0x4000  }
0x174: {  	[sflag:s19] =	ssyncset.done $0x0  }
0x175: {  	s11 =	rddreg [dreg:$0xa];
	[sflag:s19] =	ssyncadd.s32 $0xFFFFC000  }
0x176: {  	[tilespmem:s13], [sflag:$0x1] =	stream.indirect.gather [hbm4b:s2+s16], $0x80, s11, s16, $0x2000b8;
	[tilespmem:$0x1D000] =	vst v63  }
0x177: {  	_ =	swait.ge [sflag:s20], $0x4000  }
0x178: {  	[sflag:s20] =	ssyncset.done $0x0  }
0x179: {  	s12 =	rddreg [dreg:$0xb];
	[sflag:s20] =	ssyncadd.s32 $0xFFFFC000  }
0x17a: {  	[spmem:s3] =	stream.indirect.scatter.add.f32 [tilespmem:s17], [sflag:$0x4], $0x80, s12, s16, $0x2000b8;
	[tilespmem:$0x1D000] =	vst v63  }
0x17b: {  	_ =	swait.ge [sflag:s21], $0x4000  }
0x17c: {  	[sflag:s21] =	ssyncset.done $0x0  }
0x17d: {  	s10 =	rddreg [dreg:$0xc];
	[sflag:s21] =	ssyncadd.s32 $0xFFFFC000  }
0x17e: {  	[tilespmem:s17], [sflag:$0x2] =	stream.indirect.gather [hbm4b:s2+s16], $0x80, s10, s16, $0x2000b8;
	[tilespmem:$0x1D000] =	vst v63  }
0x17f: {  	_ =	swait.ge [sflag:s18], $0x4000  }
0x180: {  	[sflag:s18] =	ssyncset.done $0x0  }
0x181: {  	s11 =	rddreg [dreg:$0xd];
	[sflag:s18] =	ssyncadd.s32 $0xFFFFC000  }
0x182: {  	[spmem:s3] =	stream.indirect.scatter.add.f32 [tilespmem:s13], [sflag:$0x3], $0x80, s11, s16, $0x2000b8;
	[tilespmem:$0x1D000] =	vst v63  }
0x183: {  	_ =	swait.ge [sflag:s19], $0x4000  }
0x184: {  	[sflag:s19] =	ssyncset.done $0x0  }
0x185: {  	s12 =	rddreg [dreg:$0xe];
	[sflag:s19] =	ssyncadd.s32 $0xFFFFC000  }
0x186: {  	[tilespmem:s13], [sflag:$0x1] =	stream.indirect.gather [hbm4b:s2+s16], $0x80, s12, s16, $0x2000b8;
	[tilespmem:$0x1D000] =	vst v63  }
0x187: {  	_ =	swait.ge [sflag:s20], $0x4000  }
0x188: {  	[sflag:s20] =	ssyncset.done $0x0  }
0x189: {  	s10 =	rddreg [dreg:$0xf];
	[sflag:s20] =	ssyncadd.s32 $0xFFFFC000  }
0x18a: {  	[spmem:s3] =	stream.indirect.scatter.add.f32 [tilespmem:s17], [sflag:$0x4], $0x80, s10, s16, $0x2000b8;
	[tilespmem:$0x1D000] =	vst v63  }
0x18b: {  	_ =	swait.ge [sflag:s21], $0x4000  }
0x18c: {  	[sflag:s21] =	ssyncset.done $0x0  }
0x18d: {  	s11 =	rddreg [dreg:$0x10];
	[sflag:s21] =	ssyncadd.s32 $0xFFFFC000  }
0x18e: {  	[tilespmem:s17], [sflag:$0x2] =	stream.indirect.gather [hbm4b:s2+s16], $0x80, s11, s16, $0x2000b8;
	[tilespmem:$0x1D000] =	vst v63  }
0x18f: {  	_ =	swait.ge [sflag:s18], $0x4000  }
0x190: {  	[sflag:s18] =	ssyncset.done $0x0  }
0x191: {  	s12 =	rddreg [dreg:$0x11];
	[sflag:s18] =	ssyncadd.s32 $0xFFFFC000  }
0x192: {  	[spmem:s3] =	stream.indirect.scatter.add.f32 [tilespmem:s13], [sflag:$0x3], $0x80, s12, s16, $0x2000b8;
	[tilespmem:$0x1D000] =	vst v63  }
0x193: {  	_ =	swait.ge [sflag:s19], $0x4000  }
0x194: {  	[sflag:s19] =	ssyncset.done $0x0  }
0x195: {  	s10 =	rddreg [dreg:$0x12];
	[sflag:s19] =	ssyncadd.s32 $0xFFFFC000  }
0x196: {  	[tilespmem:s13], [sflag:$0x1] =	stream.indirect.gather [hbm4b:s2+s16], $0x80, s10, s16, $0x2000b8;
	[tilespmem:$0x1D000] =	vst v63  }
0x197: {  	_ =	swait.ge [sflag:s20], $0x4000  }
0x198: {  	[sflag:s20] =	ssyncset.done $0x0  }
0x199: {  	s11 =	rddreg [dreg:$0x13];
	[sflag:s20] =	ssyncadd.s32 $0xFFFFC000  }
0x19a: {  	[spmem:s3] =	stream.indirect.scatter.add.f32 [tilespmem:s17], [sflag:$0x4], $0x80, s11, s16, $0x2000b8;
	[tilespmem:$0x1D000] =	vst v63  }
0x19b: {  	_ =	swait.ge [sflag:s21], $0x4000  }
0x19c: {  	[sflag:s21] =	ssyncset.done $0x0  }
0x19d: {  	[sflag:s21] =	ssyncadd.s32 $0xFFFFC000  }
0x19e: {  	[tilespmem:s17], [sflag:$0x2] =	stream.indirect.gather [hbm4b:s2+s16], $0x80, s22, s16, $0x2000b8;
	[tilespmem:$0x1D000] =	vst v63  }
0x19f: {  	_ =	swait.ge [sflag:s18], $0x4000  }
0x1a0: {  	[sflag:s18] =	ssyncset.done $0x0  }
0x1a1: {  	[sflag:s18] =	ssyncadd.s32 $0xFFFFC000  }
0x1a2: {  	[spmem:s3] =	stream.indirect.scatter.add.f32 [tilespmem:s13], [sflag:$0x3], $0x80, s23, s16, $0x2000b8;
	[tilespmem:$0x1D000] =	vst v63  }
0x1a3: {  	_ =	swait.ge [sflag:s19], $0x4000  }
0x1a4: {  	[sflag:s19] =	ssyncset.done $0x0  }
0x1a5: {  	[sflag:s19] =	ssyncadd.s32 $0xFFFFC000  }
0x1a6: {  	[tilespmem:s13], [sflag:$0x1] =	stream.indirect.gather [hbm4b:s2+s16], $0x80, s24, s16, $0x2000b8;
	[tilespmem:$0x1D000] =	vst v63  }
0x1a7: {  	_ =	swait.ge [sflag:s20], $0x4000  }
0x1a8: {  	[sflag:s20] =	ssyncset.done $0x0  }
0x1a9: {  	[sflag:s20] =	ssyncadd.s32 $0xFFFFC000  }
0x1aa: {  	[spmem:s3] =	stream.indirect.scatter.add.f32 [tilespmem:s17], [sflag:$0x4], $0x80, s25, s16, $0x2000b8;
	[tilespmem:$0x1D000] =	vst v63  }
0x1ab: {  	_ =	swait.ge [sflag:s21], $0x4000  }
0x1ac: {  	[sflag:s21] =	ssyncset.done $0x0  }
0x1ad: {  	[sflag:s21] =	ssyncadd.s32 $0xFFFFC000  }
0x1ae: {  	[tilespmem:s17], [sflag:$0x2] =	stream.indirect.gather [hbm4b:s2+s16], $0x80, s26, s16, $0x2000b8;
	[tilespmem:$0x1D000] =	vst v63  }
0x1af: {  	_ =	swait.ge [sflag:s18], $0x4000  }
0x1b0: {  	[sflag:s18] =	ssyncset.done $0x0  }
0x1b1: {  	[sflag:s18] =	ssyncadd.s32 $0xFFFFC000  }
0x1b2: {  	[spmem:s3] =	stream.indirect.scatter.add.f32 [tilespmem:s13], [sflag:$0x3], $0x80, s28, s16, $0x2000b8;
	[tilespmem:$0x1D000] =	vst v63  }
0x1b3: {  	_ =	swait.ge [sflag:s19], $0x4000  }
0x1b4: {  	[sflag:s19] =	ssyncset.done $0x0  }
0x1b5: {  	[sflag:s19] =	ssyncadd.s32 $0xFFFFC000  }
0x1b6: {  	[tilespmem:s13], [sflag:$0x1] =	stream.indirect.gather [hbm4b:s2+s16], $0x80, s29, s16, $0x2000b8;
	[tilespmem:$0x1D000] =	vst v63  }
0x1b7: {  	_ =	swait.ge [sflag:s20], $0x4000  }
0x1b8: {  	[sflag:s20] =	ssyncset.done $0x0  }
0x1b9: {  	[sflag:s20] =	ssyncadd.s32 $0xFFFFC000  }
0x1ba: {  	[spmem:s3] =	stream.indirect.scatter.add.f32 [tilespmem:s17], [sflag:$0x4], $0x80, s30, s16, $0x2000b8;
	[tilespmem:$0x1D000] =	vst v63  }
0x1bb: {  	_ =	swait.ge [sflag:s21], $0x4000  }
0x1bc: {  	[sflag:s21] =	ssyncset.done $0x0  }
0x1bd: {  	[sflag:s21] =	ssyncadd.s32 $0xFFFFC000  }
0x1be: {  	[tilespmem:s17], [sflag:$0x2] =	stream.indirect.gather [hbm4b:s2+s16], $0x80, s31, s16, $0x2000b8;
	[tilespmem:$0x1D000] =	vst v63  }
0x1bf: {  	_ =	swait.ge [sflag:s18], $0x4000  }
0x1c0: {  	[sflag:s18] =	ssyncset.done $0x0  }
0x1c1: {  	[sflag:s18] =	ssyncadd.s32 $0xFFFFC000  }
0x1c2: {  	[spmem:s3] =	stream.indirect.scatter.add.f32 [tilespmem:s13], [sflag:$0x3], $0x80, s1, s16, $0x2000b8;
	[tilespmem:$0x1D000] =	vst v63  }
0x1c3: {  	_ =	swait.ge [sflag:s19], $0x4000  }
0x1c4: {  	[sflag:s19] =	ssyncset.done $0x0  }
0x1c5: {  	[sflag:s19] =	ssyncadd.s32 $0xFFFFC000  }
0x1c6: {  	[tilespmem:s13], [sflag:$0x1] =	stream.indirect.gather [hbm4b:s2+s16], $0x80, s0, s16, $0x2000b8;
	[tilespmem:$0x1D000] =	vst v63  }
0x1c7: {  	_ =	swait.ge [sflag:s20], $0x4000  }
0x1c8: {  	[sflag:s20] =	ssyncset.done $0x0  }
0x1c9: {  	[sflag:s20] =	ssyncadd.s32 $0xFFFFC000  }
0x1ca: {  	[spmem:s3] =	stream.indirect.scatter.add.f32 [tilespmem:s17], [sflag:$0x4], $0x80, s5, s16, $0x2000b8;
	[tilespmem:$0x1D000] =	vst v63  }
0x1cb: {  	_ =	swait.ge [sflag:s21], $0x4000  }
0x1cc: {  	[sflag:s21] =	ssyncset.done $0x0  }
0x1cd: {  	[sflag:s21] =	ssyncadd.s32 $0xFFFFC000  }
0x1ce: {  	[tilespmem:s17], [sflag:$0x2] =	stream.indirect.gather [hbm4b:s2+s16], $0x80, s7, s16, $0x2000b8;
	[tilespmem:$0x1D000] =	vst v63  }
0x1cf: {  	_ =	swait.ge [sflag:s18], $0x4000  }
0x1d0: {  	[sflag:s18] =	ssyncset.done $0x0  }
0x1d1: {  	[sflag:s18] =	ssyncadd.s32 $0xFFFFC000  }
0x1d2: {  	[spmem:s3] =	stream.indirect.scatter.add.f32 [tilespmem:s13], [sflag:$0x3], $0x80, s8, s16, $0x2000b8;
	[tilespmem:$0x1D000] =	vst v63  }
0x1d3: {  	_ =	swait.ge [sflag:s20], $0x4000  }
0x1d4: {  	[sflag:s20] =	ssyncset.done $0x0  }
0x1d5: {  	[sflag:s20] =	ssyncadd.s32 $0xFFFFC000  }
0x1d6: {  	[spmem:s3] =	stream.indirect.scatter.add.f32 [tilespmem:s17], [sflag:$0x4], $0x80, s9, s16, $0x2000b8;
	[tilespmem:$0x1D000] =	vst v63  }
0x1d7: {  	_ =	swait.ge [sflag:s19], $0x4000  }
0x1d8: {  	[sflag:s19] =	ssyncset.done $0x0  }
0x1d9: {  	[sflag:s19] =	ssyncadd.s32 $0xFFFFC000  }
0x1da: {  	_ =	swait.ge [sflag:s21], $0x4000  }
0x1db: {  	[sflag:s21] =	ssyncset.done $0x0  }
0x1dc: {  	[sflag:s21] =	ssyncadd.s32 $0xFFFFC000  }
0x1dd: {  	[bflag:$0x0] =	sbarrier.arrive $0xFFFF  }
0x1de: {  	_ =	strace $0x9000004F  }
0x1df: {  	s12 =	stileid.u32;
	_ =	strace $0x80000050  }
0x1e0: {  	s6 =	sshll.u32 s12, $0x6;
	s11 =	rddreg [dreg:$0x15]  }
0x1e1: {  	s6 =	sor.u32 $0x1C05, s6;
	s12 =	rddreg [dreg:$0x1b];
	s10 =	sshrl.u32 s11, $0x3  }
0x1e2: {  	[hbm:s12], [sflag:s6] =	dma.local [spmem:s10], $0x2800  }
0x1e3: {  	_ =	swait.ge [sflag:s14], $0x2800  }
0x1e4: {  	s6 =	rddreg [dreg:$0x1c]  }
0x1e5: {  	s12 =	rddreg [dreg:$0x16];
	s10 =	sadd.s32 $0x1, s6  }
0x1e6: {  	p0 =	sne.s32 s10, s12  }
.Ltmp1:
0x1e7: {  	_ = 	snop;
	(pc) =	sbr.rel @p0 .LBB2_1-.Ltmp1, $4  }
0x1e8: {  	_ = 	snop  }
0x1e9: {  	[sflag:s14] =	ssyncset.done $0x0  }
0x1ea: {  	[sflag:s14] =	ssyncadd.s32 $0xFFFFD800  }
0x1eb: {  	_ =	strace $0x90000050  }
0x1ec: {  	_ =	sfence.sel $0x180000  }
0x1ed: {  	[bflag:$0x0] =	sbarrier.arrive $0xFFFF  }
0x1ee: {  	_ =	strace $0x9000004D  }
0x1ef: {  	s0 =	stileid.u32;
	[bflag:$0x2] =	sbarrier.arrive $0xFFFF  }
0x1f0: {  	p0 =	sne.s32 s0, $0x0;
	s0 =	rddreg [dreg:$0x3]  }
0x1f1: {  	s0 =	sadd.s32 @!p0 $0x100000, s0  }
0x1f2: {  	[sflag:s0] =	ssyncadd.tile.s32 @!p0 $0x1;
	_ =	shalt  }
.Lfunc_end2:
_tile_overlayer_lowered:
.L_overlay_start_2:
0x1f3: {  	(tag) =	ssettag $0x2  }
0x1f4: {  	s0 =	rddreg [dreg:$0x0];
	s2 =	stileid.u32  }
0x1f5: {  	s1 =	rddreg [dreg:$0x1];
	p0 =	sne.s32 s2, $0x0  }
0x1f6: {  	s3 =	rddreg [dreg:$0x2];
	[bflag:$0x3] =	sbarrier.arrive $0xFFFF;
	s2 =	simm.s32 @!p0 $0x1C05  }
0x1f7: {  	[timem:s3], [sflag:s2] =	dma.local @!p0 [hbm:s0], s1  }
0x1f8: {  	s0 =	simm.s32 @!p0 $0x5  }
0x1f9: {  	_ =	swait.ge @!p0 [sflag:s0], s1  }
0x1fa: {  	s1 =	ssub.s32 @!p0 $0x0, s1;
	[sflag:s0] =	ssyncset.done @!p0 $0x0  }
0x1fb: {  	[sflag:s0] =	ssyncadd.s32 @!p0 s1  }
0x1fc: {  	[bflag:$0x3] =	sbarrier.arrive $0xFFFF  }
0x1fd: {  	_ =	shalt  }

// kernel: kernel.7.cloned.1.call-start
scs
__scs_entry_jumppad:
0x0: {  	(pc) =	sbr.rel $0x88, $3  }
0x1: {  	(tag) =	ssettag $0x0;
	lr =	simm.s32 $0x1  }
0x2: {  	[smem:$0x3F93] =	sst lr;
	_ =	strace $0xD0000000  }
0x3: {  	_ = 	snop  }
0x4: {  	_ = 	snop  }
0x5: {  	_ = 	snop  }
0x6: {  	_ = 	snop  }
0x7: {  	_ = 	snop  }
__scs_overlays_trampoline_lowered:
0x8: {  	[smem:$0x3FA2] =	sst s0  }
0x9: {  	[smem:$0x3FA3] =	sst s1  }
0xa: {  	[smem:$0x3FA4] =	sst s2  }
0xb: {  	[smem:$0x3FA5] =	sst s3  }
0xc: {  	[smem:$0x3FA6] =	sst s4  }
0xd: {  	[smem:$0x3FA7] =	sst s5  }
0xe: {  	[smem:$0x3FA8] =	sst s6  }
0xf: {  	[smem:$0x3FA9] =	sst s7  }
0x10: {  	[smem:$0x3FAA] =	sst s8  }
0x11: {  	[smem:$0x3FAB] =	sst s9;
	s0 =	simm.s32 @!p0 $0x0  }
0x12: {  	s1 =	sld [smem:$0x3F91];
	s0 =	simm.s32 @p0 $0x1  }
0x13: {  	[smem:$0x3FAC] =	sst s0;
	s0 =	simm.s32 @!p1 $0x0  }
0x14: {  	s2 =	sld [smem:$0x3F90];
	s0 =	simm.s32 @p1 $0x1  }
0x15: {  	[smem:$0x3FAD] =	sst s0;
	s0 =	simm.s32 @!p2 $0x0  }
0x16: {  	s3 =	sld [smem:$0x3FDB];
	s0 =	simm.s32 @p2 $0x1  }
0x17: {  	s4 =	simm.s32 $0x1BF5;
	[smem:$0x3FAF] =	sst s0  }
0x18: {  	s0 =	sld [smem:$0x3F92];
	_ =	swait.ge [sflag:s4], $0x0  }
0x19: {  	s7 =	sld [smem:$0x3F93]  }
0x1a: {  	s8 =	sadd.s32 $0xFFFFE003, lr  }
0x1b: {  	s9 =	sadd.s32 $0xFFFFFEF7, lr;
	s5 =	simm.s32 $0xFFFFFFFF;
	p2 =	slt.u32 s8, $0xFFFFF086  }
0x1c: {  	p1 =	slt.u32 s9, $0xF7A;
	s5 =	simm.s32 @!p2 $0x0  }
0x1d: {  	s5 =	simm.s32 @p1 $0x1;
	p0 =	seq.s32 s7, s2  }
0x1e: {  	s7 =	smul.u32 @!p0 $0xF7A, s2;
	p2 =	seq.s32 @!p0 s5, $0x0  }
0x1f: {  	s9 =	smul.u32 $0xF7A, s1;
	s8 =	simm.s32 @!p0 $0x1BF5;
	p2 =	por !p2, p0  }
0x20: {  	[sflag:s8] =	ssyncset.s32 @!p0 $0xFFFFF086;
	s6 =	sadd.s32 @!p0 s3, s7;
	s7 =	simm.s32 @!p0 $0x108  }
0x21: {  	s3 =	sadd.s32 s3, s9;
	s6 =	sadd.s32 @!p0 $0x88, s6;
	s7 =	simm.s32 @p2 $0x1082  }
0x22: {  	[simem:s7], [sflag:s8] =	dma.local @!p0 [hbm:s6], $0xF7A  }
0x23: {  	s9 =	sor.u32 $0xD0000000, s2;
	s6 =	simm.s32 $0x108;
	_ =	swait.ge @!p0 [sflag:s8], $0x0  }
0x24: {  	s3 =	sadd.s32 $0x88, s3;
	s6 =	simm.s32 @!p1 $0x1082;
	[sflag:s4] =	ssyncset.s32 $0xFFFFF086  }
0x25: {  	[simem:s6], [sflag:s4] =	dma.local [hbm:s3], $0xF7A  }
0x26: {  	[smem:$0x3F93] =	sst s1;
	(tag) =	ssettag s2;
	_ =	strace s9  }
0x27: {  	s1 =	sld [smem:$0x3FA3]  }
0x28: {  	s2 =	sld [smem:$0x3FA4]  }
0x29: {  	s4 =	sld [smem:$0x3FA6]  }
0x2a: {  	p0 =	seq.s32 s5, $0x0;
	s5 =	sld [smem:$0x3FA7]  }
0x2b: {  	s6 =	sld [smem:$0x3FA8]  }
0x2c: {  	s7 =	sld [smem:$0x3FA9]  }
0x2d: {  	s3 =	simm.s32 $0x108;
	s8 =	sld [smem:$0x3FAA]  }
0x2e: {  	s3 =	simm.s32 @!p0 $0x1082;
	s9 =	sld [smem:$0x3FAB]  }
0x2f: {  	lr =	sadd.s32 s0, s3;
	s0 =	sld [smem:$0x3FA2]  }
0x30: {  	s3 =	sld [smem:$0x3FA5]  }
0x31: {  	[smem:$0x3FAE] =	sst s10  }
0x32: {  	s10 =	sld [smem:$0x3FAC];
	_ =	sdelay $0x3  }
0x33: {  	p0 =	seq.s32 s10, $0x1;
	s10 =	sld [smem:$0x3FAE];
	_ =	sdelay $0x3  }
0x34: {  	[smem:$0x3FAE] =	sst s10  }
0x35: {  	s10 =	sld [smem:$0x3FAD];
	_ =	sdelay $0x3  }
0x36: {  	p1 =	seq.s32 s10, $0x1;
	s10 =	sld [smem:$0x3FAE];
	_ =	sdelay $0x3  }
0x37: {  	[smem:$0x3FAE] =	sst s10  }
0x38: {  	s10 =	sld [smem:$0x3FAF]  }
0x39: {  	_ = 	snop;
	(pc) =	sbr.ind lr, $3  }
0x3a: {  	_ = 	snop  }
0x3b: {  	_ = 	snop  }
0x3c: {  	p2 =	seq.s32 s10, $0x1;
	s10 =	sld [smem:$0x3FAE]  }
0x3d: {  	_ =	shalt  }
0x3e: {  	_ =	shalt  }
0x3f: {  	_ =	shalt  }
0x40: {  	_ =	shalt  }
0x41: {  	_ =	shalt  }
0x42: {  	_ =	shalt  }
0x43: {  	_ =	shalt  }
0x44: {  	_ =	shalt  }
0x45: {  	_ =	shalt  }
0x46: {  	_ =	shalt  }
0x47: {  	_ =	shalt  }
0x48: {  	_ =	shalt  }
0x49: {  	_ =	shalt  }
0x4a: {  	_ =	shalt  }
0x4b: {  	_ =	shalt  }
0x4c: {  	_ =	shalt  }
0x4d: {  	_ =	shalt  }
0x4e: {  	_ =	shalt  }
0x4f: {  	_ =	shalt  }
0x50: {  	_ =	shalt  }
0x51: {  	_ =	shalt  }
0x52: {  	_ =	shalt  }
0x53: {  	_ =	shalt  }
0x54: {  	_ =	shalt  }
0x55: {  	_ =	shalt  }
0x56: {  	_ =	shalt  }
0x57: {  	_ =	shalt  }
0x58: {  	_ =	shalt  }
0x59: {  	_ =	shalt  }
0x5a: {  	_ =	shalt  }
0x5b: {  	_ =	shalt  }
0x5c: {  	_ =	shalt  }
0x5d: {  	_ =	shalt  }
0x5e: {  	_ =	shalt  }
0x5f: {  	_ =	shalt  }
0x60: {  	_ =	shalt  }
0x61: {  	_ =	shalt  }
0x62: {  	_ =	shalt  }
0x63: {  	_ =	shalt  }
0x64: {  	_ =	shalt  }
0x65: {  	_ =	shalt  }
0x66: {  	_ =	shalt  }
0x67: {  	_ =	shalt  }
0x68: {  	_ =	shalt  }
0x69: {  	_ =	shalt  }
0x6a: {  	_ =	shalt  }
0x6b: {  	_ =	shalt  }
0x6c: {  	_ =	shalt  }
0x6d: {  	_ =	shalt  }
0x6e: {  	_ =	shalt  }
0x6f: {  	_ =	shalt  }
0x70: {  	_ =	shalt  }
0x71: {  	_ =	shalt  }
0x72: {  	_ =	shalt  }
0x73: {  	_ =	shalt  }
0x74: {  	_ =	shalt  }
0x75: {  	_ =	shalt  }
0x76: {  	_ =	shalt  }
0x77: {  	_ =	shalt  }
0x78: {  	_ =	shalt  }
0x79: {  	_ =	shalt  }
0x7a: {  	_ =	shalt  }
0x7b: {  	_ =	shalt  }
0x7c: {  	_ =	shalt  }
0x7d: {  	_ =	shalt  }
0x7e: {  	_ =	shalt  }
0x7f: {  	_ =	shalt  }
0x80: {  	_ =	shalt  }
0x81: {  	_ =	shalt  }
0x82: {  	_ =	shalt  }
0x83: {  	_ =	shalt  }
0x84: {  	_ =	shalt  }
0x85: {  	_ =	shalt  }
0x86: {  	_ =	shalt  }
0x87: {  	_ =	shalt  }
.Lfunc_end0:
.L_simem_size_0:
called_computation_lowered:
.L_overlay_start_0:
0x88: {  	s2 =	sld [smem:$0x3FD9]  }
0x89: {  	s3 =	sld [smem:$0x3FFE];
	_ =	sdelay $0x1  }
0x8a: {  	s1 =	srdreg.scid  }
0x8b: {  	s0 =	sand.u32 $0x1, s1  }
0x8c: {  	s17 =	sshll.u32 s0, $0xA;
	s2 =	sadd.s32 s3, s2  }
0x8d: {  	s2 =	sadd.s32 s2, s17  }
0x8e: {  	[smem:$0x3FBA] =	sst s2  }
0x8f: {  	_ = 	snop  }
0x90: {  	s2 =	sld [smem:$0x3FD0];
	(tm) =	ssettm $0x1  }
0x91: {  	s18 =	sld [smem:$0x3FFB];
	_ =	sdelay $0x3  }
0x92: {  	_ =	strace s18  }
0x93: {  	s3 =	sld [smem:$0x3FFC];
	_ =	sdelay $0x3  }
0x94: {  	_ =	strace s3  }
0x95: {  	s3 =	sld [smem:$0x3FFD];
	_ =	sdelay $0x3  }
0x96: {  	_ =	strace s3  }
0x97: {  	_ =	strace $0x8FFFFFFF  }
0x98: {  	s19 =	sld [smem:$0x3FDB];
	_ =	sdelay $0x1  }
0x99: {  	s4 =	simm.s32 $_scs_section_size  }
0x9a: {  	s5 =	simm.s32 $_size__tile_overlayer_lowered;
	s6 =	simm.s32 $_tile_overlayer_lowered  }
0x9b: {  	s22 =	simm.s32 $0x1BFF;
	s21 =	sshll.u32 s6, $0x1;
	s3 =	sadd.s32 s4, s19  }
0x9c: {  	s7 =	simm.s32 $0x0;
	s20 =	sshll.u32 s5, $0x1;
	s5 =	sadd.s32 s21, s3  }
0x9d: {  	[timem:s7], [sflag:s22] =	dma.local [hbm:s5], s20  }
0x9e: {  	_ =	swait.ge [sflag:s22], s20  }
0x9f: {  	s4 =	ssub.s32 $0x0, s20;
	[sflag:s22] =	ssyncset.done $0x0  }
0xa0: {  	[sflag:s22] =	ssyncadd.s32 s4;
	_ =	sdelay $0x1  }
0xa1: {  	s23 =	simm.s32 $0x1B8B  }
0xa2: {  	_ =	swait.ge [sflag:s23], $0x1  }
0xa3: {  	[sflag:s23] =	ssyncset.done $0x0  }
0xa4: {  	s25 =	simm.s32 $0x1B8E;
	s24 =	sld [smem:$0x3FFE];
	[sflag:s23] =	ssyncadd.s32 $0xFFFFFFFF  }
0xa5: {  	s26 =	simm.s32 $execute0_lowered;
	[smem:$0x3FD2] =	sst s25  }
0xa6: {  	s5 =	sshll.u32 s26, $0x1;
	_ =	strace $0x80000046;
	[dreg:$0x1] =	wrdreg $0xFFFFFFFF  }
0xa7: {  	s28 =	simm.s32 $_size_execute0_lowered;
	s3 =	sadd.s32 s3, s5;
	[dreg:$0x0] =	wrdreg $0x0  }
0xa8: {  	s5 =	sshll.u32 s28, $0x1;
	[dreg:$0x2] =	wrdreg s3  }
0xa9: {  	[dreg:$0x3] =	wrdreg s5  }
0xaa: {  	[dreg:$0x4] =	wrdreg $0xC0  }
0xab: {  	_ =	task [dreg:s7], $0x5FFFF  }
0xac: {  	[dreg:$0x1] =	wrdreg $0xFFFFFFFF  }
0xad: {  	[dreg:$0x0] =	wrdreg $0x60  }
0xae: {  	[dreg:$0x2] =	wrdreg s2  }
0xaf: {  	[dreg:$0x3] =	wrdreg s24  }
0xb0: {  	[dreg:$0x4] =	wrdreg $0x90000  }
0xb1: {  	[dreg:$0x5] =	wrdreg $0x9  }
0xb2: {  	_ =	task.clear_ibuf [dreg:s7], $0x6FFFF;
	_ =	strace $0x90000046  }
0xb3: {  	s29 =	simm.s32 $0x9;
	_ =	strace $0x8000004B  }
0xb4: {  	_ =	swait.ge [sflag:s29], $0x1  }
0xb5: {  	[sflag:s29] =	ssyncadd.s32 $0xFFFFFFFF  }
0xb6: {  	_ =	strace $0x9000004B  }
0xb7: {  	_ =	sfence  }
0xb8: {  	s30 =	sld [smem:$0x0];
	_ =	sdelay $0x2  }
0xb9: {  	s31 =	sshll.u32 s1, $0xD;
	s1 =	sshrl.u32 s1, $0x2  }
0xba: {  	s3 =	sand.u32 $0x4000, s31;
	s1 =	sadd.s32 s1, s30  }
0xbb: {  	s0 =	sor.u32 s3, s0;
	s1 =	sshll.u32 s1, $0x11  }
0xbc: {  	s0 =	sor.u32 s1, s0  }
0xbd: {  	s0 =	sadd.s32 $0x8F2B, s0  }
0xbe: {  	[sflag:s0] =	ssyncadd.remote.s32 $0x1  }
0xbf: {  	_ =	sfence.sel $0xFFFF  }
0xc0: {  	[dreg:$0x0] =	wrdreg $0xFFFFFFFF;
	(pc) =	sbr.abs _section_cstart, $3  }
0xc1: {  	[dreg:$0x1] =	wrdreg $0xFFFFFFFF  }
0xc2: {  	_ =	task.clear_ibuf [dreg:s7], $0x2FFFF;
	_ =	strace $0x9FFFFFFF  }
0xc3: {  	(tm) =	ssettm $0x7FFFFFFF  }
tec
execute0_lowered:
.L_overlay_start_1:
0x0: {  	(tag) =	ssettag $0x1  }
0x1: {  	s2 =	rddreg [dreg:$0x0]  }
0x2: {  	s0 =	srdreg.scid;
	s5 =	rddreg [dreg:$0x1]  }
0x3: {  	s7 =	stileid.u32;
	s3 =	rddreg [dreg:$0x2];
	s4 =	simm.s32 $0x0  }
0x4: {  	s12 =	simm.s32 $0x100;
	s14 =	simm.s32 $0x880;
	s15 =	simm.s32 $0x180  }
0x5: {  	s16 =	simm.s32 $0x900;
	[smem:$0x7FF] =	sst s4;
	s9 =	sadd.s32 $0x17400, s5  }
0x6: {  	s17 =	simm.s32 $0x200;
	_ =	strace $0x80000047;
	[dreg:$0x14] =	wrdreg s9  }
0x7: {  	s18 =	simm.s32 $0x980;
	s19 =	simm.s32 $0x280;
	[dreg:$0x6] =	wrdreg s12  }
0x8: {  	s20 =	simm.s32 $0xA00;
	s21 =	simm.s32 $0x300;
	[dreg:$0x7] =	wrdreg s14  }
0x9: {  	s22 =	simm.s32 $0xA80;
	s23 =	simm.s32 $0x380;
	[dreg:$0x8] =	wrdreg s15  }
0xa: {  	s24 =	simm.s32 $0xB00;
	s28 =	simm.s32 $0xD00;
	[dreg:$0x9] =	wrdreg s16  }
0xb: {  	s29 =	simm.s32 $0x600;
	s30 =	simm.s32 $0xD80;
	[dreg:$0xa] =	wrdreg s17  }
0xc: {  	s31 =	simm.s32 $0x680;
	s1 =	smul.u32 $0x2800, s7;
	[dreg:$0xb] =	wrdreg s18  }
0xd: {  	s0 =	sand.u32 $0x1, s0;
	s7 =	smul.u32 $0x50000, s7;
	[dreg:$0xc] =	wrdreg s19  }
0xe: {  	s6 =	smul.u32 $0x28000, s0;
	s8 =	ssub.s32 $0x2, s0;
	[dreg:$0xd] =	wrdreg s20  }
0xf: {  	p0 =	seq.s32 s0, $0x1;
	s14 =	simm.s32 $0x5;
	[dreg:$0xe] =	wrdreg s21  }
0x10: {  	s15 =	simm.s32 $0x800;
	s16 =	simm.s32 $0x80;
	[dreg:$0xf] =	wrdreg s22  }
0x11: {  	s17 =	simm.s32 $0x5000;
	s18 =	simm.s32 $0x1;
	[dreg:$0x10] =	wrdreg s23  }
0x12: {  	s19 =	simm.s32 $0x3;
	[dreg:$0x11] =	wrdreg s24;
	s20 =	simm.s32 $0x2  }
0x13: {  	s21 =	simm.s32 $0x4;
	s22 =	simm.s32 $0x480;
	s23 =	simm.s32 $0xC00  }
0x14: {  	s24 =	simm.s32 $0x500;
	s0 =	simm.s32 $0x700;
	s25 =	sshrl.u32 s8, $0x1  }
0x15: {  	s7 =	sshrl.u32 s7, $0x2;
	s8 =	ssub.s32 s8, s25;
	s25 =	simm.s32 $0x400  }
0x16: {  	s6 =	sadd.s32 s1, s6;
	s11 =	sadd.s32 s7, s3;
	[dreg:$0x12] =	wrdreg s25  }
0x17: {  	s6 =	sshrl.u32 s6, $0x3;
	s26 =	smax.u32 s8, $0x1;
	[dreg:$0x15] =	wrdreg s11  }
0x18: {  	s7 =	sadd.s32 $0x4000, s11;
	s10 =	sadd.s32 $0xC000, s11;
	[dreg:$0x16] =	wrdreg s26  }
0x19: {  	s13 =	sadd.s32 $0x10000, s11;
	s25 =	simm.s32 $0xC80;
	[dreg:$0x17] =	wrdreg s7  }
0x1a: {  	s6 =	sadd.s32 s6, s5;
	s7 =	sadd.s32 $0x8000, s11;
	[dreg:$0x19] =	wrdreg s10  }
0x1b: {  	[dreg:$0x1a] =	wrdreg s13;
	s13 =	simm.s32 $0x1000;
	s26 =	simm.s32 $0xB80  }
0x1c: {  	s10 =	simm.s32 $0x0;
	s8 =	sadd.s32 $0xD400, s6;
	[dreg:$0x18] =	wrdreg s7  }
0x1d: {  	s9 =	sadd.s32 $0x3400, s6;
	s6 =	simm.s32 $0x3FC00;
	[dreg:$0x13] =	wrdreg s26  }
0x1e: {  	s26 =	simm.s32 $0x580;
	[dreg:$0x4] =	wrdreg s8;
	s6 =	simm.s32 @!p0 $0x17C00  }
0x1f: {  	s7 =	simm.s32 $0x780;
	[dreg:$0x5] =	wrdreg s9;
	s5 =	sadd.s32 s6, s5  }
0x20: {  	s8 =	simm.s32 $0xF00;
	s9 =	simm.s32 $0xF80;
	s1 =	sadd.s32 s5, s1  }
0x21: {  	s5 =	simm.s32 $0xE80;
	[dreg:$0x1b] =	wrdreg s1;
	s1 =	simm.s32 $0xE00  }
.LBB2_1:
0x22: {  	[dreg:$0x1c] =	wrdreg s10  }
0x23: {  	_ =	strace $0x80000048  }
0x24: {  	s6 =	rddreg [dreg:$0x14]  }
0x25: {  	[tilespmem:s13], [sflag:$0x5] =	stream.linear.gather [hbm4b:s6+s4], $0x4000, $0x200038;
	[tilespmem:$0x1D000] =	vst v63  }
0x26: {  	_ =	swait.ge [sflag:s14], $0x4000  }
0x27: {  	[sflag:s14] =	ssyncset.done $0x0  }
0x28: {  	[sflag:s14] =	ssyncadd.s32 $0xFFFFC000  }
0x29: {  	[spmem:s11] =	stream.linear.scatter [tilespmem:s13], [sflag:$0x5], $0x4000, $0x200038;
	[tilespmem:$0x1D000] =	vst v63  }
0x2a: {  	_ =	swait.ge [sflag:s14], $0x4000  }
0x2b: {  	[sflag:s14] =	ssyncset.done $0x0  }
0x2c: {  	s11 =	rddreg [dreg:$0x17];
	[sflag:s14] =	ssyncadd.s32 $0xFFFFC000  }
0x2d: {  	[spmem:s11] =	stream.linear.scatter [tilespmem:s13], [sflag:$0x5], $0x4000, $0x200038;
	[tilespmem:$0x1D000] =	vst v63  }
0x2e: {  	_ =	swait.ge [sflag:s14], $0x4000  }
0x2f: {  	[sflag:s14] =	ssyncset.done $0x0  }
0x30: {  	s12 =	rddreg [dreg:$0x18];
	[sflag:s14] =	ssyncadd.s32 $0xFFFFC000  }
0x31: {  	[spmem:s12] =	stream.linear.scatter [tilespmem:s13], [sflag:$0x5], $0x4000, $0x200038;
	[tilespmem:$0x1D000] =	vst v63  }
0x32: {  	_ =	swait.ge [sflag:s14], $0x4000  }
0x33: {  	[sflag:s14] =	ssyncset.done $0x0  }
0x34: {  	s10 =	rddreg [dreg:$0x19];
	[sflag:s14] =	ssyncadd.s32 $0xFFFFC000  }
0x35: {  	[spmem:s10] =	stream.linear.scatter [tilespmem:s13], [sflag:$0x5], $0x4000, $0x200038;
	[tilespmem:$0x1D000] =	vst v63  }
0x36: {  	_ =	swait.ge [sflag:s14], $0x4000  }
0x37: {  	[sflag:s14] =	ssyncset.done $0x0  }
0x38: {  	s11 =	rddreg [dreg:$0x1a];
	[sflag:s14] =	ssyncadd.s32 $0xFFFFC000  }
0x39: {  	[spmem:s11] =	stream.linear.scatter [tilespmem:s13], [sflag:$0x5], $0x4000, $0x200038;
	[tilespmem:$0x1D000] =	vst v63  }
0x3a: {  	_ =	swait.ge [sflag:s14], $0x4000  }
0x3b: {  	[sflag:s14] =	ssyncset.done $0x0  }
0x3c: {  	[sflag:s14] =	ssyncadd.s32 $0xFFFFC000  }
0x3d: {  	[bflag:$0x0] =	sbarrier.arrive $0xFFFF  }
0x3e: {  	_ =	strace $0x90000048  }
0x3f: {  	_ =	strace $0x80000049  }
0x40: {  	s12 =	rddreg [dreg:$0x5]  }
0x41: {  	s6 =	sadd.s32 $0x0, s12  }
0x42: {  	[tilespmem:s4], [sflag:$0x5] =	stream.linear.gather [hbm4b:s6+s4], $0x800, $0x200038;
	[tilespmem:$0x1D000] =	vst v63  }
0x43: {  	_ =	swait.ge [sflag:s14], $0x800  }
0x44: {  	s10 =	rddreg [dreg:$0x4];
	[sflag:s14] =	ssyncset.done $0x0  }
0x45: {  	[sflag:s14] =	ssyncadd.s32 $0xFFFFF800;
	s6 =	sadd.s32 $0x0, s10  }
0x46: {  	[tilespmem:s15], [sflag:$0x5] =	stream.linear.gather [hbm4b:s6+s4], $0x800, $0x200038;
	[tilespmem:$0x1D000] =	vst v63  }
0x47: {  	_ =	swait.ge [sflag:s14], $0x800  }
0x48: {  	[sflag:s14] =	ssyncset.done $0x0  }
0x49: {  	[sflag:s14] =	ssyncadd.s32 $0xFFFFF800  }
0x4a: {  	[tilespmem:s13], [sflag:$0x1] =	stream.indirect.gather [hbm4b:s2+s16], $0x80, s4, s16, $0x2000b8;
	[tilespmem:$0x1D000] =	vst v63  }
0x4b: {  	_ = 	snop  }
0x4c: {  	[tilespmem:s17], [sflag:$0x2] =	stream.indirect.gather [hbm4b:s2+s16], $0x80, s16, s16, $0x2000b8;
	[tilespmem:$0x1D000] =	vst v63  }
0x4d: {  	_ =	swait.ge [sflag:s18], $0x4000  }
0x4e: {  	[sflag:s18] =	ssyncset.done $0x0  }
0x4f: {  	[sflag:s18] =	ssyncadd.s32 $0xFFFFC000  }
0x50: {  	[spmem:s3] =	stream.indirect.scatter.add.f32 [tilespmem:s13], [sflag:$0x3], $0x80, s15, s16, $0x2000b8;
	[tilespmem:$0x1D000] =	vst v63  }
0x51: {  	_ =	swait.ge [sflag:s19], $0x4000  }
0x52: {  	[sflag:s19] =	ssyncset.done $0x0  }
0x53: {  	s11 =	rddreg [dreg:$0x6];
	[sflag:s19] =	ssyncadd.s32 $0xFFFFC000  }
0x54: {  	[tilespmem:s13], [sflag:$0x1] =	stream.indirect.gather [hbm4b:s2+s16], $0x80, s11, s16, $0x2000b8;
	[tilespmem:$0x1D000] =	vst v63  }
0x55: {  	_ =	swait.ge [sflag:s20], $0x4000  }
0x56: {  	[sflag:s20] =	ssyncset.done $0x0  }
0x57: {  	s12 =	rddreg [dreg:$0x7];
	[sflag:s20] =	ssyncadd.s32 $0xFFFFC000  }
0x58: {  	[spmem:s3] =	stream.indirect.scatter.add.f32 [tilespmem:s17], [sflag:$0x4], $0x80, s12, s16, $0x2000b8;
	[tilespmem:$0x1D000] =	vst v63  }
0x59: {  	_ =	swait.ge [sflag:s21], $0x4000  }
0x5a: {  	[sflag:s21] =	ssyncset.done $0x0  }
0x5b: {  	s10 =	rddreg [dreg:$0x8];
	[sflag:s21] =	ssyncadd.s32 $0xFFFFC000  }
0x5c: {  	[tilespmem:s17], [sflag:$0x2] =	stream.indirect.gather [hbm4b:s2+s16], $0x80, s10, s16, $0x2000b8;
	[tilespmem:$0x1D000] =	vst v63  }
0x5d: {  	_ =	swait.ge [sflag:s18], $0x4000  }
0x5e: {  	[sflag:s18] =	ssyncset.done $0x0  }
0x5f: {  	s11 =	rddreg [dreg:$0x9];
	[sflag:s18] =	ssyncadd.s32 $0xFFFFC000  }
0x60: {  	[spmem:s3] =	stream.indirect.scatter.add.f32 [tilespmem:s13], [sflag:$0x3], $0x80, s11, s16, $0x2000b8;
	[tilespmem:$0x1D000] =	vst v63  }
0x61: {  	_ =	swait.ge [sflag:s19], $0x4000  }
0x62: {  	[sflag:s19] =	ssyncset.done $0x0  }
0x63: {  	s12 =	rddreg [dreg:$0xa];
	[sflag:s19] =	ssyncadd.s32 $0xFFFFC000  }
0x64: {  	[tilespmem:s13], [sflag:$0x1] =	stream.indirect.gather [hbm4b:s2+s16], $0x80, s12, s16, $0x2000b8;
	[tilespmem:$0x1D000] =	vst v63  }
0x65: {  	_ =	swait.ge [sflag:s20], $0x4000  }
0x66: {  	[sflag:s20] =	ssyncset.done $0x0  }
0x67: {  	s10 =	rddreg [dreg:$0xb];
	[sflag:s20] =	ssyncadd.s32 $0xFFFFC000  }
0x68: {  	[spmem:s3] =	stream.indirect.scatter.add.f32 [tilespmem:s17], [sflag:$0x4], $0x80, s10, s16, $0x2000b8;
	[tilespmem:$0x1D000] =	vst v63  }
0x69: {  	_ =	swait.ge [sflag:s21], $0x4000  }
0x6a: {  	[sflag:s21] =	ssyncset.done $0x0  }
0x6b: {  	s11 =	rddreg [dreg:$0xc];
	[sflag:s21] =	ssyncadd.s32 $0xFFFFC000  }
0x6c: {  	[tilespmem:s17], [sflag:$0x2] =	stream.indirect.gather [hbm4b:s2+s16], $0x80, s11, s16, $0x2000b8;
	[tilespmem:$0x1D000] =	vst v63  }
0x6d: {  	_ =	swait.ge [sflag:s18], $0x4000  }
0x6e: {  	[sflag:s18] =	ssyncset.done $0x0  }
0x6f: {  	s12 =	rddreg [dreg:$0xd];
	[sflag:s18] =	ssyncadd.s32 $0xFFFFC000  }
0x70: {  	[spmem:s3] =	stream.indirect.scatter.add.f32 [tilespmem:s13], [sflag:$0x3], $0x80, s12, s16, $0x2000b8;
	[tilespmem:$0x1D000] =	vst v63  }
0x71: {  	_ =	swait.ge [sflag:s19], $0x4000  }
0x72: {  	[sflag:s19] =	ssyncset.done $0x0  }
0x73: {  	s10 =	rddreg [dreg:$0xe];
	[sflag:s19] =	ssyncadd.s32 $0xFFFFC000  }
0x74: {  	[tilespmem:s13], [sflag:$0x1] =	stream.indirect.gather [hbm4b:s2+s16], $0x80, s10, s16, $0x2000b8;
	[tilespmem:$0x1D000] =	vst v63  }
0x75: {  	_ =	swait.ge [sflag:s20], $0x4000  }
0x76: {  	[sflag:s20] =	ssyncset.done $0x0  }
0x77: {  	s11 =	rddreg [dreg:$0xf];
	[sflag:s20] =	ssyncadd.s32 $0xFFFFC000  }
0x78: {  	[spmem:s3] =	stream.indirect.scatter.add.f32 [tilespmem:s17], [sflag:$0x4], $0x80, s11, s16, $0x2000b8;
	[tilespmem:$0x1D000] =	vst v63  }
0x79: {  	_ =	swait.ge [sflag:s21], $0x4000  }
0x7a: {  	[sflag:s21] =	ssyncset.done $0x0  }
0x7b: {  	s12 =	rddreg [dreg:$0x10];
	[sflag:s21] =	ssyncadd.s32 $0xFFFFC000  }
0x7c: {  	[tilespmem:s17], [sflag:$0x2] =	stream.indirect.gather [hbm4b:s2+s16], $0x80, s12, s16, $0x2000b8;
	[tilespmem:$0x1D000] =	vst v63  }
0x7d: {  	_ =	swait.ge [sflag:s18], $0x4000  }
0x7e: {  	[sflag:s18] =	ssyncset.done $0x0  }
0x7f: {  	s10 =	rddreg [dreg:$0x11];
	[sflag:s18] =	ssyncadd.s32 $0xFFFFC000  }
0x80: {  	[spmem:s3] =	stream.indirect.scatter.add.f32 [tilespmem:s13], [sflag:$0x3], $0x80, s10, s16, $0x2000b8;
	[tilespmem:$0x1D000] =	vst v63  }
0x81: {  	_ =	swait.ge [sflag:s19], $0x4000  }
0x82: {  	[sflag:s19] =	ssyncset.done $0x0  }
0x83: {  	s11 =	rddreg [dreg:$0x12];
	[sflag:s19] =	ssyncadd.s32 $0xFFFFC000  }
0x84: {  	[tilespmem:s13], [sflag:$0x1] =	stream.indirect.gather [hbm4b:s2+s16], $0x80, s11, s16, $0x2000b8;
	[tilespmem:$0x1D000] =	vst v63  }
0x85: {  	_ =	swait.ge [sflag:s20], $0x4000  }
0x86: {  	[sflag:s20] =	ssyncset.done $0x0  }
0x87: {  	s12 =	rddreg [dreg:$0x13];
	[sflag:s20] =	ssyncadd.s32 $0xFFFFC000  }
0x88: {  	[spmem:s3] =	stream.indirect.scatter.add.f32 [tilespmem:s17], [sflag:$0x4], $0x80, s12, s16, $0x2000b8;
	[tilespmem:$0x1D000] =	vst v63  }
0x89: {  	_ =	swait.ge [sflag:s21], $0x4000  }
0x8a: {  	[sflag:s21] =	ssyncset.done $0x0  }
0x8b: {  	[sflag:s21] =	ssyncadd.s32 $0xFFFFC000  }
0x8c: {  	[tilespmem:s17], [sflag:$0x2] =	stream.indirect.gather [hbm4b:s2+s16], $0x80, s22, s16, $0x2000b8;
	[tilespmem:$0x1D000] =	vst v63  }
0x8d: {  	_ =	swait.ge [sflag:s18], $0x4000  }
0x8e: {  	[sflag:s18] =	ssyncset.done $0x0  }
0x8f: {  	[sflag:s18] =	ssyncadd.s32 $0xFFFFC000  }
0x90: {  	[spmem:s3] =	stream.indirect.scatter.add.f32 [tilespmem:s13], [sflag:$0x3], $0x80, s23, s16, $0x2000b8;
	[tilespmem:$0x1D000] =	vst v63  }
0x91: {  	_ =	swait.ge [sflag:s19], $0x4000  }
0x92: {  	[sflag:s19] =	ssyncset.done $0x0  }
0x93: {  	[sflag:s19] =	ssyncadd.s32 $0xFFFFC000  }
0x94: {  	[tilespmem:s13], [sflag:$0x1] =	stream.indirect.gather [hbm4b:s2+s16], $0x80, s24, s16, $0x2000b8;
	[tilespmem:$0x1D000] =	vst v63  }
0x95: {  	_ =	swait.ge [sflag:s20], $0x4000  }
0x96: {  	[sflag:s20] =	ssyncset.done $0x0  }
0x97: {  	[sflag:s20] =	ssyncadd.s32 $0xFFFFC000  }
0x98: {  	[spmem:s3] =	stream.indirect.scatter.add.f32 [tilespmem:s17], [sflag:$0x4], $0x80, s25, s16, $0x2000b8;
	[tilespmem:$0x1D000] =	vst v63  }
0x99: {  	_ =	swait.ge [sflag:s21], $0x4000  }
0x9a: {  	[sflag:s21] =	ssyncset.done $0x0  }
0x9b: {  	[sflag:s21] =	ssyncadd.s32 $0xFFFFC000  }
0x9c: {  	[tilespmem:s17], [sflag:$0x2] =	stream.indirect.gather [hbm4b:s2+s16], $0x80, s26, s16, $0x2000b8;
	[tilespmem:$0x1D000] =	vst v63  }
0x9d: {  	_ =	swait.ge [sflag:s18], $0x4000  }
0x9e: {  	[sflag:s18] =	ssyncset.done $0x0  }
0x9f: {  	[sflag:s18] =	ssyncadd.s32 $0xFFFFC000  }
0xa0: {  	[spmem:s3] =	stream.indirect.scatter.add.f32 [tilespmem:s13], [sflag:$0x3], $0x80, s28, s16, $0x2000b8;
	[tilespmem:$0x1D000] =	vst v63  }
0xa1: {  	_ =	swait.ge [sflag:s19], $0x4000  }
0xa2: {  	[sflag:s19] =	ssyncset.done $0x0  }
0xa3: {  	[sflag:s19] =	ssyncadd.s32 $0xFFFFC000  }
0xa4: {  	[tilespmem:s13], [sflag:$0x1] =	stream.indirect.gather [hbm4b:s2+s16], $0x80, s29, s16, $0x2000b8;
	[tilespmem:$0x1D000] =	vst v63  }
0xa5: {  	_ =	swait.ge [sflag:s20], $0x4000  }
0xa6: {  	[sflag:s20] =	ssyncset.done $0x0  }
0xa7: {  	[sflag:s20] =	ssyncadd.s32 $0xFFFFC000  }
0xa8: {  	[spmem:s3] =	stream.indirect.scatter.add.f32 [tilespmem:s17], [sflag:$0x4], $0x80, s30, s16, $0x2000b8;
	[tilespmem:$0x1D000] =	vst v63  }
0xa9: {  	_ =	swait.ge [sflag:s21], $0x4000  }
0xaa: {  	[sflag:s21] =	ssyncset.done $0x0  }
0xab: {  	[sflag:s21] =	ssyncadd.s32 $0xFFFFC000  }
0xac: {  	[tilespmem:s17], [sflag:$0x2] =	stream.indirect.gather [hbm4b:s2+s16], $0x80, s31, s16, $0x2000b8;
	[tilespmem:$0x1D000] =	vst v63  }
0xad: {  	_ =	swait.ge [sflag:s18], $0x4000  }
0xae: {  	[sflag:s18] =	ssyncset.done $0x0  }
0xaf: {  	[sflag:s18] =	ssyncadd.s32 $0xFFFFC000  }
0xb0: {  	[spmem:s3] =	stream.indirect.scatter.add.f32 [tilespmem:s13], [sflag:$0x3], $0x80, s1, s16, $0x2000b8;
	[tilespmem:$0x1D000] =	vst v63  }
0xb1: {  	_ =	swait.ge [sflag:s19], $0x4000  }
0xb2: {  	[sflag:s19] =	ssyncset.done $0x0  }
0xb3: {  	[sflag:s19] =	ssyncadd.s32 $0xFFFFC000  }
0xb4: {  	[tilespmem:s13], [sflag:$0x1] =	stream.indirect.gather [hbm4b:s2+s16], $0x80, s0, s16, $0x2000b8;
	[tilespmem:$0x1D000] =	vst v63  }
0xb5: {  	_ =	swait.ge [sflag:s20], $0x4000  }
0xb6: {  	[sflag:s20] =	ssyncset.done $0x0  }
0xb7: {  	[sflag:s20] =	ssyncadd.s32 $0xFFFFC000  }
0xb8: {  	[spmem:s3] =	stream.indirect.scatter.add.f32 [tilespmem:s17], [sflag:$0x4], $0x80, s5, s16, $0x2000b8;
	[tilespmem:$0x1D000] =	vst v63  }
0xb9: {  	_ =	swait.ge [sflag:s21], $0x4000  }
0xba: {  	[sflag:s21] =	ssyncset.done $0x0  }
0xbb: {  	[sflag:s21] =	ssyncadd.s32 $0xFFFFC000  }
0xbc: {  	[tilespmem:s17], [sflag:$0x2] =	stream.indirect.gather [hbm4b:s2+s16], $0x80, s7, s16, $0x2000b8;
	[tilespmem:$0x1D000] =	vst v63  }
0xbd: {  	_ =	swait.ge [sflag:s18], $0x4000  }
0xbe: {  	[sflag:s18] =	ssyncset.done $0x0  }
0xbf: {  	[sflag:s18] =	ssyncadd.s32 $0xFFFFC000  }
0xc0: {  	[spmem:s3] =	stream.indirect.scatter.add.f32 [tilespmem:s13], [sflag:$0x3], $0x80, s8, s16, $0x2000b8;
	[tilespmem:$0x1D000] =	vst v63  }
0xc1: {  	_ =	swait.ge [sflag:s20], $0x4000  }
0xc2: {  	[sflag:s20] =	ssyncset.done $0x0  }
0xc3: {  	[sflag:s20] =	ssyncadd.s32 $0xFFFFC000  }
0xc4: {  	[spmem:s3] =	stream.indirect.scatter.add.f32 [tilespmem:s17], [sflag:$0x4], $0x80, s9, s16, $0x2000b8;
	[tilespmem:$0x1D000] =	vst v63  }
0xc5: {  	_ =	swait.ge [sflag:s19], $0x4000  }
0xc6: {  	[sflag:s19] =	ssyncset.done $0x0  }
0xc7: {  	[sflag:s19] =	ssyncadd.s32 $0xFFFFC000  }
0xc8: {  	s11 =	simm.s32 $0x100;
	_ =	swait.ge [sflag:s21], $0x4000  }
0xc9: {  	s12 =	simm.s32 $0x200;
	s6 =	rddreg [dreg:$0x5];
	[sflag:s21] =	ssyncset.done $0x0  }
.LBB2_2:
0xca: {  	[sflag:s21] =	ssyncadd.s32 $0xFFFFC000;
	s6 =	sadd.s32 s11, s6  }
0xcb: {  	[tilespmem:s4], [sflag:$0x5] =	stream.linear.gather [hbm4b:s6+s4], $0x800, $0x200038;
	[tilespmem:$0x1D000] =	vst v63  }
0xcc: {  	_ =	swait.ge [sflag:s14], $0x800  }
0xcd: {  	s6 =	rddreg [dreg:$0x4];
	[sflag:s14] =	ssyncset.done $0x0  }
0xce: {  	[sflag:s14] =	ssyncadd.s32 $0xFFFFF800;
	s6 =	sadd.s32 s11, s6  }
0xcf: {  	[tilespmem:s15], [sflag:$0x5] =	stream.linear.gather [hbm4b:s6+s4], $0x800, $0x200038;
	[tilespmem:$0x1D000] =	vst v63  }
0xd0: {  	_ =	swait.ge [sflag:s14], $0x800  }
0xd1: {  	[sflag:s14] =	ssyncset.done $0x0  }
0xd2: {  	[sflag:s14] =	ssyncadd.s32 $0xFFFFF800  }
0xd3: {  	[tilespmem:s13], [sflag:$0x1] =	stream.indirect.gather [hbm4b:s2+s16], $0x80, s4, s16, $0x2000b8;
	[tilespmem:$0x1D000] =	vst v63  }
0xd4: {  	_ = 	snop  }
0xd5: {  	[tilespmem:s17], [sflag:$0x2] =	stream.indirect.gather [hbm4b:s2+s16], $0x80, s16, s16, $0x2000b8;
	[tilespmem:$0x1D000] =	vst v63  }
0xd6: {  	_ =	swait.ge [sflag:s18], $0x4000  }
0xd7: {  	[sflag:s18] =	ssyncset.done $0x0  }
0xd8: {  	[sflag:s18] =	ssyncadd.s32 $0xFFFFC000  }
0xd9: {  	[spmem:s3] =	stream.indirect.scatter.add.f32 [tilespmem:s13], [sflag:$0x3], $0x80, s15, s16, $0x2000b8;
	[tilespmem:$0x1D000] =	vst v63  }
0xda: {  	_ =	swait.ge [sflag:s19], $0x4000  }
0xdb: {  	s10 =	smov.u32 s12;
	[sflag:s19] =	ssyncset.done $0x0  }
0xdc: {  	s11 =	smov.u32 s10;
	s10 =	rddreg [dreg:$0x6];
	[sflag:s19] =	ssyncadd.s32 $0xFFFFC000  }
0xdd: {  	[tilespmem:s13], [sflag:$0x1] =	stream.indirect.gather [hbm4b:s2+s16], $0x80, s10, s16, $0x2000b8;
	[tilespmem:$0x1D000] =	vst v63  }
0xde: {  	_ =	swait.ge [sflag:s20], $0x4000  }
0xdf: {  	[sflag:s20] =	ssyncset.done $0x0  }
0xe0: {  	s10 =	rddreg [dreg:$0x7];
	[sflag:s20] =	ssyncadd.s32 $0xFFFFC000  }
0xe1: {  	[spmem:s3] =	stream.indirect.scatter.add.f32 [tilespmem:s17], [sflag:$0x4], $0x80, s10, s16, $0x2000b8;
	[tilespmem:$0x1D000] =	vst v63  }
0xe2: {  	_ =	swait.ge [sflag:s21], $0x4000  }
0xe3: {  	[sflag:s21] =	ssyncset.done $0x0  }
0xe4: {  	s10 =	rddreg [dreg:$0x8];
	[sflag:s21] =	ssyncadd.s32 $0xFFFFC000  }
0xe5: {  	[tilespmem:s17], [sflag:$0x2] =	stream.indirect.gather [hbm4b:s2+s16], $0x80, s10, s16, $0x2000b8;
	[tilespmem:$0x1D000] =	vst v63  }
0xe6: {  	_ =	swait.ge [sflag:s18], $0x4000  }
0xe7: {  	[sflag:s18] =	ssyncset.done $0x0  }
0xe8: {  	s10 =	rddreg [dreg:$0x9];
	[sflag:s18] =	ssyncadd.s32 $0xFFFFC000  }
0xe9: {  	[spmem:s3] =	stream.indirect.scatter.add.f32 [tilespmem:s13], [sflag:$0x3], $0x80, s10, s16, $0x2000b8;
	[tilespmem:$0x1D000] =	vst v63  }
0xea: {  	_ =	swait.ge [sflag:s19], $0x4000  }
0xeb: {  	[sflag:s19] =	ssyncset.done $0x0  }
0xec: {  	s10 =	rddreg [dreg:$0xa];
	[sflag:s19] =	ssyncadd.s32 $0xFFFFC000  }
0xed: {  	[tilespmem:s13], [sflag:$0x1] =	stream.indirect.gather [hbm4b:s2+s16], $0x80, s10, s16, $0x2000b8;
	[tilespmem:$0x1D000] =	vst v63  }
0xee: {  	_ =	swait.ge [sflag:s20], $0x4000  }
0xef: {  	[sflag:s20] =	ssyncset.done $0x0  }
0xf0: {  	s10 =	rddreg [dreg:$0xb];
	[sflag:s20] =	ssyncadd.s32 $0xFFFFC000  }
0xf1: {  	[spmem:s3] =	stream.indirect.scatter.add.f32 [tilespmem:s17], [sflag:$0x4], $0x80, s10, s16, $0x2000b8;
	[tilespmem:$0x1D000] =	vst v63  }
0xf2: {  	_ =	swait.ge [sflag:s21], $0x4000  }
0xf3: {  	[sflag:s21] =	ssyncset.done $0x0  }
0xf4: {  	s10 =	rddreg [dreg:$0xc];
	[sflag:s21] =	ssyncadd.s32 $0xFFFFC000  }
0xf5: {  	[tilespmem:s17], [sflag:$0x2] =	stream.indirect.gather [hbm4b:s2+s16], $0x80, s10, s16, $0x2000b8;
	[tilespmem:$0x1D000] =	vst v63  }
0xf6: {  	_ =	swait.ge [sflag:s18], $0x4000  }
0xf7: {  	[sflag:s18] =	ssyncset.done $0x0  }
0xf8: {  	s10 =	rddreg [dreg:$0xd];
	[sflag:s18] =	ssyncadd.s32 $0xFFFFC000  }
0xf9: {  	[spmem:s3] =	stream.indirect.scatter.add.f32 [tilespmem:s13], [sflag:$0x3], $0x80, s10, s16, $0x2000b8;
	[tilespmem:$0x1D000] =	vst v63  }
0xfa: {  	_ =	swait.ge [sflag:s19], $0x4000  }
0xfb: {  	[sflag:s19] =	ssyncset.done $0x0  }
0xfc: {  	s10 =	rddreg [dreg:$0xe];
	[sflag:s19] =	ssyncadd.s32 $0xFFFFC000  }
0xfd: {  	[tilespmem:s13], [sflag:$0x1] =	stream.indirect.gather [hbm4b:s2+s16], $0x80, s10, s16, $0x2000b8;
	[tilespmem:$0x1D000] =	vst v63  }
0xfe: {  	_ =	swait.ge [sflag:s20], $0x4000  }
0xff: {  	[sflag:s20] =	ssyncset.done $0x0  }
0x100: {  	s10 =	rddreg [dreg:$0xf];
	[sflag:s20] =	ssyncadd.s32 $0xFFFFC000  }
0x101: {  	[spmem:s3] =	stream.indirect.scatter.add.f32 [tilespmem:s17], [sflag:$0x4], $0x80, s10, s16, $0x2000b8;
	[tilespmem:$0x1D000] =	vst v63  }
0x102: {  	_ =	swait.ge [sflag:s21], $0x4000  }
0x103: {  	[sflag:s21] =	ssyncset.done $0x0  }
0x104: {  	s10 =	rddreg [dreg:$0x10];
	[sflag:s21] =	ssyncadd.s32 $0xFFFFC000  }
0x105: {  	[tilespmem:s17], [sflag:$0x2] =	stream.indirect.gather [hbm4b:s2+s16], $0x80, s10, s16, $0x2000b8;
	[tilespmem:$0x1D000] =	vst v63  }
0x106: {  	_ =	swait.ge [sflag:s18], $0x4000  }
0x107: {  	[sflag:s18] =	ssyncset.done $0x0  }
0x108: {  	s10 =	rddreg [dreg:$0x11];
	[sflag:s18] =	ssyncadd.s32 $0xFFFFC000  }
0x109: {  	[spmem:s3] =	stream.indirect.scatter.add.f32 [tilespmem:s13], [sflag:$0x3], $0x80, s10, s16, $0x2000b8;
	[tilespmem:$0x1D000] =	vst v63  }
0x10a: {  	_ =	swait.ge [sflag:s19], $0x4000  }
0x10b: {  	[sflag:s19] =	ssyncset.done $0x0  }
0x10c: {  	s10 =	rddreg [dreg:$0x12];
	[sflag:s19] =	ssyncadd.s32 $0xFFFFC000  }
0x10d: {  	[tilespmem:s13], [sflag:$0x1] =	stream.indirect.gather [hbm4b:s2+s16], $0x80, s10, s16, $0x2000b8;
	[tilespmem:$0x1D000] =	vst v63  }
0x10e: {  	_ =	swait.ge [sflag:s20], $0x4000  }
0x10f: {  	[sflag:s20] =	ssyncset.done $0x0  }
0x110: {  	s10 =	rddreg [dreg:$0x13];
	[sflag:s20] =	ssyncadd.s32 $0xFFFFC000  }
0x111: {  	[spmem:s3] =	stream.indirect.scatter.add.f32 [tilespmem:s17], [sflag:$0x4], $0x80, s10, s16, $0x2000b8;
	[tilespmem:$0x1D000] =	vst v63  }
0x112: {  	_ =	swait.ge [sflag:s21], $0x4000  }
0x113: {  	[sflag:s21] =	ssyncset.done $0x0  }
0x114: {  	[sflag:s21] =	ssyncadd.s32 $0xFFFFC000  }
0x115: {  	[tilespmem:s17], [sflag:$0x2] =	stream.indirect.gather [hbm4b:s2+s16], $0x80, s22, s16, $0x2000b8;
	[tilespmem:$0x1D000] =	vst v63  }
0x116: {  	_ =	swait.ge [sflag:s18], $0x4000  }
0x117: {  	[sflag:s18] =	ssyncset.done $0x0  }
0x118: {  	[sflag:s18] =	ssyncadd.s32 $0xFFFFC000  }
0x119: {  	[spmem:s3] =	stream.indirect.scatter.add.f32 [tilespmem:s13], [sflag:$0x3], $0x80, s23, s16, $0x2000b8;
	[tilespmem:$0x1D000] =	vst v63  }
0x11a: {  	_ =	swait.ge [sflag:s19], $0x4000  }
0x11b: {  	[sflag:s19] =	ssyncset.done $0x0  }
0x11c: {  	[sflag:s19] =	ssyncadd.s32 $0xFFFFC000  }
0x11d: {  	[tilespmem:s13], [sflag:$0x1] =	stream.indirect.gather [hbm4b:s2+s16], $0x80, s24, s16, $0x2000b8;
	[tilespmem:$0x1D000] =	vst v63  }
0x11e: {  	_ =	swait.ge [sflag:s20], $0x4000  }
0x11f: {  	[sflag:s20] =	ssyncset.done $0x0  }
0x120: {  	[sflag:s20] =	ssyncadd.s32 $0xFFFFC000  }
0x121: {  	[spmem:s3] =	stream.indirect.scatter.add.f32 [tilespmem:s17], [sflag:$0x4], $0x80, s25, s16, $0x2000b8;
	[tilespmem:$0x1D000] =	vst v63  }
0x122: {  	_ =	swait.ge [sflag:s21], $0x4000  }
0x123: {  	[sflag:s21] =	ssyncset.done $0x0  }
0x124: {  	[sflag:s21] =	ssyncadd.s32 $0xFFFFC000  }
0x125: {  	[tilespmem:s17], [sflag:$0x2] =	stream.indirect.gather [hbm4b:s2+s16], $0x80, s26, s16, $0x2000b8;
	[tilespmem:$0x1D000] =	vst v63  }
0x126: {  	_ =	swait.ge [sflag:s18], $0x4000  }
0x127: {  	[sflag:s18] =	ssyncset.done $0x0  }
0x128: {  	[sflag:s18] =	ssyncadd.s32 $0xFFFFC000  }
0x129: {  	[spmem:s3] =	stream.indirect.scatter.add.f32 [tilespmem:s13], [sflag:$0x3], $0x80, s28, s16, $0x2000b8;
	[tilespmem:$0x1D000] =	vst v63  }
0x12a: {  	_ =	swait.ge [sflag:s19], $0x4000  }
0x12b: {  	[sflag:s19] =	ssyncset.done $0x0  }
0x12c: {  	[sflag:s19] =	ssyncadd.s32 $0xFFFFC000  }
0x12d: {  	[tilespmem:s13], [sflag:$0x1] =	stream.indirect.gather [hbm4b:s2+s16], $0x80, s29, s16, $0x2000b8;
	[tilespmem:$0x1D000] =	vst v63  }
0x12e: {  	_ =	swait.ge [sflag:s20], $0x4000  }
0x12f: {  	[sflag:s20] =	ssyncset.done $0x0  }
0x130: {  	[sflag:s20] =	ssyncadd.s32 $0xFFFFC000  }
0x131: {  	[spmem:s3] =	stream.indirect.scatter.add.f32 [tilespmem:s17], [sflag:$0x4], $0x80, s30, s16, $0x2000b8;
	[tilespmem:$0x1D000] =	vst v63  }
0x132: {  	_ =	swait.ge [sflag:s21], $0x4000  }
0x133: {  	[sflag:s21] =	ssyncset.done $0x0  }
0x134: {  	[sflag:s21] =	ssyncadd.s32 $0xFFFFC000  }
0x135: {  	[tilespmem:s17], [sflag:$0x2] =	stream.indirect.gather [hbm4b:s2+s16], $0x80, s31, s16, $0x2000b8;
	[tilespmem:$0x1D000] =	vst v63  }
0x136: {  	_ =	swait.ge [sflag:s18], $0x4000  }
0x137: {  	[sflag:s18] =	ssyncset.done $0x0  }
0x138: {  	[sflag:s18] =	ssyncadd.s32 $0xFFFFC000  }
0x139: {  	[spmem:s3] =	stream.indirect.scatter.add.f32 [tilespmem:s13], [sflag:$0x3], $0x80, s1, s16, $0x2000b8;
	[tilespmem:$0x1D000] =	vst v63  }
0x13a: {  	_ =	swait.ge [sflag:s19], $0x4000  }
0x13b: {  	[sflag:s19] =	ssyncset.done $0x0  }
0x13c: {  	[sflag:s19] =	ssyncadd.s32 $0xFFFFC000  }
0x13d: {  	[tilespmem:s13], [sflag:$0x1] =	stream.indirect.gather [hbm4b:s2+s16], $0x80, s0, s16, $0x2000b8;
	[tilespmem:$0x1D000] =	vst v63  }
0x13e: {  	_ =	swait.ge [sflag:s20], $0x4000  }
0x13f: {  	[sflag:s20] =	ssyncset.done $0x0  }
0x140: {  	[sflag:s20] =	ssyncadd.s32 $0xFFFFC000  }
0x141: {  	[spmem:s3] =	stream.indirect.scatter.add.f32 [tilespmem:s17], [sflag:$0x4], $0x80, s5, s16, $0x2000b8;
	[tilespmem:$0x1D000] =	vst v63  }
0x142: {  	_ =	swait.ge [sflag:s21], $0x4000  }
0x143: {  	[sflag:s21] =	ssyncset.done $0x0  }
0x144: {  	[sflag:s21] =	ssyncadd.s32 $0xFFFFC000  }
0x145: {  	[tilespmem:s17], [sflag:$0x2] =	stream.indirect.gather [hbm4b:s2+s16], $0x80, s7, s16, $0x2000b8;
	[tilespmem:$0x1D000] =	vst v63  }
0x146: {  	_ =	swait.ge [sflag:s18], $0x4000  }
0x147: {  	[sflag:s18] =	ssyncset.done $0x0  }
0x148: {  	[sflag:s18] =	ssyncadd.s32 $0xFFFFC000  }
0x149: {  	[spmem:s3] =	stream.indirect.scatter.add.f32 [tilespmem:s13], [sflag:$0x3], $0x80, s8, s16, $0x2000b8;
	[tilespmem:$0x1D000] =	vst v63  }
0x14a: {  	_ =	swait.ge [sflag:s20], $0x4000  }
0x14b: {  	[sflag:s20] =	ssyncset.done $0x0  }
0x14c: {  	p0 =	sne.s32 s12, $0x400;
	[sflag:s20] =	ssyncadd.s32 $0xFFFFC000  }
0x14d: {  	[spmem:s3] =	stream.indirect.scatter.add.f32 [tilespmem:s17], [sflag:$0x4], $0x80, s9, s16, $0x2000b8;
	[tilespmem:$0x1D000] =	vst v63  }
.Ltmp0:
0x14e: {  	_ =	swait.ge [sflag:s19], $0x4000;
	(pc) =	sbr.rel @p0 .LBB2_2-.Ltmp0, $4  }
0x14f: {  	[sflag:s19] =	ssyncset.done $0x0  }
0x150: {  	[sflag:s19] =	ssyncadd.s32 $0xFFFFC000  }
0x151: {  	_ =	swait.ge [sflag:s21], $0x4000  }
0x152: {  	s12 =	sadd.s32 $0x100, s12;
	s6 =	rddreg [dreg:$0x5];
	[sflag:s21] =	ssyncset.done $0x0  }
0x153: {  	[sflag:s21] =	ssyncadd.s32 $0xFFFFC000;
	s6 =	sadd.s32 s11, s6  }
0x154: {  	[tilespmem:s4], [sflag:$0x5] =	stream.linear.gather [hbm4b:s6+s4], $0x800, $0x200038;
	[tilespmem:$0x1D000] =	vst v63  }
0x155: {  	_ =	swait.ge [sflag:s14], $0x800  }
0x156: {  	s12 =	rddreg [dreg:$0x4];
	[sflag:s14] =	ssyncset.done $0x0  }
0x157: {  	[sflag:s14] =	ssyncadd.s32 $0xFFFFF800;
	s6 =	sadd.s32 s11, s12  }
0x158: {  	[tilespmem:s15], [sflag:$0x5] =	stream.linear.gather [hbm4b:s6+s4], $0x800, $0x200038;
	[tilespmem:$0x1D000] =	vst v63  }
0x159: {  	_ =	swait.ge [sflag:s14], $0x800  }
0x15a: {  	[sflag:s14] =	ssyncset.done $0x0  }
0x15b: {  	[sflag:s14] =	ssyncadd.s32 $0xFFFFF800  }
0x15c: {  	[tilespmem:s13], [sflag:$0x1] =	stream.indirect.gather [hbm4b:s2+s16], $0x80, s4, s16, $0x2000b8;
	[tilespmem:$0x1D000] =	vst v63  }
0x15d: {  	_ = 	snop  }
0x15e: {  	[tilespmem:s17], [sflag:$0x2] =	stream.indirect.gather [hbm4b:s2+s16], $0x80, s16, s16, $0x2000b8;
	[tilespmem:$0x1D000] =	vst v63  }
0x15f: {  	_ =	swait.ge [sflag:s18], $0x4000  }
0x160: {  	[sflag:s18] =	ssyncset.done $0x0  }
0x161: {  	[sflag:s18] =	ssyncadd.s32 $0xFFFFC000  }
0x162: {  	[spmem:s3] =	stream.indirect.scatter.add.f32 [tilespmem:s13], [sflag:$0x3], $0x80, s15, s16, $0x2000b8;
	[tilespmem:$0x1D000] =	vst v63  }
0x163: {  	_ =	swait.ge [sflag:s19], $0x4000  }
0x164: {  	[sflag:s19] =	ssyncset.done $0x0  }
0x165: {  	s10 =	rddreg [dreg:$0x6];
	[sflag:s19] =	ssyncadd.s32 $0xFFFFC000  }
0x166: {  	[tilespmem:s13], [sflag:$0x1] =	stream.indirect.gather [hbm4b:s2+s16], $0x80, s10, s16, $0x2000b8;
	[tilespmem:$0x1D000] =	vst v63  }
0x167: {  	_ =	swait.ge [sflag:s20], $0x4000  }
0x168: {  	[sflag:s20] =	ssyncset.done $0x0  }
0x169: {  	s11 =	rddreg [dreg:$0x7];
	[sflag:s20] =	ssyncadd.s32 $0xFFFFC000  }
0x16a: {  	[spmem:s3] =	stream.indirect.scatter.add.f32 [tilespmem:s17], [sflag:$0x4], $0x80, s11, s16, $0x2000b8;
	[tilespmem:$0x1D000] =	vst v63  }
0x16b: {  	_ =	swait.ge [sflag:s21], $0x4000  }
0x16c: {  	[sflag:s21] =	ssyncset.done $0x0  }
0x16d: {  	s12 =	rddreg [dreg:$0x8];
	[sflag:s21] =	ssyncadd.s32 $0xFFFFC000  }
0x16e: {  	[tilespmem:s17], [sflag:$0x2] =	stream.indirect.gather [hbm4b:s2+s16], $0x80, s12, s16, $0x2000b8;
	[tilespmem:$0x1D000] =	vst v63  }
0x16f: {  	_ =	swait.ge [sflag:s18], $0x4000  }
0x170: {  	[sflag:s18] =	ssyncset.done $0x0  }
0x171: {  	s10 =	rddreg [dreg:$0x9];
	[sflag:s18] =	ssyncadd.s32 $0xFFFFC000  }
0x172: {  	[spmem:s3] =	stream.indirect.scatter.add.f32 [tilespmem:s13], [sflag:$0x3], $0x80, s10, s16, $0x2000b8;
	[tilespmem:$0x1D000] =	vst v63  }
0x173: {  	_ =	swait.ge [sflag:s19], $0x4000  }
0x174: {  	[sflag:s19] =	ssyncset.done $0x0  }
0x175: {  	s11 =	rddreg [dreg:$0xa];
	[sflag:s19] =	ssyncadd.s32 $0xFFFFC000  }
0x176: {  	[tilespmem:s13], [sflag:$0x1] =	stream.indirect.gather [hbm4b:s2+s16], $0x80, s11, s16, $0x2000b8;
	[tilespmem:$0x1D000] =	vst v63  }
0x177: {  	_ =	swait.ge [sflag:s20], $0x4000  }
0x178: {  	[sflag:s20] =	ssyncset.done $0x0  }
0x179: {  	s12 =	rddreg [dreg:$0xb];
	[sflag:s20] =	ssyncadd.s32 $0xFFFFC000  }
0x17a: {  	[spmem:s3] =	stream.indirect.scatter.add.f32 [tilespmem:s17], [sflag:$0x4], $0x80, s12, s16, $0x2000b8;
	[tilespmem:$0x1D000] =	vst v63  }
0x17b: {  	_ =	swait.ge [sflag:s21], $0x4000  }
0x17c: {  	[sflag:s21] =	ssyncset.done $0x0  }
0x17d: {  	s10 =	rddreg [dreg:$0xc];
	[sflag:s21] =	ssyncadd.s32 $0xFFFFC000  }
0x17e: {  	[tilespmem:s17], [sflag:$0x2] =	stream.indirect.gather [hbm4b:s2+s16], $0x80, s10, s16, $0x2000b8;
	[tilespmem:$0x1D000] =	vst v63  }
0x17f: {  	_ =	swait.ge [sflag:s18], $0x4000  }
0x180: {  	[sflag:s18] =	ssyncset.done $0x0  }
0x181: {  	s11 =	rddreg [dreg:$0xd];
	[sflag:s18] =	ssyncadd.s32 $0xFFFFC000  }
0x182: {  	[spmem:s3] =	stream.indirect.scatter.add.f32 [tilespmem:s13], [sflag:$0x3], $0x80, s11, s16, $0x2000b8;
	[tilespmem:$0x1D000] =	vst v63  }
0x183: {  	_ =	swait.ge [sflag:s19], $0x4000  }
0x184: {  	[sflag:s19] =	ssyncset.done $0x0  }
0x185: {  	s12 =	rddreg [dreg:$0xe];
	[sflag:s19] =	ssyncadd.s32 $0xFFFFC000  }
0x186: {  	[tilespmem:s13], [sflag:$0x1] =	stream.indirect.gather [hbm4b:s2+s16], $0x80, s12, s16, $0x2000b8;
	[tilespmem:$0x1D000] =	vst v63  }
0x187: {  	_ =	swait.ge [sflag:s20], $0x4000  }
0x188: {  	[sflag:s20] =	ssyncset.done $0x0  }
0x189: {  	s10 =	rddreg [dreg:$0xf];
	[sflag:s20] =	ssyncadd.s32 $0xFFFFC000  }
0x18a: {  	[spmem:s3] =	stream.indirect.scatter.add.f32 [tilespmem:s17], [sflag:$0x4], $0x80, s10, s16, $0x2000b8;
	[tilespmem:$0x1D000] =	vst v63  }
0x18b: {  	_ =	swait.ge [sflag:s21], $0x4000  }
0x18c: {  	[sflag:s21] =	ssyncset.done $0x0  }
0x18d: {  	s11 =	rddreg [dreg:$0x10];
	[sflag:s21] =	ssyncadd.s32 $0xFFFFC000  }
0x18e: {  	[tilespmem:s17], [sflag:$0x2] =	stream.indirect.gather [hbm4b:s2+s16], $0x80, s11, s16, $0x2000b8;
	[tilespmem:$0x1D000] =	vst v63  }
0x18f: {  	_ =	swait.ge [sflag:s18], $0x4000  }
0x190: {  	[sflag:s18] =	ssyncset.done $0x0  }
0x191: {  	s12 =	rddreg [dreg:$0x11];
	[sflag:s18] =	ssyncadd.s32 $0xFFFFC000  }
0x192: {  	[spmem:s3] =	stream.indirect.scatter.add.f32 [tilespmem:s13], [sflag:$0x3], $0x80, s12, s16, $0x2000b8;
	[tilespmem:$0x1D000] =	vst v63  }
0x193: {  	_ =	swait.ge [sflag:s19], $0x4000  }
0x194: {  	[sflag:s19] =	ssyncset.done $0x0  }
0x195: {  	s10 =	rddreg [dreg:$0x12];
	[sflag:s19] =	ssyncadd.s32 $0xFFFFC000  }
0x196: {  	[tilespmem:s13], [sflag:$0x1] =	stream.indirect.gather [hbm4b:s2+s16], $0x80, s10, s16, $0x2000b8;
	[tilespmem:$0x1D000] =	vst v63  }
0x197: {  	_ =	swait.ge [sflag:s20], $0x4000  }
0x198: {  	[sflag:s20] =	ssyncset.done $0x0  }
0x199: {  	s11 =	rddreg [dreg:$0x13];
	[sflag:s20] =	ssyncadd.s32 $0xFFFFC000  }
0x19a: {  	[spmem:s3] =	stream.indirect.scatter.add.f32 [tilespmem:s17], [sflag:$0x4], $0x80, s11, s16, $0x2000b8;
	[tilespmem:$0x1D000] =	vst v63  }
0x19b: {  	_ =	swait.ge [sflag:s21], $0x4000  }
0x19c: {  	[sflag:s21] =	ssyncset.done $0x0  }
0x19d: {  	[sflag:s21] =	ssyncadd.s32 $0xFFFFC000  }
0x19e: {  	[tilespmem:s17], [sflag:$0x2] =	stream.indirect.gather [hbm4b:s2+s16], $0x80, s22, s16, $0x2000b8;
	[tilespmem:$0x1D000] =	vst v63  }
0x19f: {  	_ =	swait.ge [sflag:s18], $0x4000  }
0x1a0: {  	[sflag:s18] =	ssyncset.done $0x0  }
0x1a1: {  	[sflag:s18] =	ssyncadd.s32 $0xFFFFC000  }
0x1a2: {  	[spmem:s3] =	stream.indirect.scatter.add.f32 [tilespmem:s13], [sflag:$0x3], $0x80, s23, s16, $0x2000b8;
	[tilespmem:$0x1D000] =	vst v63  }
0x1a3: {  	_ =	swait.ge [sflag:s19], $0x4000  }
0x1a4: {  	[sflag:s19] =	ssyncset.done $0x0  }
0x1a5: {  	[sflag:s19] =	ssyncadd.s32 $0xFFFFC000  }
0x1a6: {  	[tilespmem:s13], [sflag:$0x1] =	stream.indirect.gather [hbm4b:s2+s16], $0x80, s24, s16, $0x2000b8;
	[tilespmem:$0x1D000] =	vst v63  }
0x1a7: {  	_ =	swait.ge [sflag:s20], $0x4000  }
0x1a8: {  	[sflag:s20] =	ssyncset.done $0x0  }
0x1a9: {  	[sflag:s20] =	ssyncadd.s32 $0xFFFFC000  }
0x1aa: {  	[spmem:s3] =	stream.indirect.scatter.add.f32 [tilespmem:s17], [sflag:$0x4], $0x80, s25, s16, $0x2000b8;
	[tilespmem:$0x1D000] =	vst v63  }
0x1ab: {  	_ =	swait.ge [sflag:s21], $0x4000  }
0x1ac: {  	[sflag:s21] =	ssyncset.done $0x0  }
0x1ad: {  	[sflag:s21] =	ssyncadd.s32 $0xFFFFC000  }
0x1ae: {  	[tilespmem:s17], [sflag:$0x2] =	stream.indirect.gather [hbm4b:s2+s16], $0x80, s26, s16, $0x2000b8;
	[tilespmem:$0x1D000] =	vst v63  }
0x1af: {  	_ =	swait.ge [sflag:s18], $0x4000  }
0x1b0: {  	[sflag:s18] =	ssyncset.done $0x0  }
0x1b1: {  	[sflag:s18] =	ssyncadd.s32 $0xFFFFC000  }
0x1b2: {  	[spmem:s3] =	stream.indirect.scatter.add.f32 [tilespmem:s13], [sflag:$0x3], $0x80, s28, s16, $0x2000b8;
	[tilespmem:$0x1D000] =	vst v63  }
0x1b3: {  	_ =	swait.ge [sflag:s19], $0x4000  }
0x1b4: {  	[sflag:s19] =	ssyncset.done $0x0  }
0x1b5: {  	[sflag:s19] =	ssyncadd.s32 $0xFFFFC000  }
0x1b6: {  	[tilespmem:s13], [sflag:$0x1] =	stream.indirect.gather [hbm4b:s2+s16], $0x80, s29, s16, $0x2000b8;
	[tilespmem:$0x1D000] =	vst v63  }
0x1b7: {  	_ =	swait.ge [sflag:s20], $0x4000  }
0x1b8: {  	[sflag:s20] =	ssyncset.done $0x0  }
0x1b9: {  	[sflag:s20] =	ssyncadd.s32 $0xFFFFC000  }
0x1ba: {  	[spmem:s3] =	stream.indirect.scatter.add.f32 [tilespmem:s17], [sflag:$0x4], $0x80, s30, s16, $0x2000b8;
	[tilespmem:$0x1D000] =	vst v63  }
0x1bb: {  	_ =	swait.ge [sflag:s21], $0x4000  }
0x1bc: {  	[sflag:s21] =	ssyncset.done $0x0  }
0x1bd: {  	[sflag:s21] =	ssyncadd.s32 $0xFFFFC000  }
0x1be: {  	[tilespmem:s17], [sflag:$0x2] =	stream.indirect.gather [hbm4b:s2+s16], $0x80, s31, s16, $0x2000b8;
	[tilespmem:$0x1D000] =	vst v63  }
0x1bf: {  	_ =	swait.ge [sflag:s18], $0x4000  }
0x1c0: {  	[sflag:s18] =	ssyncset.done $0x0  }
0x1c1: {  	[sflag:s18] =	ssyncadd.s32 $0xFFFFC000  }
0x1c2: {  	[spmem:s3] =	stream.indirect.scatter.add.f32 [tilespmem:s13], [sflag:$0x3], $0x80, s1, s16, $0x2000b8;
	[tilespmem:$0x1D000] =	vst v63  }
0x1c3: {  	_ =	swait.ge [sflag:s19], $0x4000  }
0x1c4: {  	[sflag:s19] =	ssyncset.done $0x0  }
0x1c5: {  	[sflag:s19] =	ssyncadd.s32 $0xFFFFC000  }
0x1c6: {  	[tilespmem:s13], [sflag:$0x1] =	stream.indirect.gather [hbm4b:s2+s16], $0x80, s0, s16, $0x2000b8;
	[tilespmem:$0x1D000] =	vst v63  }
0x1c7: {  	_ =	swait.ge [sflag:s20], $0x4000  }
0x1c8: {  	[sflag:s20] =	ssyncset.done $0x0  }
0x1c9: {  	[sflag:s20] =	ssyncadd.s32 $0xFFFFC000  }
0x1ca: {  	[spmem:s3] =	stream.indirect.scatter.add.f32 [tilespmem:s17], [sflag:$0x4], $0x80, s5, s16, $0x2000b8;
	[tilespmem:$0x1D000] =	vst v63  }
0x1cb: {  	_ =	swait.ge [sflag:s21], $0x4000  }
0x1cc: {  	[sflag:s21] =	ssyncset.done $0x0  }
0x1cd: {  	[sflag:s21] =	ssyncadd.s32 $0xFFFFC000  }
0x1ce: {  	[tilespmem:s17], [sflag:$0x2] =	stream.indirect.gather [hbm4b:s2+s16], $0x80, s7, s16, $0x2000b8;
	[tilespmem:$0x1D000] =	vst v63  }
0x1cf: {  	_ =	swait.ge [sflag:s18], $0x4000  }
0x1d0: {  	[sflag:s18] =	ssyncset.done $0x0  }
0x1d1: {  	[sflag:s18] =	ssyncadd.s32 $0xFFFFC000  }
0x1d2: {  	[spmem:s3] =	stream.indirect.scatter.add.f32 [tilespmem:s13], [sflag:$0x3], $0x80, s8, s16, $0x2000b8;
	[tilespmem:$0x1D000] =	vst v63  }
0x1d3: {  	_ =	swait.ge [sflag:s20], $0x4000  }
0x1d4: {  	[sflag:s20] =	ssyncset.done $0x0  }
0x1d5: {  	[sflag:s20] =	ssyncadd.s32 $0xFFFFC000  }
0x1d6: {  	[spmem:s3] =	stream.indirect.scatter.add.f32 [tilespmem:s17], [sflag:$0x4], $0x80, s9, s16, $0x2000b8;
	[tilespmem:$0x1D000] =	vst v63  }
0x1d7: {  	_ =	swait.ge [sflag:s19], $0x4000  }
0x1d8: {  	[sflag:s19] =	ssyncset.done $0x0  }
0x1d9: {  	[sflag:s19] =	ssyncadd.s32 $0xFFFFC000  }
0x1da: {  	_ =	swait.ge [sflag:s21], $0x4000  }
0x1db: {  	[sflag:s21] =	ssyncset.done $0x0  }
0x1dc: {  	[sflag:s21] =	ssyncadd.s32 $0xFFFFC000  }
0x1dd: {  	[bflag:$0x0] =	sbarrier.arrive $0xFFFF  }
0x1de: {  	_ =	strace $0x90000049  }
0x1df: {  	s12 =	stileid.u32;
	_ =	strace $0x8000004A  }
0x1e0: {  	s6 =	sshll.u32 s12, $0x6;
	s11 =	rddreg [dreg:$0x15]  }
0x1e1: {  	s6 =	sor.u32 $0x1C05, s6;
	s12 =	rddreg [dreg:$0x1b];
	s10 =	sshrl.u32 s11, $0x3  }
0x1e2: {  	[hbm:s12], [sflag:s6] =	dma.local [spmem:s10], $0x2800  }
0x1e3: {  	_ =	swait.ge [sflag:s14], $0x2800  }
0x1e4: {  	s6 =	rddreg [dreg:$0x1c]  }
0x1e5: {  	s12 =	rddreg [dreg:$0x16];
	s10 =	sadd.s32 $0x1, s6  }
0x1e6: {  	p0 =	sne.s32 s10, s12  }
.Ltmp1:
0x1e7: {  	_ = 	snop;
	(pc) =	sbr.rel @p0 .LBB2_1-.Ltmp1, $4  }
0x1e8: {  	_ = 	snop  }
0x1e9: {  	[sflag:s14] =	ssyncset.done $0x0  }
0x1ea: {  	[sflag:s14] =	ssyncadd.s32 $0xFFFFD800  }
0x1eb: {  	_ =	strace $0x9000004A  }
0x1ec: {  	_ =	sfence.sel $0x180000  }
0x1ed: {  	[bflag:$0x0] =	sbarrier.arrive $0xFFFF  }
0x1ee: {  	_ =	strace $0x90000047  }
0x1ef: {  	s0 =	stileid.u32;
	[bflag:$0x2] =	sbarrier.arrive $0xFFFF  }
0x1f0: {  	p0 =	sne.s32 s0, $0x0;
	s0 =	rddreg [dreg:$0x3]  }
0x1f1: {  	s0 =	sadd.s32 @!p0 $0x100000, s0  }
0x1f2: {  	[sflag:s0] =	ssyncadd.tile.s32 @!p0 $0x1;
	_ =	shalt  }
.Lfunc_end2:
_tile_overlayer_lowered:
.L_overlay_start_2:
0x1f3: {  	(tag) =	ssettag $0x2  }
0x1f4: {  	s0 =	rddreg [dreg:$0x0];
	s2 =	stileid.u32  }
0x1f5: {  	s1 =	rddreg [dreg:$0x1];
	p0 =	sne.s32 s2, $0x0  }
0x1f6: {  	s3 =	rddreg [dreg:$0x2];
	[bflag:$0x3] =	sbarrier.arrive $0xFFFF;
	s2 =	simm.s32 @!p0 $0x1C05  }
0x1f7: {  	[timem:s3], [sflag:s2] =	dma.local @!p0 [hbm:s0], s1  }
0x1f8: {  	s0 =	simm.s32 @!p0 $0x5  }
0x1f9: {  	_ =	swait.ge @!p0 [sflag:s0], s1  }
0x1fa: {  	s1 =	ssub.s32 @!p0 $0x0, s1;
	[sflag:s0] =	ssyncset.done @!p0 $0x0  }
0x1fb: {  	[sflag:s0] =	ssyncadd.s32 @!p0 s1  }
0x1fc: {  	[bflag:$0x3] =	sbarrier.arrive $0xFFFF  }
0x1fd: {  	_ =	shalt  }

</sc_bundles>
